<compile_context>
chip_gen: v7x
topology: tpu7x:2x2x1
jax: 0.10.2.dev20260603
libtpu: 0.0.44.dev20260713+nightly
codegen_flags: <defaults>
</compile_context>

<pallas_src>
import functools

import jax
import jax.numpy as jnp
from jax import lax
from jax.experimental import pallas as pl
from jax.experimental.pallas import tpu as pltpu
from jax.experimental.pallas import tpu_sc as plsc

_N = 10000
_E = 320000
_H = 64
_LANES = 128
_NSUB = 16
_NCORE = 2
_NT = _NSUB * _NCORE
_RP = 2560
_EP = _RP * _LANES
_RGT = _RP // _NT
_RST = _RP // _NSUB
_SL = 640
_NPAD = _SL * _NSUB


@functools.partial(
    pl.kernel,
    out_type=jax.ShapeDtypeStruct((_NPAD,), jnp.float32),
    mesh=plsc.VectorSubcoreMesh(core_axis_name="c", subcore_axis_name="s"),
    compiler_params=pltpu.CompilerParams(needs_layout_passes=False, use_tc_tiling_on_sc=False),
    scratch_types=[
        pltpu.VMEM((_RST, _LANES), jnp.int32),
        pltpu.VMEM((_RST, _LANES), jnp.float32),
        pltpu.VMEM((_SL,), jnp.float32),
        pltpu.VMEM_SHARED((_NPAD,), jnp.float32),
    ],
)
def _deg(col2d, ew2d, deg_out, colb, ewb, dbuf, deg_sp):
    c = lax.axis_index("c")
    s = lax.axis_index("s")

    def fill_ones(i, _):
        dbuf[pl.ds(i * 16, 16)] = jnp.full((16,), 1.0, jnp.float32)
        return _
    lax.fori_loop(0, _SL // 16, fill_ones, None)
    pltpu.sync_copy(dbuf, deg_sp.at[pl.ds(s * _SL, _SL)])
    plsc.subcore_barrier()

    pltpu.sync_copy(col2d.at[pl.ds(s * _RST, _RST)], colb)
    pltpu.sync_copy(ew2d.at[pl.ds(s * _RST, _RST)], ewb)

    def scat(j, _):
        pltpu.sync_copy(ewb.at[j], deg_sp.at[colb.at[j]], add=True)
        return _
    lax.fori_loop(0, _RST, scat, None)
    plsc.subcore_barrier()

    @pl.when(c == 0)
    def _w():
        pltpu.sync_copy(deg_sp.at[pl.ds(s * _SL, _SL)],
                        deg_out.at[pl.ds(s * _SL, _SL)])


@functools.partial(
    pl.kernel,
    out_type=jax.ShapeDtypeStruct((_NCORE, _NPAD, _H), jnp.float32),
    mesh=plsc.VectorSubcoreMesh(core_axis_name="c", subcore_axis_name="s"),
    compiler_params=pltpu.CompilerParams(needs_layout_passes=False, use_tc_tiling_on_sc=False),
    scratch_types=[
        pltpu.VMEM((_RGT, _LANES), jnp.int32),
        pltpu.VMEM((_RGT, _LANES), jnp.int32),
        pltpu.VMEM((_RGT, _LANES), jnp.float32),
        pltpu.VMEM((_NPAD,), jnp.float32),
        pltpu.VMEM((_LANES, _H), jnp.float32),
        pltpu.SemaphoreType.DMA,
        pltpu.VMEM_SHARED((_NPAD, _H), jnp.float32),
    ],
)
def _msg(y, row2d, col2d, ew2d, dinv, out,
         rowb, colb, ewb, dinv_full, gbuf, gsem, acc_sp):
    c = lax.axis_index("c")
    s = lax.axis_index("s")
    gid = c * _NSUB + s

    def z(i, _):
        for q in range(4):
            gbuf[i, pl.ds(q * 16, 16)] = jnp.zeros((16,), jnp.float32)
        return _
    lax.fori_loop(0, _LANES, z, None)
    for k in range(_SL // _LANES):
        pltpu.sync_copy(gbuf, acc_sp.at[pl.ds(s * _SL + k * _LANES, _LANES)])
    plsc.subcore_barrier()

    pltpu.sync_copy(dinv, dinv_full)
    pltpu.sync_copy(row2d.at[pl.ds(gid * _RGT, _RGT)], rowb)
    pltpu.sync_copy(col2d.at[pl.ds(gid * _RGT, _RGT)], colb)
    pltpu.sync_copy(ew2d.at[pl.ds(gid * _RGT, _RGT)], ewb)

    def row_body(j, _):
        pltpu.async_copy(y.at[rowb.at[j]], gbuf, gsem).wait()

        def g8(g, _2):
            r16 = rowb[j, pl.ds(g * 16, 16)]
            c16 = colb[j, pl.ds(g * 16, 16)]
            w16 = ewb[j, pl.ds(g * 16, 16)]
            a = plsc.load_gather(dinv_full, [r16])
            b = plsc.load_gather(dinv_full, [c16])
            n16 = a * w16 * b
            for e in range(16):
                sc_ = n16[e]
                base = g * 16 + e
                for q in range(4):
                    sl = pl.ds(q * 16, 16)
                    gbuf[base, sl] = gbuf[base, sl] * sc_
            return _2
        lax.fori_loop(0, 8, g8, None)
        pltpu.sync_copy(gbuf, acc_sp.at[colb.at[j]], add=True)
        return _
    lax.fori_loop(0, _RGT, row_body, None)
    plsc.subcore_barrier()
    pltpu.sync_copy(acc_sp.at[pl.ds(s * _SL, _SL)],
                    out.at[c, pl.ds(s * _SL, _SL)])


def _mm_body(x_ref, w_ref, o_ref):
    o_ref[...] = jnp.dot(x_ref[...], w_ref[...],
                         preferred_element_type=jnp.float32)


def _mm(x, w, bm):
    n, d = x.shape
    h = w.shape[1]
    return pl.pallas_call(
        _mm_body,
        grid=(n // bm,),
        in_specs=[pl.BlockSpec((bm, d), lambda i: (i, 0)),
                  pl.BlockSpec((d, h), lambda i: (0, 0))],
        out_specs=pl.BlockSpec((bm, h), lambda i: (i, 0)),
        out_shape=jax.ShapeDtypeStruct((n, h), jnp.float32),
    )(x, w)


def _dinv_body(deg_ref, o_ref):
    o_ref[...] = lax.rsqrt(deg_ref[...])


def _dinv_tc(deg2d):
    return pl.pallas_call(
        _dinv_body,
        out_shape=jax.ShapeDtypeStruct(deg2d.shape, jnp.float32),
    )(deg2d)


def _finish1_body(p0, p1, z1, dinv, b1, w2, o_ref):
    d = dinv[...]
    h = p0[...] + p1[...] + d * d * z1[...] + b1[...]
    h = jnp.maximum(h, 0.0)
    o_ref[...] = jnp.dot(h, w2[...], preferred_element_type=jnp.float32)


def _finish1(p0, p1, z1, dinv, b1, w2, bm):
    n, hdim = z1.shape
    cdim = w2.shape[1]
    return pl.pallas_call(
        _finish1_body,
        grid=(n // bm,),
        in_specs=[pl.BlockSpec((bm, hdim), lambda i: (i, 0)),
                  pl.BlockSpec((bm, hdim), lambda i: (i, 0)),
                  pl.BlockSpec((bm, hdim), lambda i: (i, 0)),
                  pl.BlockSpec((bm, 1), lambda i: (i, 0)),
                  pl.BlockSpec((1, hdim), lambda i: (0, 0)),
                  pl.BlockSpec((hdim, cdim), lambda i: (0, 0))],
        out_specs=pl.BlockSpec((bm, cdim), lambda i: (i, 0)),
        out_shape=jax.ShapeDtypeStruct((n, cdim), jnp.float32),
    )(p0, p1, z1, dinv, b1, w2)


def _finish2_body(p0, p1, z2, dinv, b2, o_ref):
    d = dinv[...]
    t = p0[...] + p1[...] + d * d * z2[...] + b2[...]
    m = jnp.max(t, axis=1, keepdims=True)
    e = jnp.exp(t - m)
    o_ref[...] = t - m - jnp.log(jnp.sum(e, axis=1, keepdims=True))


def _finish2(p0, p1, z2, dinv, b2, bm):
    n, cdim = z2.shape
    return pl.pallas_call(
        _finish2_body,
        grid=(n // bm,),
        in_specs=[pl.BlockSpec((bm, cdim), lambda i: (i, 0)),
                  pl.BlockSpec((bm, cdim), lambda i: (i, 0)),
                  pl.BlockSpec((bm, cdim), lambda i: (i, 0)),
                  pl.BlockSpec((bm, 1), lambda i: (i, 0)),
                  pl.BlockSpec((1, cdim), lambda i: (0, 0))],
        out_specs=pl.BlockSpec((bm, cdim), lambda i: (i, 0)),
        out_shape=jax.ShapeDtypeStruct((n, cdim), jnp.float32),
    )(p0, p1, z2, dinv, b2)


def kernel(x, edge_index, edge_weight, W1, b1, W2, b2):
    pad = _EP - _E
    row2d = jnp.pad(edge_index[0], (0, pad)).reshape(_RP, _LANES)
    col2d = jnp.pad(edge_index[1], (0, pad)).reshape(_RP, _LANES)
    ew2d = jnp.pad(edge_weight, (0, pad)).reshape(_RP, _LANES)

    z1 = _mm(x, W1, 1000)
    deg_pad = _deg(col2d, ew2d)
    dinv_pad = _dinv_tc(deg_pad.reshape(80, 128)).reshape(_NPAD)
    p1 = _msg(z1, row2d, col2d, ew2d, dinv_pad)
    dinv = dinv_pad[:_N].reshape(_N, 1)
    z2 = _finish1(p1[0, :_N], p1[1, :_N], z1, dinv,
                  b1.reshape(1, -1), W2, 1000)
    p2 = _msg(z2, row2d, col2d, ew2d, dinv_pad)
    return _finish2(p2[0, :_N], p2[1, :_N], z2, dinv,
                    b2.reshape(1, -1), 1000)

# --- scband reference (transcript-rebuilt; emitter-appended) ---
"""Pipeline reference for scband-gcn-60129542144596 (READ-ONLY COPY).

The authoritative reference and input builder live on the scoring server;
editing this copy changes nothing except your own understanding.
"""

import jax, jax.numpy as jnp
import numpy as np

N = 10000
E = 320000
D = 128
H = 64
C = 64

def setup_inputs(seed: int = 0) -> dict:
    key = jax.random.key(seed)
    ks = jax.random.split(key, 8)
    x = jax.random.normal(ks[0], (N, D), dtype=jnp.float32)
    edge_index = jax.random.randint(ks[1], (2, E), 0, N, dtype=jnp.int32)
    edge_weight = jax.random.uniform(ks[2], (E,), dtype=jnp.float32)
    W1 = jax.random.normal(ks[3], (D, H), dtype=jnp.float32) * (1.0 / np.sqrt(D))
    b1 = jnp.zeros((H,), dtype=jnp.float32)
    W2 = jax.random.normal(ks[4], (H, C), dtype=jnp.float32) * (1.0 / np.sqrt(H))
    b2 = jnp.zeros((C,), dtype=jnp.float32)
    return {"x": x, "edge_index": edge_index, "edge_weight": edge_weight,
            "W1": W1, "b1": b1, "W2": W2, "b2": b2}

def _gcn_layer(x, row, col, ew, W, b):
    # linear transform (GCNConv lin, bias separate)
    xw = x @ W
    # add self loops with weight 1.0
    loop = jnp.arange(N, dtype=row.dtype)
    row2 = jnp.concatenate([row, loop])
    col2 = jnp.concatenate([col, loop])
    ew2 = jnp.concatenate([ew, jnp.ones((N,), dtype=ew.dtype)])
    # symmetric gcn normalization
    deg = jax.ops.segment_sum(ew2, col2, num_segments=N)
    dinv = jnp.where(deg > 0, jax.lax.rsqrt(deg), 0.0)
    norm = dinv[row2] * ew2 * dinv[col2]
    # message = norm * x_j (gather from source), aggregate sum at target
    msg = jnp.take(xw, row2, axis=0) * norm[:, None]
    out = jax.ops.segment_sum(msg, col2, num_segments=N)
    return out + b

def reference(x, edge_index, edge_weight, W1, b1, W2, b2):
    row = edge_index[0]
    col = edge_index[1]
    h = _gcn_layer(x, row, col, edge_weight, W1, b1)
    h = jax.nn.relu(h)
    # dropout p=0.0 -> identity (eval)
    out = _gcn_layer(h, row, col, edge_weight, W2, b2)
    return jax.nn.log_softmax(out, axis=1)

if __name__ == "__main__":
    import jax
    _d = setup_inputs()
    print(jax.jit(kernel)(*tuple(_d.values())))

</pallas_src>

<mosaic_0001>
#map = affine_map<(d0, d1) -> (0, 0)>
#map1 = affine_map<(d0, d1) -> (0)>
module attributes {stable_mosaic.version = 14 : i64} {
  func.func @_deg(%arg0: i32, %arg1: i32, %arg2: memref<2560x128xi32, #tpu.memory_space<hbm>>, %arg3: memref<2560x128xf32, #tpu.memory_space<hbm>>, %arg4: memref<10240xf32, #tpu.memory_space<hbm>>, %arg5: memref<160x128xi32, #tpu.memory_space<vmem>>, %arg6: memref<160x128xf32, #tpu.memory_space<vmem>>, %arg7: memref<640xf32, #tpu.memory_space<vmem>>, %arg8: memref<10240xf32, #tpu.memory_space<vmem_shared>>) attributes {dimension_semantics = [#tpu.dimension_semantics<core_parallel>, #tpu.dimension_semantics<subcore_parallel>], iteration_bounds = array<i64: 2, 16>, scalar_prefetch = 0 : i64, scratch_operands = 4 : i64, tpu.core_type = #tpu.core_type<sc_vector_subcore>, window_params = [{transform_indices = #map}, {transform_indices = #map}, {transform_indices = #map1}]} {
    %scan3A = arith.constant 0 : i32
    %scan3A_0 = arith.constant 40 : i32
    %scan3A_1 = arith.addi %scan3A, %scan3A_0 : i32
    %scan3A_2 = arith.constant 1 : i32
    scf.for %scan3A_17 = %scan3A to %scan3A_1 step %scan3A_2  : i32 {
      %broadcast_in_dim3A = arith.constant 1.000000e+00 : f32
      %broadcast_in_dim3A_18 = vector.broadcast %broadcast_in_dim3A : f32 to vector<16xf32>
      %mul3A_19 = arith.constant 16 : i32
      %mul3A_20 = arith.muli %scan3A_17, %mul3A_19 : i32
      %swap3A = arith.index_cast %mul3A_20 : i32 to index
      %swap3A_21 = tpu.vector_load %arg7[%swap3A] {strides = array<i32>} : memref<640xf32, #tpu.memory_space<vmem>>, vector<16xf32>,
      tpu.vector_store %arg7[%swap3A], %broadcast_in_dim3A_18 {strides = array<i32>} : memref<640xf32, #tpu.memory_space<vmem>>, vector<16xf32>,
    }
    %scan3A_3 = arith.constant 40 : i32
    %mul3A = arith.constant 640 : i32
    %mul3A_4 = arith.muli %arg1, %mul3A : i32
    "tpu.region"() ({
      %run_scoped3A = tpu.sem_alloc : memref<!tpu.dma_semaphore, #tpu.memory_space<semaphore_mem>>
      %dma_start3A = tpu.memref_slice %arg8[%mul3A_4] : memref<10240xf32, #tpu.memory_space<vmem_shared>> -> memref<640xf32, #tpu.memory_space<vmem_shared>>
      %dma_start3A_17 = tpu.memref_slice %arg8[%mul3A_4] : memref<10240xf32, #tpu.memory_space<vmem_shared>> -> memref<640xf32, #tpu.memory_space<vmem_shared>>
      tpu.enqueue_dma source(%arg7 : memref<640xf32, #tpu.memory_space<vmem>>) target(%dma_start3A_17 : memref<640xf32, #tpu.memory_space<vmem_shared>>) target_semaphore(%run_scoped3A : memref<!tpu.dma_semaphore, #tpu.memory_space<semaphore_mem>>)
      %dma_wait3A = tpu.memref_slice %arg8[%mul3A_4] : memref<10240xf32, #tpu.memory_space<vmem_shared>> -> memref<640xf32, #tpu.memory_space<vmem_shared>>
      %dma_wait3A_18 = tpu.memref_slice %arg8[%mul3A_4] : memref<10240xf32, #tpu.memory_space<vmem_shared>> -> memref<640xf32, #tpu.memory_space<vmem_shared>>
      tpu.wait_dma2 semaphore(%run_scoped3A : memref<!tpu.dma_semaphore, #tpu.memory_space<semaphore_mem>>) src(%arg7 : memref<640xf32, #tpu.memory_space<vmem>>) dst(%dma_wait3A_18 : memref<640xf32, #tpu.memory_space<vmem_shared>>)
      tpu.yield
    }) : () -> ()
    %barrier3A = arith.constant 0 : index
    tpu.barrier barrier_id(%barrier3A)
    %mul3A_5 = arith.constant 160 : i32
    %mul3A_6 = arith.muli %arg1, %mul3A_5 : i32
    "tpu.region"() ({
      %run_scoped3A = tpu.sem_alloc : memref<!tpu.dma_semaphore, #tpu.memory_space<semaphore_mem>>
      %dma_start3A = arith.constant 0 : i32
      %dma_start3A_17 = tpu.memref_slice %arg2[%mul3A_6, %dma_start3A] : memref<2560x128xi32, #tpu.memory_space<hbm>> -> memref<160x128xi32, #tpu.memory_space<hbm>>
      %dma_start3A_18 = arith.constant 0 : i32
      %dma_start3A_19 = tpu.memref_slice %arg2[%mul3A_6, %dma_start3A_18] : memref<2560x128xi32, #tpu.memory_space<hbm>> -> memref<160x128xi32, #tpu.memory_space<hbm>>
      tpu.enqueue_dma source(%dma_start3A_19 : memref<160x128xi32, #tpu.memory_space<hbm>>) target(%arg5 : memref<160x128xi32, #tpu.memory_space<vmem>>) target_semaphore(%run_scoped3A : memref<!tpu.dma_semaphore, #tpu.memory_space<semaphore_mem>>)
      %dma_wait3A = arith.constant 0 : i32
      %dma_wait3A_20 = tpu.memref_slice %arg2[%mul3A_6, %dma_wait3A] : memref<2560x128xi32, #tpu.memory_space<hbm>> -> memref<160x128xi32, #tpu.memory_space<hbm>>
      %dma_wait3A_21 = arith.constant 0 : i32
      %dma_wait3A_22 = tpu.memref_slice %arg2[%mul3A_6, %dma_wait3A_21] : memref<2560x128xi32, #tpu.memory_space<hbm>> -> memref<160x128xi32, #tpu.memory_space<hbm>>
      tpu.wait_dma2 semaphore(%run_scoped3A : memref<!tpu.dma_semaphore, #tpu.memory_space<semaphore_mem>>) src(%dma_wait3A_22 : memref<160x128xi32, #tpu.memory_space<hbm>>) dst(%arg5 : memref<160x128xi32, #tpu.memory_space<vmem>>)
      tpu.yield
    }) : () -> ()
    %mul3A_7 = arith.constant 160 : i32
    %mul3A_8 = arith.muli %arg1, %mul3A_7 : i32
    "tpu.region"() ({
      %run_scoped3A = tpu.sem_alloc : memref<!tpu.dma_semaphore, #tpu.memory_space<semaphore_mem>>
      %dma_start3A = arith.constant 0 : i32
      %dma_start3A_17 = tpu.memref_slice %arg3[%mul3A_8, %dma_start3A] : memref<2560x128xf32, #tpu.memory_space<hbm>> -> memref<160x128xf32, #tpu.memory_space<hbm>>
      %dma_start3A_18 = arith.constant 0 : i32
      %dma_start3A_19 = tpu.memref_slice %arg3[%mul3A_8, %dma_start3A_18] : memref<2560x128xf32, #tpu.memory_space<hbm>> -> memref<160x128xf32, #tpu.memory_space<hbm>>
      tpu.enqueue_dma source(%dma_start3A_19 : memref<160x128xf32, #tpu.memory_space<hbm>>) target(%arg6 : memref<160x128xf32, #tpu.memory_space<vmem>>) target_semaphore(%run_scoped3A : memref<!tpu.dma_semaphore, #tpu.memory_space<semaphore_mem>>)
      %dma_wait3A = arith.constant 0 : i32
      %dma_wait3A_20 = tpu.memref_slice %arg3[%mul3A_8, %dma_wait3A] : memref<2560x128xf32, #tpu.memory_space<hbm>> -> memref<160x128xf32, #tpu.memory_space<hbm>>
      %dma_wait3A_21 = arith.constant 0 : i32
      %dma_wait3A_22 = tpu.memref_slice %arg3[%mul3A_8, %dma_wait3A_21] : memref<2560x128xf32, #tpu.memory_space<hbm>> -> memref<160x128xf32, #tpu.memory_space<hbm>>
      tpu.wait_dma2 semaphore(%run_scoped3A : memref<!tpu.dma_semaphore, #tpu.memory_space<semaphore_mem>>) src(%dma_wait3A_22 : memref<160x128xf32, #tpu.memory_space<hbm>>) dst(%arg6 : memref<160x128xf32, #tpu.memory_space<vmem>>)
      tpu.yield
    }) : () -> ()
    %scan3A_9 = arith.constant 0 : i32
    %scan3A_10 = arith.constant 160 : i32
    %scan3A_11 = arith.addi %scan3A_9, %scan3A_10 : i32
    %scan3A_12 = arith.constant 1 : i32
    scf.for %scan3A_17 = %scan3A_9 to %scan3A_11 step %scan3A_12  : i32 {
      "tpu.region"() ({
        %run_scoped3A = tpu.sem_alloc : memref<!tpu.dma_semaphore, #tpu.memory_space<semaphore_mem>>
        %dma_start3A = arith.constant 0 : i32
        %dma_start3A_18 = tpu.memref_slice %arg6[%scan3A_17, %dma_start3A] : memref<160x128xf32, #tpu.memory_space<vmem>> -> memref<1x128xf32, #tpu.memory_space<vmem>>
        %dma_start3A_19 = tpu.memref_squeeze %dma_start3A_18 : memref<1x128xf32, #tpu.memory_space<vmem>> -> memref<128xf32, #tpu.memory_space<vmem>>
        %dma_start3A_20 = arith.constant 0 : i32
        %dma_start3A_21 = tpu.memref_slice %arg5[%scan3A_17, %dma_start3A_20] : memref<160x128xi32, #tpu.memory_space<vmem>> -> memref<1x128xi32, #tpu.memory_space<vmem>>
        %dma_start3A_22 = tpu.memref_squeeze %dma_start3A_21 : memref<1x128xi32, #tpu.memory_space<vmem>> -> memref<128xi32, #tpu.memory_space<vmem>>
        %dma_start3A_23 = arith.constant 0 : i32
        %dma_start3A_24 = tpu.memref_slice %arg8[%dma_start3A_23] : memref<10240xf32, #tpu.memory_space<vmem_shared>> -> memref<10240xf32, #tpu.memory_space<vmem_shared>>
        tpu.enqueue_indirect_dma source(%dma_start3A_19 : memref<128xf32, #tpu.memory_space<vmem>>) target(%dma_start3A_24 : memref<10240xf32, #tpu.memory_space<vmem_shared>>) offsets(%dma_start3A_22 : memref<128xi32, #tpu.memory_space<vmem>>) semaphore(%run_scoped3A : memref<!tpu.dma_semaphore, #tpu.memory_space<semaphore_mem>>) {add = true}
        %dma_wait3A = arith.constant 0 : i32
        %dma_wait3A_25 = tpu.memref_slice %arg6[%scan3A_17, %dma_wait3A] : memref<160x128xf32, #tpu.memory_space<vmem>> -> memref<1x128xf32, #tpu.memory_space<vmem>>
        %dma_wait3A_26 = tpu.memref_squeeze %dma_wait3A_25 : memref<1x128xf32, #tpu.memory_space<vmem>> -> memref<128xf32, #tpu.memory_space<vmem>>
        %dma_wait3A_27 = arith.constant 0 : i32
        %dma_wait3A_28 = tpu.memref_slice %arg5[%scan3A_17, %dma_wait3A_27] : memref<160x128xi32, #tpu.memory_space<vmem>> -> memref<1x128xi32, #tpu.memory_space<vmem>>
        %dma_wait3A_29 = tpu.memref_squeeze %dma_wait3A_28 : memref<1x128xi32, #tpu.memory_space<vmem>> -> memref<128xi32, #tpu.memory_space<vmem>>
        %dma_wait3A_30 = arith.constant 0 : i32
        %dma_wait3A_31 = tpu.memref_slice %arg8[%dma_wait3A_30] : memref<10240xf32, #tpu.memory_space<vmem_shared>> -> memref<10240xf32, #tpu.memory_space<vmem_shared>>
        tpu.wait_indirect_dma semaphore(%run_scoped3A : memref<!tpu.dma_semaphore, #tpu.memory_space<semaphore_mem>>) src(%dma_wait3A_26 : memref<128xf32, #tpu.memory_space<vmem>>) dst(%dma_wait3A_31 : memref<10240xf32, #tpu.memory_space<vmem_shared>>)
        tpu.yield
      }) : () -> ()
    }
    %scan3A_13 = arith.constant 160 : i32
    %barrier3A_14 = arith.constant 0 : index
    tpu.barrier barrier_id(%barrier3A_14)
    %eq3A = arith.constant 0 : i32
    %eq3A_15 = arith.cmpi eq, %arg0, %eq3A : i32
    %convert_element_type3A = arith.extui %eq3A_15 : i1 to i32
    %cond3A = arith.constant 0 : i32
    %cond3A_16 = arith.cmpi ne, %convert_element_type3A, %cond3A : i32
    scf.if %cond3A_16 {
      %mul3A_17 = arith.constant 640 : i32
      %mul3A_18 = arith.muli %arg1, %mul3A_17 : i32
      %mul3A_19 = arith.constant 640 : i32
      %mul3A_20 = arith.muli %arg1, %mul3A_19 : i32
      "tpu.region"() ({
        %run_scoped3A = tpu.sem_alloc : memref<!tpu.dma_semaphore, #tpu.memory_space<semaphore_mem>>
        %dma_start3A = tpu.memref_slice %arg4[%mul3A_20] : memref<10240xf32, #tpu.memory_space<hbm>> -> memref<640xf32, #tpu.memory_space<hbm>>
        %dma_start3A_21 = tpu.memref_slice %arg8[%mul3A_18] : memref<10240xf32, #tpu.memory_space<vmem_shared>> -> memref<640xf32, #tpu.memory_space<vmem_shared>>
        tpu.enqueue_dma source(%dma_start3A_21 : memref<640xf32, #tpu.memory_space<vmem_shared>>) target(%dma_start3A : memref<640xf32, #tpu.memory_space<hbm>>) target_semaphore(%run_scoped3A : memref<!tpu.dma_semaphore, #tpu.memory_space<semaphore_mem>>)
        %dma_wait3A = tpu.memref_slice %arg4[%mul3A_20] : memref<10240xf32, #tpu.memory_space<hbm>> -> memref<640xf32, #tpu.memory_space<hbm>>
        %dma_wait3A_22 = tpu.memref_slice %arg8[%mul3A_18] : memref<10240xf32, #tpu.memory_space<vmem_shared>> -> memref<640xf32, #tpu.memory_space<vmem_shared>>
        tpu.wait_dma2 semaphore(%run_scoped3A : memref<!tpu.dma_semaphore, #tpu.memory_space<semaphore_mem>>) src(%dma_wait3A_22 : memref<640xf32, #tpu.memory_space<vmem_shared>>) dst(%dma_wait3A : memref<640xf32, #tpu.memory_space<hbm>>)
        tpu.yield
      }) : () -> ()
    } else {
    }
    return
  }
}

#map = affine_map<(d0, d1) -> (0, 0)>
#map1 = affine_map<(d0, d1) -> (0)>
#map2 = affine_map<(d0, d1) -> (0, 0, 0)>
module attributes {stable_mosaic.version = 14 : i64} {
  func.func @_msg(%arg0: i32, %arg1: i32, %arg2: memref<10000x64xf32, #tpu.memory_space<hbm>>, %arg3: memref<2560x128xi32, #tpu.memory_space<hbm>>, %arg4: memref<2560x128xi32, #tpu.memory_space<hbm>>, %arg5: memref<2560x128xf32, #tpu.memory_space<hbm>>, %arg6: memref<10240xf32, #tpu.memory_space<hbm>>, %arg7: memref<2x10240x64xf32, #tpu.memory_space<hbm>>, %arg8: memref<80x128xi32, #tpu.memory_space<vmem>>, %arg9: memref<80x128xi32, #tpu.memory_space<vmem>>, %arg10: memref<80x128xf32, #tpu.memory_space<vmem>>, %arg11: memref<10240xf32, #tpu.memory_space<vmem>>, %arg12: memref<128x64xf32, #tpu.memory_space<vmem>>, %arg13: memref<!tpu.dma_semaphore, #tpu.memory_space<semaphore_mem>>, %arg14: memref<10240x64xf32, #tpu.memory_space<vmem_shared>>) attributes {dimension_semantics = [#tpu.dimension_semantics<core_parallel>, #tpu.dimension_semantics<subcore_parallel>], iteration_bounds = array<i64: 2, 16>, scalar_prefetch = 0 : i64, scratch_operands = 7 : i64, tpu.core_type = #tpu.core_type<sc_vector_subcore>, window_params = [{transform_indices = #map}, {transform_indices = #map}, {transform_indices = #map}, {transform_indices = #map}, {transform_indices = #map1}, {transform_indices = #map2}]} {
    %mul3A = arith.constant 16 : i32
    %mul3A_0 = arith.muli %arg0, %mul3A : i32
    %add3A = arith.addi %mul3A_0, %arg1 : i32
    %scan3A = arith.constant 0 : i32
    %scan3A_1 = arith.constant 128 : i32
    %scan3A_2 = arith.addi %scan3A, %scan3A_1 : i32
    %scan3A_3 = arith.constant 1 : i32
    scf.for %scan3A_41 = %scan3A to %scan3A_2 step %scan3A_3  : i32 {
      %broadcast_in_dim3A = arith.constant 0.000000e+00 : f32
      %broadcast_in_dim3A_42 = vector.broadcast %broadcast_in_dim3A : f32 to vector<16xf32>
      %swap3A = arith.index_cast %scan3A_41 : i32 to index
      %swap3A_43 = arith.constant 0 : index
      %swap3A_44 = tpu.vector_load %arg12[%swap3A, %swap3A_43] {strides = array<i32>} : memref<128x64xf32, #tpu.memory_space<vmem>>, vector<16xf32>,
      tpu.vector_store %arg12[%swap3A, %swap3A_43], %broadcast_in_dim3A_42 {strides = array<i32>} : memref<128x64xf32, #tpu.memory_space<vmem>>, vector<16xf32>,
      %broadcast_in_dim3A_45 = arith.constant 0.000000e+00 : f32
      %broadcast_in_dim3A_46 = vector.broadcast %broadcast_in_dim3A_45 : f32 to vector<16xf32>
      %swap3A_47 = arith.index_cast %scan3A_41 : i32 to index
      %swap3A_48 = arith.constant 16 : index
      %swap3A_49 = tpu.vector_load %arg12[%swap3A_47, %swap3A_48] {strides = array<i32>} : memref<128x64xf32, #tpu.memory_space<vmem>>, vector<16xf32>,
      tpu.vector_store %arg12[%swap3A_47, %swap3A_48], %broadcast_in_dim3A_46 {strides = array<i32>} : memref<128x64xf32, #tpu.memory_space<vmem>>, vector<16xf32>,
      %broadcast_in_dim3A_50 = arith.constant 0.000000e+00 : f32
      %broadcast_in_dim3A_51 = vector.broadcast %broadcast_in_dim3A_50 : f32 to vector<16xf32>
      %swap3A_52 = arith.index_cast %scan3A_41 : i32 to index
      %swap3A_53 = arith.constant 32 : index
      %swap3A_54 = tpu.vector_load %arg12[%swap3A_52, %swap3A_53] {strides = array<i32>} : memref<128x64xf32, #tpu.memory_space<vmem>>, vector<16xf32>,
      tpu.vector_store %arg12[%swap3A_52, %swap3A_53], %broadcast_in_dim3A_51 {strides = array<i32>} : memref<128x64xf32, #tpu.memory_space<vmem>>, vector<16xf32>,
      %broadcast_in_dim3A_55 = arith.constant 0.000000e+00 : f32
      %broadcast_in_dim3A_56 = vector.broadcast %broadcast_in_dim3A_55 : f32 to vector<16xf32>
      %swap3A_57 = arith.index_cast %scan3A_41 : i32 to index
      %swap3A_58 = arith.constant 48 : index
      %swap3A_59 = tpu.vector_load %arg12[%swap3A_57, %swap3A_58] {strides = array<i32>} : memref<128x64xf32, #tpu.memory_space<vmem>>, vector<16xf32>,
      tpu.vector_store %arg12[%swap3A_57, %swap3A_58], %broadcast_in_dim3A_56 {strides = array<i32>} : memref<128x64xf32, #tpu.memory_space<vmem>>, vector<16xf32>,
    }
    %scan3A_4 = arith.constant 128 : i32
    %mul3A_5 = arith.constant 640 : i32
    %mul3A_6 = arith.muli %arg1, %mul3A_5 : i32
    %add3A_7 = arith.constant 0 : i32
    %add3A_8 = arith.addi %mul3A_6, %add3A_7 : i32
    "tpu.region"() ({
      %run_scoped3A = tpu.sem_alloc : memref<!tpu.dma_semaphore, #tpu.memory_space<semaphore_mem>>
      %dma_start3A = arith.constant 0 : i32
      %dma_start3A_41 = tpu.memref_slice %arg14[%add3A_8, %dma_start3A] : memref<10240x64xf32, #tpu.memory_space<vmem_shared>> -> memref<128x64xf32, #tpu.memory_space<vmem_shared>>
      %dma_start3A_42 = arith.constant 0 : i32
      %dma_start3A_43 = tpu.memref_slice %arg14[%add3A_8, %dma_start3A_42] : memref<10240x64xf32, #tpu.memory_space<vmem_shared>> -> memref<128x64xf32, #tpu.memory_space<vmem_shared>>
      tpu.enqueue_dma source(%arg12 : memref<128x64xf32, #tpu.memory_space<vmem>>) target(%dma_start3A_43 : memref<128x64xf32, #tpu.memory_space<vmem_shared>>) target_semaphore(%run_scoped3A : memref<!tpu.dma_semaphore, #tpu.memory_space<semaphore_mem>>)
      %dma_wait3A = arith.constant 0 : i32
      %dma_wait3A_44 = tpu.memref_slice %arg14[%add3A_8, %dma_wait3A] : memref<10240x64xf32, #tpu.memory_space<vmem_shared>> -> memref<128x64xf32, #tpu.memory_space<vmem_shared>>
      %dma_wait3A_45 = arith.constant 0 : i32
      %dma_wait3A_46 = tpu.memref_slice %arg14[%add3A_8, %dma_wait3A_45] : memref<10240x64xf32, #tpu.memory_space<vmem_shared>> -> memref<128x64xf32, #tpu.memory_space<vmem_shared>>
      tpu.wait_dma2 semaphore(%run_scoped3A : memref<!tpu.dma_semaphore, #tpu.memory_space<semaphore_mem>>) src(%arg12 : memref<128x64xf32, #tpu.memory_space<vmem>>) dst(%dma_wait3A_46 : memref<128x64xf32, #tpu.memory_space<vmem_shared>>)
      tpu.yield
    }) : () -> ()
    %mul3A_9 = arith.constant 640 : i32
    %mul3A_10 = arith.muli %arg1, %mul3A_9 : i32
    %add3A_11 = arith.constant 128 : i32
    %add3A_12 = arith.addi %mul3A_10, %add3A_11 : i32
    "tpu.region"() ({
      %run_scoped3A = tpu.sem_alloc : memref<!tpu.dma_semaphore, #tpu.memory_space<semaphore_mem>>
      %dma_start3A = arith.constant 0 : i32
      %dma_start3A_41 = tpu.memref_slice %arg14[%add3A_12, %dma_start3A] : memref<10240x64xf32, #tpu.memory_space<vmem_shared>> -> memref<128x64xf32, #tpu.memory_space<vmem_shared>>
      %dma_start3A_42 = arith.constant 0 : i32
      %dma_start3A_43 = tpu.memref_slice %arg14[%add3A_12, %dma_start3A_42] : memref<10240x64xf32, #tpu.memory_space<vmem_shared>> -> memref<128x64xf32, #tpu.memory_space<vmem_shared>>
      tpu.enqueue_dma source(%arg12 : memref<128x64xf32, #tpu.memory_space<vmem>>) target(%dma_start3A_43 : memref<128x64xf32, #tpu.memory_space<vmem_shared>>) target_semaphore(%run_scoped3A : memref<!tpu.dma_semaphore, #tpu.memory_space<semaphore_mem>>)
      %dma_wait3A = arith.constant 0 : i32
      %dma_wait3A_44 = tpu.memref_slice %arg14[%add3A_12, %dma_wait3A] : memref<10240x64xf32, #tpu.memory_space<vmem_shared>> -> memref<128x64xf32, #tpu.memory_space<vmem_shared>>
      %dma_wait3A_45 = arith.constant 0 : i32
      %dma_wait3A_46 = tpu.memref_slice %arg14[%add3A_12, %dma_wait3A_45] : memref<10240x64xf32, #tpu.memory_space<vmem_shared>> -> memref<128x64xf32, #tpu.memory_space<vmem_shared>>
      tpu.wait_dma2 semaphore(%run_scoped3A : memref<!tpu.dma_semaphore, #tpu.memory_space<semaphore_mem>>) src(%arg12 : memref<128x64xf32, #tpu.memory_space<vmem>>) dst(%dma_wait3A_46 : memref<128x64xf32, #tpu.memory_space<vmem_shared>>)
      tpu.yield
    }) : () -> ()
    %mul3A_13 = arith.constant 640 : i32
    %mul3A_14 = arith.muli %arg1, %mul3A_13 : i32
    %add3A_15 = arith.constant 256 : i32
    %add3A_16 = arith.addi %mul3A_14, %add3A_15 : i32
    "tpu.region"() ({
      %run_scoped3A = tpu.sem_alloc : memref<!tpu.dma_semaphore, #tpu.memory_space<semaphore_mem>>
      %dma_start3A = arith.constant 0 : i32
      %dma_start3A_41 = tpu.memref_slice %arg14[%add3A_16, %dma_start3A] : memref<10240x64xf32, #tpu.memory_space<vmem_shared>> -> memref<128x64xf32, #tpu.memory_space<vmem_shared>>
      %dma_start3A_42 = arith.constant 0 : i32
      %dma_start3A_43 = tpu.memref_slice %arg14[%add3A_16, %dma_start3A_42] : memref<10240x64xf32, #tpu.memory_space<vmem_shared>> -> memref<128x64xf32, #tpu.memory_space<vmem_shared>>
      tpu.enqueue_dma source(%arg12 : memref<128x64xf32, #tpu.memory_space<vmem>>) target(%dma_start3A_43 : memref<128x64xf32, #tpu.memory_space<vmem_shared>>) target_semaphore(%run_scoped3A : memref<!tpu.dma_semaphore, #tpu.memory_space<semaphore_mem>>)
      %dma_wait3A = arith.constant 0 : i32
      %dma_wait3A_44 = tpu.memref_slice %arg14[%add3A_16, %dma_wait3A] : memref<10240x64xf32, #tpu.memory_space<vmem_shared>> -> memref<128x64xf32, #tpu.memory_space<vmem_shared>>
      %dma_wait3A_45 = arith.constant 0 : i32
      %dma_wait3A_46 = tpu.memref_slice %arg14[%add3A_16, %dma_wait3A_45] : memref<10240x64xf32, #tpu.memory_space<vmem_shared>> -> memref<128x64xf32, #tpu.memory_space<vmem_shared>>
      tpu.wait_dma2 semaphore(%run_scoped3A : memref<!tpu.dma_semaphore, #tpu.memory_space<semaphore_mem>>) src(%arg12 : memref<128x64xf32, #tpu.memory_space<vmem>>) dst(%dma_wait3A_46 : memref<128x64xf32, #tpu.memory_space<vmem_shared>>)
      tpu.yield
    }) : () -> ()
    %mul3A_17 = arith.constant 640 : i32
    %mul3A_18 = arith.muli %arg1, %mul3A_17 : i32
    %add3A_19 = arith.constant 384 : i32
    %add3A_20 = arith.addi %mul3A_18, %add3A_19 : i32
    "tpu.region"() ({
      %run_scoped3A = tpu.sem_alloc : memref<!tpu.dma_semaphore, #tpu.memory_space<semaphore_mem>>
      %dma_start3A = arith.constant 0 : i32
      %dma_start3A_41 = tpu.memref_slice %arg14[%add3A_20, %dma_start3A] : memref<10240x64xf32, #tpu.memory_space<vmem_shared>> -> memref<128x64xf32, #tpu.memory_space<vmem_shared>>
      %dma_start3A_42 = arith.constant 0 : i32
      %dma_start3A_43 = tpu.memref_slice %arg14[%add3A_20, %dma_start3A_42] : memref<10240x64xf32, #tpu.memory_space<vmem_shared>> -> memref<128x64xf32, #tpu.memory_space<vmem_shared>>
      tpu.enqueue_dma source(%arg12 : memref<128x64xf32, #tpu.memory_space<vmem>>) target(%dma_start3A_43 : memref<128x64xf32, #tpu.memory_space<vmem_shared>>) target_semaphore(%run_scoped3A : memref<!tpu.dma_semaphore, #tpu.memory_space<semaphore_mem>>)
      %dma_wait3A = arith.constant 0 : i32
      %dma_wait3A_44 = tpu.memref_slice %arg14[%add3A_20, %dma_wait3A] : memref<10240x64xf32, #tpu.memory_space<vmem_shared>> -> memref<128x64xf32, #tpu.memory_space<vmem_shared>>
      %dma_wait3A_45 = arith.constant 0 : i32
      %dma_wait3A_46 = tpu.memref_slice %arg14[%add3A_20, %dma_wait3A_45] : memref<10240x64xf32, #tpu.memory_space<vmem_shared>> -> memref<128x64xf32, #tpu.memory_space<vmem_shared>>
      tpu.wait_dma2 semaphore(%run_scoped3A : memref<!tpu.dma_semaphore, #tpu.memory_space<semaphore_mem>>) src(%arg12 : memref<128x64xf32, #tpu.memory_space<vmem>>) dst(%dma_wait3A_46 : memref<128x64xf32, #tpu.memory_space<vmem_shared>>)
      tpu.yield
    }) : () -> ()
    %mul3A_21 = arith.constant 640 : i32
    %mul3A_22 = arith.muli %arg1, %mul3A_21 : i32
    %add3A_23 = arith.constant 512 : i32
    %add3A_24 = arith.addi %mul3A_22, %add3A_23 : i32
    "tpu.region"() ({
      %run_scoped3A = tpu.sem_alloc : memref<!tpu.dma_semaphore, #tpu.memory_space<semaphore_mem>>
      %dma_start3A = arith.constant 0 : i32
      %dma_start3A_41 = tpu.memref_slice %arg14[%add3A_24, %dma_start3A] : memref<10240x64xf32, #tpu.memory_space<vmem_shared>> -> memref<128x64xf32, #tpu.memory_space<vmem_shared>>
      %dma_start3A_42 = arith.constant 0 : i32
      %dma_start3A_43 = tpu.memref_slice %arg14[%add3A_24, %dma_start3A_42] : memref<10240x64xf32, #tpu.memory_space<vmem_shared>> -> memref<128x64xf32, #tpu.memory_space<vmem_shared>>
      tpu.enqueue_dma source(%arg12 : memref<128x64xf32, #tpu.memory_space<vmem>>) target(%dma_start3A_43 : memref<128x64xf32, #tpu.memory_space<vmem_shared>>) target_semaphore(%run_scoped3A : memref<!tpu.dma_semaphore, #tpu.memory_space<semaphore_mem>>)
      %dma_wait3A = arith.constant 0 : i32
      %dma_wait3A_44 = tpu.memref_slice %arg14[%add3A_24, %dma_wait3A] : memref<10240x64xf32, #tpu.memory_space<vmem_shared>> -> memref<128x64xf32, #tpu.memory_space<vmem_shared>>
      %dma_wait3A_45 = arith.constant 0 : i32
      %dma_wait3A_46 = tpu.memref_slice %arg14[%add3A_24, %dma_wait3A_45] : memref<10240x64xf32, #tpu.memory_space<vmem_shared>> -> memref<128x64xf32, #tpu.memory_space<vmem_shared>>
      tpu.wait_dma2 semaphore(%run_scoped3A : memref<!tpu.dma_semaphore, #tpu.memory_space<semaphore_mem>>) src(%arg12 : memref<128x64xf32, #tpu.memory_space<vmem>>) dst(%dma_wait3A_46 : memref<128x64xf32, #tpu.memory_space<vmem_shared>>)
      tpu.yield
    }) : () -> ()
    %barrier3A = arith.constant 0 : index
    tpu.barrier barrier_id(%barrier3A)
    "tpu.region"() ({
      %run_scoped3A = tpu.sem_alloc : memref<!tpu.dma_semaphore, #tpu.memory_space<semaphore_mem>>
      tpu.enqueue_dma source(%arg6 : memref<10240xf32, #tpu.memory_space<hbm>>) target(%arg11 : memref<10240xf32, #tpu.memory_space<vmem>>) target_semaphore(%run_scoped3A : memref<!tpu.dma_semaphore, #tpu.memory_space<semaphore_mem>>)
      tpu.wait_dma2 semaphore(%run_scoped3A : memref<!tpu.dma_semaphore, #tpu.memory_space<semaphore_mem>>) src(%arg6 : memref<10240xf32, #tpu.memory_space<hbm>>) dst(%arg11 : memref<10240xf32, #tpu.memory_space<vmem>>)
      tpu.yield
    }) : () -> ()
    %mul3A_25 = arith.constant 80 : i32
    %mul3A_26 = arith.muli %add3A, %mul3A_25 : i32
    "tpu.region"() ({
      %run_scoped3A = tpu.sem_alloc : memref<!tpu.dma_semaphore, #tpu.memory_space<semaphore_mem>>
      %dma_start3A = arith.constant 0 : i32
      %dma_start3A_41 = tpu.memref_slice %arg3[%mul3A_26, %dma_start3A] : memref<2560x128xi32, #tpu.memory_space<hbm>> -> memref<80x128xi32, #tpu.memory_space<hbm>>
      %dma_start3A_42 = arith.constant 0 : i32
      %dma_start3A_43 = tpu.memref_slice %arg3[%mul3A_26, %dma_start3A_42] : memref<2560x128xi32, #tpu.memory_space<hbm>> -> memref<80x128xi32, #tpu.memory_space<hbm>>
      tpu.enqueue_dma source(%dma_start3A_43 : memref<80x128xi32, #tpu.memory_space<hbm>>) target(%arg8 : memref<80x128xi32, #tpu.memory_space<vmem>>) target_semaphore(%run_scoped3A : memref<!tpu.dma_semaphore, #tpu.memory_space<semaphore_mem>>)
      %dma_wait3A = arith.constant 0 : i32
      %dma_wait3A_44 = tpu.memref_slice %arg3[%mul3A_26, %dma_wait3A] : memref<2560x128xi32, #tpu.memory_space<hbm>> -> memref<80x128xi32, #tpu.memory_space<hbm>>
      %dma_wait3A_45 = arith.constant 0 : i32
      %dma_wait3A_46 = tpu.memref_slice %arg3[%mul3A_26, %dma_wait3A_45] : memref<2560x128xi32, #tpu.memory_space<hbm>> -> memref<80x128xi32, #tpu.memory_space<hbm>>
      tpu.wait_dma2 semaphore(%run_scoped3A : memref<!tpu.dma_semaphore, #tpu.memory_space<semaphore_mem>>) src(%dma_wait3A_46 : memref<80x128xi32, #tpu.memory_space<hbm>>) dst(%arg8 : memref<80x128xi32, #tpu.memory_space<vmem>>)
      tpu.yield
    }) : () -> ()
    %mul3A_27 = arith.constant 80 : i32
    %mul3A_28 = arith.muli %add3A, %mul3A_27 : i32
    "tpu.region"() ({
      %run_scoped3A = tpu.sem_alloc : memref<!tpu.dma_semaphore, #tpu.memory_space<semaphore_mem>>
      %dma_start3A = arith.constant 0 : i32
      %dma_start3A_41 = tpu.memref_slice %arg4[%mul3A_28, %dma_start3A] : memref<2560x128xi32, #tpu.memory_space<hbm>> -> memref<80x128xi32, #tpu.memory_space<hbm>>
      %dma_start3A_42 = arith.constant 0 : i32
      %dma_start3A_43 = tpu.memref_slice %arg4[%mul3A_28, %dma_start3A_42] : memref<2560x128xi32, #tpu.memory_space<hbm>> -> memref<80x128xi32, #tpu.memory_space<hbm>>
      tpu.enqueue_dma source(%dma_start3A_43 : memref<80x128xi32, #tpu.memory_space<hbm>>) target(%arg9 : memref<80x128xi32, #tpu.memory_space<vmem>>) target_semaphore(%run_scoped3A : memref<!tpu.dma_semaphore, #tpu.memory_space<semaphore_mem>>)
      %dma_wait3A = arith.constant 0 : i32
      %dma_wait3A_44 = tpu.memref_slice %arg4[%mul3A_28, %dma_wait3A] : memref<2560x128xi32, #tpu.memory_space<hbm>> -> memref<80x128xi32, #tpu.memory_space<hbm>>
      %dma_wait3A_45 = arith.constant 0 : i32
      %dma_wait3A_46 = tpu.memref_slice %arg4[%mul3A_28, %dma_wait3A_45] : memref<2560x128xi32, #tpu.memory_space<hbm>> -> memref<80x128xi32, #tpu.memory_space<hbm>>
      tpu.wait_dma2 semaphore(%run_scoped3A : memref<!tpu.dma_semaphore, #tpu.memory_space<semaphore_mem>>) src(%dma_wait3A_46 : memref<80x128xi32, #tpu.memory_space<hbm>>) dst(%arg9 : memref<80x128xi32, #tpu.memory_space<vmem>>)
      tpu.yield
    }) : () -> ()
    %mul3A_29 = arith.constant 80 : i32
    %mul3A_30 = arith.muli %add3A, %mul3A_29 : i32
    "tpu.region"() ({
      %run_scoped3A = tpu.sem_alloc : memref<!tpu.dma_semaphore, #tpu.memory_space<semaphore_mem>>
      %dma_start3A = arith.constant 0 : i32
      %dma_start3A_41 = tpu.memref_slice %arg5[%mul3A_30, %dma_start3A] : memref<2560x128xf32, #tpu.memory_space<hbm>> -> memref<80x128xf32, #tpu.memory_space<hbm>>
      %dma_start3A_42 = arith.constant 0 : i32
      %dma_start3A_43 = tpu.memref_slice %arg5[%mul3A_30, %dma_start3A_42] : memref<2560x128xf32, #tpu.memory_space<hbm>> -> memref<80x128xf32, #tpu.memory_space<hbm>>
      tpu.enqueue_dma source(%dma_start3A_43 : memref<80x128xf32, #tpu.memory_space<hbm>>) target(%arg10 : memref<80x128xf32, #tpu.memory_space<vmem>>) target_semaphore(%run_scoped3A : memref<!tpu.dma_semaphore, #tpu.memory_space<semaphore_mem>>)
      %dma_wait3A = arith.constant 0 : i32
      %dma_wait3A_44 = tpu.memref_slice %arg5[%mul3A_30, %dma_wait3A] : memref<2560x128xf32, #tpu.memory_space<hbm>> -> memref<80x128xf32, #tpu.memory_space<hbm>>
      %dma_wait3A_45 = arith.constant 0 : i32
      %dma_wait3A_46 = tpu.memref_slice %arg5[%mul3A_30, %dma_wait3A_45] : memref<2560x128xf32, #tpu.memory_space<hbm>> -> memref<80x128xf32, #tpu.memory_space<hbm>>
      tpu.wait_dma2 semaphore(%run_scoped3A : memref<!tpu.dma_semaphore, #tpu.memory_space<semaphore_mem>>) src(%dma_wait3A_46 : memref<80x128xf32, #tpu.memory_space<hbm>>) dst(%arg10 : memref<80x128xf32, #tpu.memory_space<vmem>>)
      tpu.yield
    }) : () -> ()
    %scan3A_31 = arith.constant 0 : i32
    %scan3A_32 = arith.constant 80 : i32
    %scan3A_33 = arith.addi %scan3A_31, %scan3A_32 : i32
    %scan3A_34 = arith.constant 1 : i32
    scf.for %scan3A_41 = %scan3A_31 to %scan3A_33 step %scan3A_34  : i32 {
      %dma_start3A = arith.constant 0 : i32
      %dma_start3A_42 = tpu.memref_slice %arg8[%scan3A_41, %dma_start3A] : memref<80x128xi32, #tpu.memory_space<vmem>> -> memref<1x128xi32, #tpu.memory_space<vmem>>
      %dma_start3A_43 = tpu.memref_squeeze %dma_start3A_42 : memref<1x128xi32, #tpu.memory_space<vmem>> -> memref<128xi32, #tpu.memory_space<vmem>>
      %dma_start3A_44 = arith.constant 0 : i32
      %dma_start3A_45 = arith.constant 0 : i32
      %dma_start3A_46 = tpu.memref_slice %arg2[%dma_start3A_44, %dma_start3A_45] : memref<10000x64xf32, #tpu.memory_space<hbm>> -> memref<10000x64xf32, #tpu.memory_space<hbm>>
      tpu.enqueue_indirect_dma source(%dma_start3A_46 : memref<10000x64xf32, #tpu.memory_space<hbm>>) target(%arg12 : memref<128x64xf32, #tpu.memory_space<vmem>>) offsets(%dma_start3A_43 : memref<128xi32, #tpu.memory_space<vmem>>) semaphore(%arg13 : memref<!tpu.dma_semaphore, #tpu.memory_space<semaphore_mem>>)
      %dma_wait3A = arith.constant 0 : i32
      %dma_wait3A_47 = tpu.memref_slice %arg8[%scan3A_41, %dma_wait3A] : memref<80x128xi32, #tpu.memory_space<vmem>> -> memref<1x128xi32, #tpu.memory_space<vmem>>
      %dma_wait3A_48 = tpu.memref_squeeze %dma_wait3A_47 : memref<1x128xi32, #tpu.memory_space<vmem>> -> memref<128xi32, #tpu.memory_space<vmem>>
      %dma_wait3A_49 = arith.constant 0 : i32
      %dma_wait3A_50 = arith.constant 0 : i32
      %dma_wait3A_51 = tpu.memref_slice %arg2[%dma_wait3A_49, %dma_wait3A_50] : memref<10000x64xf32, #tpu.memory_space<hbm>> -> memref<10000x64xf32, #tpu.memory_space<hbm>>
      tpu.wait_indirect_dma semaphore(%arg13 : memref<!tpu.dma_semaphore, #tpu.memory_space<semaphore_mem>>) src(%dma_wait3A_51 : memref<10000x64xf32, #tpu.memory_space<hbm>>) dst(%arg12 : memref<128x64xf32, #tpu.memory_space<vmem>>)
      %scan3A_52 = arith.constant 0 : i32
      %scan3A_53 = arith.constant 8 : i32
      %scan3A_54 = arith.addi %scan3A_52, %scan3A_53 : i32
      %scan3A_55 = arith.constant 1 : i32
      scf.for %scan3A_57 = %scan3A_52 to %scan3A_54 step %scan3A_55  : i32 {
        %mul3A_58 = arith.constant 16 : i32
        %mul3A_59 = arith.muli %scan3A_57, %mul3A_58 : i32
        %get3A = arith.index_cast %scan3A_41 : i32 to index
        %get3A_60 = arith.index_cast %mul3A_59 : i32 to index
        %get3A_61 = tpu.vector_load %arg8[%get3A, %get3A_60] {strides = array<i32>} : memref<80x128xi32, #tpu.memory_space<vmem>>, vector<16xi32>,
        %mul3A_62 = arith.constant 16 : i32
        %mul3A_63 = arith.muli %scan3A_57, %mul3A_62 : i32
        %get3A_64 = arith.index_cast %scan3A_41 : i32 to index
        %get3A_65 = arith.index_cast %mul3A_63 : i32 to index
        %get3A_66 = tpu.vector_load %arg9[%get3A_64, %get3A_65] {strides = array<i32>} : memref<80x128xi32, #tpu.memory_space<vmem>>, vector<16xi32>,
        %mul3A_67 = arith.constant 16 : i32
        %mul3A_68 = arith.muli %scan3A_57, %mul3A_67 : i32
        %get3A_69 = arith.index_cast %scan3A_41 : i32 to index
        %get3A_70 = arith.index_cast %mul3A_68 : i32 to index
        %get3A_71 = tpu.vector_load %arg10[%get3A_69, %get3A_70] {strides = array<i32>} : memref<80x128xf32, #tpu.memory_space<vmem>>, vector<16xf32>,
        %gather3A = tpu.vector_load_idx %arg11[%get3A_61] : memref<10240xf32, #tpu.memory_space<vmem>>[vector<16xi32>], vector<16xf32>,
        %gather3A_72 = tpu.vector_load_idx %arg11[%get3A_66] : memref<10240xf32, #tpu.memory_space<vmem>>[vector<16xi32>], vector<16xf32>,
        %mul3A_73 = arith.mulf %gather3A, %get3A_71 : vector<16xf32>
        %mul3A_74 = arith.mulf %mul3A_73, %gather3A_72 : vector<16xf32>
        %slice3A = vector.extract_strided_slice %mul3A_74 {offsets = [0], sizes = [1], strides = [1]} : vector<16xf32> to vector<1xf32>
        %squeeze3A = vector.extract %slice3A[0] : f32 from vector<1xf32>
        %mul3A_75 = arith.constant 16 : i32
        %mul3A_76 = arith.muli %scan3A_57, %mul3A_75 : i32
        %add3A_77 = arith.constant 0 : i32
        %add3A_78 = arith.addi %mul3A_76, %add3A_77 : i32
        %get3A_79 = arith.index_cast %add3A_78 : i32 to index
        %get3A_80 = arith.constant 0 : index
        %get3A_81 = tpu.vector_load %arg12[%get3A_79, %get3A_80] {strides = array<i32>} : memref<128x64xf32, #tpu.memory_space<vmem>>, vector<16xf32>,
        %mul3A_82 = vector.broadcast %squeeze3A : f32 to vector<16xf32>
        %mul3A_83 = arith.mulf %get3A_81, %mul3A_82 : vector<16xf32>
        %swap3A = arith.index_cast %add3A_78 : i32 to index
        %swap3A_84 = arith.constant 0 : index
        %swap3A_85 = tpu.vector_load %arg12[%swap3A, %swap3A_84] {strides = array<i32>} : memref<128x64xf32, #tpu.memory_space<vmem>>, vector<16xf32>,
        tpu.vector_store %arg12[%swap3A, %swap3A_84], %mul3A_83 {strides = array<i32>} : memref<128x64xf32, #tpu.memory_space<vmem>>, vector<16xf32>,
        %get3A_86 = arith.index_cast %add3A_78 : i32 to index
        %get3A_87 = arith.constant 16 : index
        %get3A_88 = tpu.vector_load %arg12[%get3A_86, %get3A_87] {strides = array<i32>} : memref<128x64xf32, #tpu.memory_space<vmem>>, vector<16xf32>,
        %mul3A_89 = vector.broadcast %squeeze3A : f32 to vector<16xf32>
        %mul3A_90 = arith.mulf %get3A_88, %mul3A_89 : vector<16xf32>
        %swap3A_91 = arith.index_cast %add3A_78 : i32 to index
        %swap3A_92 = arith.constant 16 : index
        %swap3A_93 = tpu.vector_load %arg12[%swap3A_91, %swap3A_92] {strides = array<i32>} : memref<128x64xf32, #tpu.memory_space<vmem>>, vector<16xf32>,
        tpu.vector_store %arg12[%swap3A_91, %swap3A_92], %mul3A_90 {strides = array<i32>} : memref<128x64xf32, #tpu.memory_space<vmem>>, vector<16xf32>,
        %get3A_94 = arith.index_cast %add3A_78 : i32 to index
        %get3A_95 = arith.constant 32 : index
        %get3A_96 = tpu.vector_load %arg12[%get3A_94, %get3A_95] {strides = array<i32>} : memref<128x64xf32, #tpu.memory_space<vmem>>, vector<16xf32>,
        %mul3A_97 = vector.broadcast %squeeze3A : f32 to vector<16xf32>
        %mul3A_98 = arith.mulf %get3A_96, %mul3A_97 : vector<16xf32>
        %swap3A_99 = arith.index_cast %add3A_78 : i32 to index
        %swap3A_100 = arith.constant 32 : index
        %swap3A_101 = tpu.vector_load %arg12[%swap3A_99, %swap3A_100] {strides = array<i32>} : memref<128x64xf32, #tpu.memory_space<vmem>>, vector<16xf32>,
        tpu.vector_store %arg12[%swap3A_99, %swap3A_100], %mul3A_98 {strides = array<i32>} : memref<128x64xf32, #tpu.memory_space<vmem>>, vector<16xf32>,
        %get3A_102 = arith.index_cast %add3A_78 : i32 to index
        %get3A_103 = arith.constant 48 : index
        %get3A_104 = tpu.vector_load %arg12[%get3A_102, %get3A_103] {strides = array<i32>} : memref<128x64xf32, #tpu.memory_space<vmem>>, vector<16xf32>,
        %mul3A_105 = vector.broadcast %squeeze3A : f32 to vector<16xf32>
        %mul3A_106 = arith.mulf %get3A_104, %mul3A_105 : vector<16xf32>
        %swap3A_107 = arith.index_cast %add3A_78 : i32 to index
        %swap3A_108 = arith.constant 48 : index
        %swap3A_109 = tpu.vector_load %arg12[%swap3A_107, %swap3A_108] {strides = array<i32>} : memref<128x64xf32, #tpu.memory_space<vmem>>, vector<16xf32>,
        tpu.vector_store %arg12[%swap3A_107, %swap3A_108], %mul3A_106 {strides = array<i32>} : memref<128x64xf32, #tpu.memory_space<vmem>>, vector<16xf32>,
        %slice3A_110 = vector.extract_strided_slice %mul3A_74 {offsets = [1], sizes = [1], strides = [1]} : vector<16xf32> to vector<1xf32>
        %squeeze3A_111 = vector.extract %slice3A_110[0] : f32 from vector<1xf32>
        %mul3A_112 = arith.constant 16 : i32
        %mul3A_113 = arith.muli %scan3A_57, %mul3A_112 : i32
        %add3A_114 = arith.constant 1 : i32
        %add3A_115 = arith.addi %mul3A_113, %add3A_114 : i32
        %get3A_116 = arith.index_cast %add3A_115 : i32 to index
        %get3A_117 = arith.constant 0 : index
        %get3A_118 = tpu.vector_load %arg12[%get3A_116, %get3A_117] {strides = array<i32>} : memref<128x64xf32, #tpu.memory_space<vmem>>, vector<16xf32>,
        %mul3A_119 = vector.broadcast %squeeze3A_111 : f32 to vector<16xf32>
        %mul3A_120 = arith.mulf %get3A_118, %mul3A_119 : vector<16xf32>
        %swap3A_121 = arith.index_cast %add3A_115 : i32 to index
        %swap3A_122 = arith.constant 0 : index
        %swap3A_123 = tpu.vector_load %arg12[%swap3A_121, %swap3A_122] {strides = array<i32>} : memref<128x64xf32, #tpu.memory_space<vmem>>, vector<16xf32>,
        tpu.vector_store %arg12[%swap3A_121, %swap3A_122], %mul3A_120 {strides = array<i32>} : memref<128x64xf32, #tpu.memory_space<vmem>>, vector<16xf32>,
        %get3A_124 = arith.index_cast %add3A_115 : i32 to index
        %get3A_125 = arith.constant 16 : index
        %get3A_126 = tpu.vector_load %arg12[%get3A_124, %get3A_125] {strides = array<i32>} : memref<128x64xf32, #tpu.memory_space<vmem>>, vector<16xf32>,
        %mul3A_127 = vector.broadcast %squeeze3A_111 : f32 to vector<16xf32>
        %mul3A_128 = arith.mulf %get3A_126, %mul3A_127 : vector<16xf32>
        %swap3A_129 = arith.index_cast %add3A_115 : i32 to index
        %swap3A_130 = arith.constant 16 : index
        %swap3A_131 = tpu.vector_load %arg12[%swap3A_129, %swap3A_130] {strides = array<i32>} : memref<128x64xf32, #tpu.memory_space<vmem>>, vector<16xf32>,
        tpu.vector_store %arg12[%swap3A_129, %swap3A_130], %mul3A_128 {strides = array<i32>} : memref<128x64xf32, #tpu.memory_space<vmem>>, vector<16xf32>,
        %get3A_132 = arith.index_cast %add3A_115 : i32 to index
        %get3A_133 = arith.constant 32 : index
        %get3A_134 = tpu.vector_load %arg12[%get3A_132, %get3A_133] {strides = array<i32>} : memref<128x64xf32, #tpu.memory_space<vmem>>, vector<16xf32>,
        %mul3A_135 = vector.broadcast %squeeze3A_111 : f32 to vector<16xf32>
        %mul3A_136 = arith.mulf %get3A_134, %mul3A_135 : vector<16xf32>
        %swap3A_137 = arith.index_cast %add3A_115 : i32 to index
        %swap3A_138 = arith.constant 32 : index
        %swap3A_139 = tpu.vector_load %arg12[%swap3A_137, %swap3A_138] {strides = array<i32>} : memref<128x64xf32, #tpu.memory_space<vmem>>, vector<16xf32>,
        tpu.vector_store %arg12[%swap3A_137, %swap3A_138], %mul3A_136 {strides = array<i32>} : memref<128x64xf32, #tpu.memory_space<vmem>>, vector<16xf32>,
        %get3A_140 = arith.index_cast %add3A_115 : i32 to index
        %get3A_141 = arith.constant 48 : index
        %get3A_142 = tpu.vector_load %arg12[%get3A_140, %get3A_141] {strides = array<i32>} : memref<128x64xf32, #tpu.memory_space<vmem>>, vector<16xf32>,
        %mul3A_143 = vector.broadcast %squeeze3A_111 : f32 to vector<16xf32>
        %mul3A_144 = arith.mulf %get3A_142, %mul3A_143 : vector<16xf32>
        %swap3A_145 = arith.index_cast %add3A_115 : i32 to index
        %swap3A_146 = arith.constant 48 : index
        %swap3A_147 = tpu.vector_load %arg12[%swap3A_145, %swap3A_146] {strides = array<i32>} : memref<128x64xf32, #tpu.memory_space<vmem>>, vector<16xf32>,
        tpu.vector_store %arg12[%swap3A_145, %swap3A_146], %mul3A_144 {strides = array<i32>} : memref<128x64xf32, #tpu.memory_space<vmem>>, vector<16xf32>,
        %slice3A_148 = vector.extract_strided_slice %mul3A_74 {offsets = [2], sizes = [1], strides = [1]} : vector<16xf32> to vector<1xf32>
        %squeeze3A_149 = vector.extract %slice3A_148[0] : f32 from vector<1xf32>
        %mul3A_150 = arith.constant 16 : i32
        %mul3A_151 = arith.muli %scan3A_57, %mul3A_150 : i32
        %add3A_152 = arith.constant 2 : i32
        %add3A_153 = arith.addi %mul3A_151, %add3A_152 : i32
        %get3A_154 = arith.index_cast %add3A_153 : i32 to index
        %get3A_155 = arith.constant 0 : index
        %get3A_156 = tpu.vector_load %arg12[%get3A_154, %get3A_155] {strides = array<i32>} : memref<128x64xf32, #tpu.memory_space<vmem>>, vector<16xf32>,
        %mul3A_157 = vector.broadcast %squeeze3A_149 : f32 to vector<16xf32>
        %mul3A_158 = arith.mulf %get3A_156, %mul3A_157 : vector<16xf32>
        %swap3A_159 = arith.index_cast %add3A_153 : i32 to index
        %swap3A_160 = arith.constant 0 : index
        %swap3A_161 = tpu.vector_load %arg12[%swap3A_159, %swap3A_160] {strides = array<i32>} : memref<128x64xf32, #tpu.memory_space<vmem>>, vector<16xf32>,
        tpu.vector_store %arg12[%swap3A_159, %swap3A_160], %mul3A_158 {strides = array<i32>} : memref<128x64xf32, #tpu.memory_space<vmem>>, vector<16xf32>,
        %get3A_162 = arith.index_cast %add3A_153 : i32 to index
        %get3A_163 = arith.constant 16 : index
        %get3A_164 = tpu.vector_load %arg12[%get3A_162, %get3A_163] {strides = array<i32>} : memref<128x64xf32, #tpu.memory_space<vmem>>, vector<16xf32>,
        %mul3A_165 = vector.broadcast %squeeze3A_149 : f32 to vector<16xf32>
        %mul3A_166 = arith.mulf %get3A_164, %mul3A_165 : vector<16xf32>
        %swap3A_167 = arith.index_cast %add3A_153 : i32 to index
        %swap3A_168 = arith.constant 16 : index
        %swap3A_169 = tpu.vector_load %arg12[%swap3A_167, %swap3A_168] {strides = array<i32>} : memref<128x64xf32, #tpu.memory_space<vmem>>, vector<16xf32>,
        tpu.vector_store %arg12[%swap3A_167, %swap3A_168], %mul3A_166 {strides = array<i32>} : memref<128x64xf32, #tpu.memory_space<vmem>>, vector<16xf32>,
        %get3A_170 = arith.index_cast %add3A_153 : i32 to index
        %get3A_171 = arith.constant 32 : index
        %get3A_172 = tpu.vector_load %arg12[%get3A_170, %get3A_171] {strides = array<i32>} : memref<128x64xf32, #tpu.memory_space<vmem>>, vector<16xf32>,
        %mul3A_173 = vector.broadcast %squeeze3A_149 : f32 to vector<16xf32>
        %mul3A_174 = arith.mulf %get3A_172, %mul3A_173 : vector<16xf32>
        %swap3A_175 = arith.index_cast %add3A_153 : i32 to index
        %swap3A_176 = arith.constant 32 : index
        %swap3A_177 = tpu.vector_load %arg12[%swap3A_175, %swap3A_176] {strides = array<i32>} : memref<128x64xf32, #tpu.memory_space<vmem>>, vector<16xf32>,
        tpu.vector_store %arg12[%swap3A_175, %swap3A_176], %mul3A_174 {strides = array<i32>} : memref<128x64xf32, #tpu.memory_space<vmem>>, vector<16xf32>,
        %get3A_178 = arith.index_cast %add3A_153 : i32 to index
        %get3A_179 = arith.constant 48 : index
        %get3A_180 = tpu.vector_load %arg12[%get3A_178, %get3A_179] {strides = array<i32>} : memref<128x64xf32, #tpu.memory_space<vmem>>, vector<16xf32>,
        %mul3A_181 = vector.broadcast %squeeze3A_149 : f32 to vector<16xf32>
        %mul3A_182 = arith.mulf %get3A_180, %mul3A_181 : vector<16xf32>
        %swap3A_183 = arith.index_cast %add3A_153 : i32 to index
        %swap3A_184 = arith.constant 48 : index
        %swap3A_185 = tpu.vector_load %arg12[%swap3A_183, %swap3A_184] {strides = array<i32>} : memref<128x64xf32, #tpu.memory_space<vmem>>, vector<16xf32>,
        tpu.vector_store %arg12[%swap3A_183, %swap3A_184], %mul3A_182 {strides = array<i32>} : memref<128x64xf32, #tpu.memory_space<vmem>>, vector<16xf32>,
        %slice3A_186 = vector.extract_strided_slice %mul3A_74 {offsets = [3], sizes = [1], strides = [1]} : vector<16xf32> to vector<1xf32>
        %squeeze3A_187 = vector.extract %slice3A_186[0] : f32 from vector<1xf32>
        %mul3A_188 = arith.constant 16 : i32
        %mul3A_189 = arith.muli %scan3A_57, %mul3A_188 : i32
        %add3A_190 = arith.constant 3 : i32
        %add3A_191 = arith.addi %mul3A_189, %add3A_190 : i32
        %get3A_192 = arith.index_cast %add3A_191 : i32 to index
        %get3A_193 = arith.constant 0 : index
        %get3A_194 = tpu.vector_load %arg12[%get3A_192, %get3A_193] {strides = array<i32>} : memref<128x64xf32, #tpu.memory_space<vmem>>, vector<16xf32>,
        %mul3A_195 = vector.broadcast %squeeze3A_187 : f32 to vector<16xf32>
        %mul3A_196 = arith.mulf %get3A_194, %mul3A_195 : vector<16xf32>
        %swap3A_197 = arith.index_cast %add3A_191 : i32 to index
        %swap3A_198 = arith.constant 0 : index
        %swap3A_199 = tpu.vector_load %arg12[%swap3A_197, %swap3A_198] {strides = array<i32>} : memref<128x64xf32, #tpu.memory_space<vmem>>, vector<16xf32>,
        tpu.vector_store %arg12[%swap3A_197, %swap3A_198], %mul3A_196 {strides = array<i32>} : memref<128x64xf32, #tpu.memory_space<vmem>>, vector<16xf32>,
        %get3A_200 = arith.index_cast %add3A_191 : i32 to index
        %get3A_201 = arith.constant 16 : index
        %get3A_202 = tpu.vector_load %arg12[%get3A_200, %get3A_201] {strides = array<i32>} : memref<128x64xf32, #tpu.memory_space<vmem>>, vector<16xf32>,
        %mul3A_203 = vector.broadcast %squeeze3A_187 : f32 to vector<16xf32>
        %mul3A_204 = arith.mulf %get3A_202, %mul3A_203 : vector<16xf32>
        %swap3A_205 = arith.index_cast %add3A_191 : i32 to index
        %swap3A_206 = arith.constant 16 : index
        %swap3A_207 = tpu.vector_load %arg12[%swap3A_205, %swap3A_206] {strides = array<i32>} : memref<128x64xf32, #tpu.memory_space<vmem>>, vector<16xf32>,
        tpu.vector_store %arg12[%swap3A_205, %swap3A_206], %mul3A_204 {strides = array<i32>} : memref<128x64xf32, #tpu.memory_space<vmem>>, vector<16xf32>,
        %get3A_208 = arith.index_cast %add3A_191 : i32 to index
        %get3A_209 = arith.constant 32 : index
        %get3A_210 = tpu.vector_load %arg12[%get3A_208, %get3A_209] {strides = array<i32>} : memref<128x64xf32, #tpu.memory_space<vmem>>, vector<16xf32>,
        %mul3A_211 = vector.broadcast %squeeze3A_187 : f32 to vector<16xf32>
        %mul3A_212 = arith.mulf %get3A_210, %mul3A_211 : vector<16xf32>
        %swap3A_213 = arith.index_cast %add3A_191 : i32 to index
        %swap3A_214 = arith.constant 32 : index
        %swap3A_215 = tpu.vector_load %arg12[%swap3A_213, %swap3A_214] {strides = array<i32>} : memref<128x64xf32, #tpu.memory_space<vmem>>, vector<16xf32>,
        tpu.vector_store %arg12[%swap3A_213, %swap3A_214], %mul3A_212 {strides = array<i32>} : memref<128x64xf32, #tpu.memory_space<vmem>>, vector<16xf32>,
        %get3A_216 = arith.index_cast %add3A_191 : i32 to index
        %get3A_217 = arith.constant 48 : index
        %get3A_218 = tpu.vector_load %arg12[%get3A_216, %get3A_217] {strides = array<i32>} : memref<128x64xf32, #tpu.memory_space<vmem>>, vector<16xf32>,
        %mul3A_219 = vector.broadcast %squeeze3A_187 : f32 to vector<16xf32>
        %mul3A_220 = arith.mulf %get3A_218, %mul3A_219 : vector<16xf32>
        %swap3A_221 = arith.index_cast %add3A_191 : i32 to index
        %swap3A_222 = arith.constant 48 : index
        %swap3A_223 = tpu.vector_load %arg12[%swap3A_221, %swap3A_222] {strides = array<i32>} : memref<128x64xf32, #tpu.memory_space<vmem>>, vector<16xf32>,
        tpu.vector_store %arg12[%swap3A_221, %swap3A_222], %mul3A_220 {strides = array<i32>} : memref<128x64xf32, #tpu.memory_space<vmem>>, vector<16xf32>,
        %slice3A_224 = vector.extract_strided_slice %mul3A_74 {offsets = [4], sizes = [1], strides = [1]} : vector<16xf32> to vector<1xf32>
        %squeeze3A_225 = vector.extract %slice3A_224[0] : f32 from vector<1xf32>
        %mul3A_226 = arith.constant 16 : i32
        %mul3A_227 = arith.muli %scan3A_57, %mul3A_226 : i32
        %add3A_228 = arith.constant 4 : i32
        %add3A_229 = arith.addi %mul3A_227, %add3A_228 : i32
        %get3A_230 = arith.index_cast %add3A_229 : i32 to index
        %get3A_231 = arith.constant 0 : index
        %get3A_232 = tpu.vector_load %arg12[%get3A_230, %get3A_231] {strides = array<i32>} : memref<128x64xf32, #tpu.memory_space<vmem>>, vector<16xf32>,
        %mul3A_233 = vector.broadcast %squeeze3A_225 : f32 to vector<16xf32>
        %mul3A_234 = arith.mulf %get3A_232, %mul3A_233 : vector<16xf32>
        %swap3A_235 = arith.index_cast %add3A_229 : i32 to index
        %swap3A_236 = arith.constant 0 : index
        %swap3A_237 = tpu.vector_load %arg12[%swap3A_235, %swap3A_236] {strides = array<i32>} : memref<128x64xf32, #tpu.memory_space<vmem>>, vector<16xf32>,
        tpu.vector_store %arg12[%swap3A_235, %swap3A_236], %mul3A_234 {strides = array<i32>} : memref<128x64xf32, #tpu.memory_space<vmem>>, vector<16xf32>,
        %get3A_238 = arith.index_cast %add3A_229 : i32 to index
        %get3A_239 = arith.constant 16 : index
        %get3A_240 = tpu.vector_load %arg12[%get3A_238, %get3A_239] {strides = array<i32>} : memref<128x64xf32, #tpu.memory_space<vmem>>, vector<16xf32>,
        %mul3A_241 = vector.broadcast %squeeze3A_225 : f32 to vector<16xf32>
        %mul3A_242 = arith.mulf %get3A_240, %mul3A_241 : vector<16xf32>
        %swap3A_243 = arith.index_cast %add3A_229 : i32 to index
        %swap3A_244 = arith.constant 16 : index
        %swap3A_245 = tpu.vector_load %arg12[%swap3A_243, %swap3A_244] {strides = array<i32>} : memref<128x64xf32, #tpu.memory_space<vmem>>, vector<16xf32>,
        tpu.vector_store %arg12[%swap3A_243, %swap3A_244], %mul3A_242 {strides = array<i32>} : memref<128x64xf32, #tpu.memory_space<vmem>>, vector<16xf32>,
        %get3A_246 = arith.index_cast %add3A_229 : i32 to index
        %get3A_247 = arith.constant 32 : index
        %get3A_248 = tpu.vector_load %arg12[%get3A_246, %get3A_247] {strides = array<i32>} : memref<128x64xf32, #tpu.memory_space<vmem>>, vector<16xf32>,
        %mul3A_249 = vector.broadcast %squeeze3A_225 : f32 to vector<16xf32>
        %mul3A_250 = arith.mulf %get3A_248, %mul3A_249 : vector<16xf32>
        %swap3A_251 = arith.index_cast %add3A_229 : i32 to index
        %swap3A_252 = arith.constant 32 : index
        %swap3A_253 = tpu.vector_load %arg12[%swap3A_251, %swap3A_252] {strides = array<i32>} : memref<128x64xf32, #tpu.memory_space<vmem>>, vector<16xf32>,
        tpu.vector_store %arg12[%swap3A_251, %swap3A_252], %mul3A_250 {strides = array<i32>} : memref<128x64xf32, #tpu.memory_space<vmem>>, vector<16xf32>,
        %get3A_254 = arith.index_cast %add3A_229 : i32 to index
        %get3A_255 = arith.constant 48 : index
        %get3A_256 = tpu.vector_load %arg12[%get3A_254, %get3A_255] {strides = array<i32>} : memref<128x64xf32, #tpu.memory_space<vmem>>, vector<16xf32>,
        %mul3A_257 = vector.broadcast %squeeze3A_225 : f32 to vector<16xf32>
        %mul3A_258 = arith.mulf %get3A_256, %mul3A_257 : vector<16xf32>
        %swap3A_259 = arith.index_cast %add3A_229 : i32 to index
        %swap3A_260 = arith.constant 48 : index
        %swap3A_261 = tpu.vector_load %arg12[%swap3A_259, %swap3A_260] {strides = array<i32>} : memref<128x64xf32, #tpu.memory_space<vmem>>, vector<16xf32>,
        tpu.vector_store %arg12[%swap3A_259, %swap3A_260], %mul3A_258 {strides = array<i32>} : memref<128x64xf32, #tpu.memory_space<vmem>>, vector<16xf32>,
        %slice3A_262 = vector.extract_strided_slice %mul3A_74 {offsets = [5], sizes = [1], strides = [1]} : vector<16xf32> to vector<1xf32>
        %squeeze3A_263 = vector.extract %slice3A_262[0] : f32 from vector<1xf32>
        %mul3A_264 = arith.constant 16 : i32
        %mul3A_265 = arith.muli %scan3A_57, %mul3A_264 : i32
        %add3A_266 = arith.constant 5 : i32
        %add3A_267 = arith.addi %mul3A_265, %add3A_266 : i32
        %get3A_268 = arith.index_cast %add3A_267 : i32 to index
        %get3A_269 = arith.constant 0 : index
        %get3A_270 = tpu.vector_load %arg12[%get3A_268, %get3A_269] {strides = array<i32>} : memref<128x64xf32, #tpu.memory_space<vmem>>, vector<16xf32>,
        %mul3A_271 = vector.broadcast %squeeze3A_263 : f32 to vector<16xf32>
        %mul3A_272 = arith.mulf %get3A_270, %mul3A_271 : vector<16xf32>
        %swap3A_273 = arith.index_cast %add3A_267 : i32 to index
        %swap3A_274 = arith.constant 0 : index
        %swap3A_275 = tpu.vector_load %arg12[%swap3A_273, %swap3A_274] {strides = array<i32>} : memref<128x64xf32, #tpu.memory_space<vmem>>, vector<16xf32>,
        tpu.vector_store %arg12[%swap3A_273, %swap3A_274], %mul3A_272 {strides = array<i32>} : memref<128x64xf32, #tpu.memory_space<vmem>>, vector<16xf32>,
        %get3A_276 = arith.index_cast %add3A_267 : i32 to index
        %get3A_277 = arith.constant 16 : index
        %get3A_278 = tpu.vector_load %arg12[%get3A_276, %get3A_277] {strides = array<i32>} : memref<128x64xf32, #tpu.memory_space<vmem>>, vector<16xf32>,
        %mul3A_279 = vector.broadcast %squeeze3A_263 : f32 to vector<16xf32>
        %mul3A_280 = arith.mulf %get3A_278, %mul3A_279 : vector<16xf32>
        %swap3A_281 = arith.index_cast %add3A_267 : i32 to index
        %swap3A_282 = arith.constant 16 : index
        %swap3A_283 = tpu.vector_load %arg12[%swap3A_281, %swap3A_282] {strides = array<i32>} : memref<128x64xf32, #tpu.memory_space<vmem>>, vector<16xf32>,
        tpu.vector_store %arg12[%swap3A_281, %swap3A_282], %mul3A_280 {strides = array<i32>} : memref<128x64xf32, #tpu.memory_space<vmem>>, vector<16xf32>,
        %get3A_284 = arith.index_cast %add3A_267 : i32 to index
        %get3A_285 = arith.constant 32 : index
        %get3A_286 = tpu.vector_load %arg12[%get3A_284, %get3A_285] {strides = array<i32>} : memref<128x64xf32, #tpu.memory_space<vmem>>, vector<16xf32>,
        %mul3A_287 = vector.broadcast %squeeze3A_263 : f32 to vector<16xf32>
        %mul3A_288 = arith.mulf %get3A_286, %mul3A_287 : vector<16xf32>
        %swap3A_289 = arith.index_cast %add3A_267 : i32 to index
        %swap3A_290 = arith.constant 32 : index
        %swap3A_291 = tpu.vector_load %arg12[%swap3A_289, %swap3A_290] {strides = array<i32>} : memref<128x64xf32, #tpu.memory_space<vmem>>, vector<16xf32>,
        tpu.vector_store %arg12[%swap3A_289, %swap3A_290], %mul3A_288 {strides = array<i32>} : memref<128x64xf32, #tpu.memory_space<vmem>>, vector<16xf32>,
        %get3A_292 = arith.index_cast %add3A_267 : i32 to index
        %get3A_293 = arith.constant 48 : index
        %get3A_294 = tpu.vector_load %arg12[%get3A_292, %get3A_293] {strides = array<i32>} : memref<128x64xf32, #tpu.memory_space<vmem>>, vector<16xf32>,
        %mul3A_295 = vector.broadcast %squeeze3A_263 : f32 to vector<16xf32>
        %mul3A_296 = arith.mulf %get3A_294, %mul3A_295 : vector<16xf32>
        %swap3A_297 = arith.index_cast %add3A_267 : i32 to index
        %swap3A_298 = arith.constant 48 : index
        %swap3A_299 = tpu.vector_load %arg12[%swap3A_297, %swap3A_298] {strides = array<i32>} : memref<128x64xf32, #tpu.memory_space<vmem>>, vector<16xf32>,
        tpu.vector_store %arg12[%swap3A_297, %swap3A_298], %mul3A_296 {strides = array<i32>} : memref<128x64xf32, #tpu.memory_space<vmem>>, vector<16xf32>,
        %slice3A_300 = vector.extract_strided_slice %mul3A_74 {offsets = [6], sizes = [1], strides = [1]} : vector<16xf32> to vector<1xf32>
        %squeeze3A_301 = vector.extract %slice3A_300[0] : f32 from vector<1xf32>
        %mul3A_302 = arith.constant 16 : i32
        %mul3A_303 = arith.muli %scan3A_57, %mul3A_302 : i32
        %add3A_304 = arith.constant 6 : i32
        %add3A_305 = arith.addi %mul3A_303, %add3A_304 : i32
        %get3A_306 = arith.index_cast %add3A_305 : i32 to index
        %get3A_307 = arith.constant 0 : index
        %get3A_308 = tpu.vector_load %arg12[%get3A_306, %get3A_307] {strides = array<i32>} : memref<128x64xf32, #tpu.memory_space<vmem>>, vector<16xf32>,
        %mul3A_309 = vector.broadcast %squeeze3A_301 : f32 to vector<16xf32>
        %mul3A_310 = arith.mulf %get3A_308, %mul3A_309 : vector<16xf32>
        %swap3A_311 = arith.index_cast %add3A_305 : i32 to index
        %swap3A_312 = arith.constant 0 : index
        %swap3A_313 = tpu.vector_load %arg12[%swap3A_311, %swap3A_312] {strides = array<i32>} : memref<128x64xf32, #tpu.memory_space<vmem>>, vector<16xf32>,
        tpu.vector_store %arg12[%swap3A_311, %swap3A_312], %mul3A_310 {strides = array<i32>} : memref<128x64xf32, #tpu.memory_space<vmem>>, vector<16xf32>,
        %get3A_314 = arith.index_cast %add3A_305 : i32 to index
        %get3A_315 = arith.constant 16 : index
        %get3A_316 = tpu.vector_load %arg12[%get3A_314, %get3A_315] {strides = array<i32>} : memref<128x64xf32, #tpu.memory_space<vmem>>, vector<16xf32>,
        %mul3A_317 = vector.broadcast %squeeze3A_301 : f32 to vector<16xf32>
        %mul3A_318 = arith.mulf %get3A_316, %mul3A_317 : vector<16xf32>
        %swap3A_319 = arith.index_cast %add3A_305 : i32 to index
        %swap3A_320 = arith.constant 16 : index
        %swap3A_321 = tpu.vector_load %arg12[%swap3A_319, %swap3A_320] {strides = array<i32>} : memref<128x64xf32, #tpu.memory_space<vmem>>, vector<16xf32>,
        tpu.vector_store %arg12[%swap3A_319, %swap3A_320], %mul3A_318 {strides = array<i32>} : memref<128x64xf32, #tpu.memory_space<vmem>>, vector<16xf32>,
        %get3A_322 = arith.index_cast %add3A_305 : i32 to index
        %get3A_323 = arith.constant 32 : index
        %get3A_324 = tpu.vector_load %arg12[%get3A_322, %get3A_323] {strides = array<i32>} : memref<128x64xf32, #tpu.memory_space<vmem>>, vector<16xf32>,
        %mul3A_325 = vector.broadcast %squeeze3A_301 : f32 to vector<16xf32>
        %mul3A_326 = arith.mulf %get3A_324, %mul3A_325 : vector<16xf32>
        %swap3A_327 = arith.index_cast %add3A_305 : i32 to index
        %swap3A_328 = arith.constant 32 : index
        %swap3A_329 = tpu.vector_load %arg12[%swap3A_327, %swap3A_328] {strides = array<i32>} : memref<128x64xf32, #tpu.memory_space<vmem>>, vector<16xf32>,
        tpu.vector_store %arg12[%swap3A_327, %swap3A_328], %mul3A_326 {strides = array<i32>} : memref<128x64xf32, #tpu.memory_space<vmem>>, vector<16xf32>,
        %get3A_330 = arith.index_cast %add3A_305 : i32 to index
        %get3A_331 = arith.constant 48 : index
        %get3A_332 = tpu.vector_load %arg12[%get3A_330, %get3A_331] {strides = array<i32>} : memref<128x64xf32, #tpu.memory_space<vmem>>, vector<16xf32>,
        %mul3A_333 = vector.broadcast %squeeze3A_301 : f32 to vector<16xf32>
        %mul3A_334 = arith.mulf %get3A_332, %mul3A_333 : vector<16xf32>
        %swap3A_335 = arith.index_cast %add3A_305 : i32 to index
        %swap3A_336 = arith.constant 48 : index
        %swap3A_337 = tpu.vector_load %arg12[%swap3A_335, %swap3A_336] {strides = array<i32>} : memref<128x64xf32, #tpu.memory_space<vmem>>, vector<16xf32>,
        tpu.vector_store %arg12[%swap3A_335, %swap3A_336], %mul3A_334 {strides = array<i32>} : memref<128x64xf32, #tpu.memory_space<vmem>>, vector<16xf32>,
        %slice3A_338 = vector.extract_strided_slice %mul3A_74 {offsets = [7], sizes = [1], strides = [1]} : vector<16xf32> to vector<1xf32>
        %squeeze3A_339 = vector.extract %slice3A_338[0] : f32 from vector<1xf32>
        %mul3A_340 = arith.constant 16 : i32
        %mul3A_341 = arith.muli %scan3A_57, %mul3A_340 : i32
        %add3A_342 = arith.constant 7 : i32
        %add3A_343 = arith.addi %mul3A_341, %add3A_342 : i32
        %get3A_344 = arith.index_cast %add3A_343 : i32 to index
        %get3A_345 = arith.constant 0 : index
        %get3A_346 = tpu.vector_load %arg12[%get3A_344, %get3A_345] {strides = array<i32>} : memref<128x64xf32, #tpu.memory_space<vmem>>, vector<16xf32>,
        %mul3A_347 = vector.broadcast %squeeze3A_339 : f32 to vector<16xf32>
        %mul3A_348 = arith.mulf %get3A_346, %mul3A_347 : vector<16xf32>
        %swap3A_349 = arith.index_cast %add3A_343 : i32 to index
        %swap3A_350 = arith.constant 0 : index
        %swap3A_351 = tpu.vector_load %arg12[%swap3A_349, %swap3A_350] {strides = array<i32>} : memref<128x64xf32, #tpu.memory_space<vmem>>, vector<16xf32>,
        tpu.vector_store %arg12[%swap3A_349, %swap3A_350], %mul3A_348 {strides = array<i32>} : memref<128x64xf32, #tpu.memory_space<vmem>>, vector<16xf32>,
        %get3A_352 = arith.index_cast %add3A_343 : i32 to index
        %get3A_353 = arith.constant 16 : index
        %get3A_354 = tpu.vector_load %arg12[%get3A_352, %get3A_353] {strides = array<i32>} : memref<128x64xf32, #tpu.memory_space<vmem>>, vector<16xf32>,
        %mul3A_355 = vector.broadcast %squeeze3A_339 : f32 to vector<16xf32>
        %mul3A_356 = arith.mulf %get3A_354, %mul3A_355 : vector<16xf32>
        %swap3A_357 = arith.index_cast %add3A_343 : i32 to index
        %swap3A_358 = arith.constant 16 : index
        %swap3A_359 = tpu.vector_load %arg12[%swap3A_357, %swap3A_358] {strides = array<i32>} : memref<128x64xf32, #tpu.memory_space<vmem>>, vector<16xf32>,
        tpu.vector_store %arg12[%swap3A_357, %swap3A_358], %mul3A_356 {strides = array<i32>} : memref<128x64xf32, #tpu.memory_space<vmem>>, vector<16xf32>,
        %get3A_360 = arith.index_cast %add3A_343 : i32 to index
        %get3A_361 = arith.constant 32 : index
        %get3A_362 = tpu.vector_load %arg12[%get3A_360, %get3A_361] {strides = array<i32>} : memref<128x64xf32, #tpu.memory_space<vmem>>, vector<16xf32>,
        %mul3A_363 = vector.broadcast %squeeze3A_339 : f32 to vector<16xf32>
        %mul3A_364 = arith.mulf %get3A_362, %mul3A_363 : vector<16xf32>
        %swap3A_365 = arith.index_cast %add3A_343 : i32 to index
        %swap3A_366 = arith.constant 32 : index
        %swap3A_367 = tpu.vector_load %arg12[%swap3A_365, %swap3A_366] {strides = array<i32>} : memref<128x64xf32, #tpu.memory_space<vmem>>, vector<16xf32>,
        tpu.vector_store %arg12[%swap3A_365, %swap3A_366], %mul3A_364 {strides = array<i32>} : memref<128x64xf32, #tpu.memory_space<vmem>>, vector<16xf32>,
        %get3A_368 = arith.index_cast %add3A_343 : i32 to index
        %get3A_369 = arith.constant 48 : index
        %get3A_370 = tpu.vector_load %arg12[%get3A_368, %get3A_369] {strides = array<i32>} : memref<128x64xf32, #tpu.memory_space<vmem>>, vector<16xf32>,
        %mul3A_371 = vector.broadcast %squeeze3A_339 : f32 to vector<16xf32>
        %mul3A_372 = arith.mulf %get3A_370, %mul3A_371 : vector<16xf32>
        %swap3A_373 = arith.index_cast %add3A_343 : i32 to index
        %swap3A_374 = arith.constant 48 : index
        %swap3A_375 = tpu.vector_load %arg12[%swap3A_373, %swap3A_374] {strides = array<i32>} : memref<128x64xf32, #tpu.memory_space<vmem>>, vector<16xf32>,
        tpu.vector_store %arg12[%swap3A_373, %swap3A_374], %mul3A_372 {strides = array<i32>} : memref<128x64xf32, #tpu.memory_space<vmem>>, vector<16xf32>,
        %slice3A_376 = vector.extract_strided_slice %mul3A_74 {offsets = [8], sizes = [1], strides = [1]} : vector<16xf32> to vector<1xf32>
        %squeeze3A_377 = vector.extract %slice3A_376[0] : f32 from vector<1xf32>
        %mul3A_378 = arith.constant 16 : i32
        %mul3A_379 = arith.muli %scan3A_57, %mul3A_378 : i32
        %add3A_380 = arith.constant 8 : i32
        %add3A_381 = arith.addi %mul3A_379, %add3A_380 : i32
        %get3A_382 = arith.index_cast %add3A_381 : i32 to index
        %get3A_383 = arith.constant 0 : index
        %get3A_384 = tpu.vector_load %arg12[%get3A_382, %get3A_383] {strides = array<i32>} : memref<128x64xf32, #tpu.memory_space<vmem>>, vector<16xf32>,
        %mul3A_385 = vector.broadcast %squeeze3A_377 : f32 to vector<16xf32>
        %mul3A_386 = arith.mulf %get3A_384, %mul3A_385 : vector<16xf32>
        %swap3A_387 = arith.index_cast %add3A_381 : i32 to index
        %swap3A_388 = arith.constant 0 : index
        %swap3A_389 = tpu.vector_load %arg12[%swap3A_387, %swap3A_388] {strides = array<i32>} : memref<128x64xf32, #tpu.memory_space<vmem>>, vector<16xf32>,
        tpu.vector_store %arg12[%swap3A_387, %swap3A_388], %mul3A_386 {strides = array<i32>} : memref<128x64xf32, #tpu.memory_space<vmem>>, vector<16xf32>,
        %get3A_390 = arith.index_cast %add3A_381 : i32 to index
        %get3A_391 = arith.constant 16 : index
        %get3A_392 = tpu.vector_load %arg12[%get3A_390, %get3A_391] {strides = array<i32>} : memref<128x64xf32, #tpu.memory_space<vmem>>, vector<16xf32>,
        %mul3A_393 = vector.broadcast %squeeze3A_377 : f32 to vector<16xf32>
        %mul3A_394 = arith.mulf %get3A_392, %mul3A_393 : vector<16xf32>
        %swap3A_395 = arith.index_cast %add3A_381 : i32 to index
        %swap3A_396 = arith.constant 16 : index
        %swap3A_397 = tpu.vector_load %arg12[%swap3A_395, %swap3A_396] {strides = array<i32>} : memref<128x64xf32, #tpu.memory_space<vmem>>, vector<16xf32>,
        tpu.vector_store %arg12[%swap3A_395, %swap3A_396], %mul3A_394 {strides = array<i32>} : memref<128x64xf32, #tpu.memory_space<vmem>>, vector<16xf32>,
        %get3A_398 = arith.index_cast %add3A_381 : i32 to index
        %get3A_399 = arith.constant 32 : index
        %get3A_400 = tpu.vector_load %arg12[%get3A_398, %get3A_399] {strides = array<i32>} : memref<128x64xf32, #tpu.memory_space<vmem>>, vector<16xf32>,
        %mul3A_401 = vector.broadcast %squeeze3A_377 : f32 to vector<16xf32>
        %mul3A_402 = arith.mulf %get3A_400, %mul3A_401 : vector<16xf32>
        %swap3A_403 = arith.index_cast %add3A_381 : i32 to index
        %swap3A_404 = arith.constant 32 : index
        %swap3A_405 = tpu.vector_load %arg12[%swap3A_403, %swap3A_404] {strides = array<i32>} : memref<128x64xf32, #tpu.memory_space<vmem>>, vector<16xf32>,
        tpu.vector_store %arg12[%swap3A_403, %swap3A_404], %mul3A_402 {strides = array<i32>} : memref<128x64xf32, #tpu.memory_space<vmem>>, vector<16xf32>,
        %get3A_406 = arith.index_cast %add3A_381 : i32 to index
        %get3A_407 = arith.constant 48 : index
        %get3A_408 = tpu.vector_load %arg12[%get3A_406, %get3A_407] {strides = array<i32>} : memref<128x64xf32, #tpu.memory_space<vmem>>, vector<16xf32>,
        %mul3A_409 = vector.broadcast %squeeze3A_377 : f32 to vector<16xf32>
        %mul3A_410 = arith.mulf %get3A_408, %mul3A_409 : vector<16xf32>
        %swap3A_411 = arith.index_cast %add3A_381 : i32 to index
        %swap3A_412 = arith.constant 48 : index
        %swap3A_413 = tpu.vector_load %arg12[%swap3A_411, %swap3A_412] {strides = array<i32>} : memref<128x64xf32, #tpu.memory_space<vmem>>, vector<16xf32>,
        tpu.vector_store %arg12[%swap3A_411, %swap3A_412], %mul3A_410 {strides = array<i32>} : memref<128x64xf32, #tpu.memory_space<vmem>>, vector<16xf32>,
        %slice3A_414 = vector.extract_strided_slice %mul3A_74 {offsets = [9], sizes = [1], strides = [1]} : vector<16xf32> to vector<1xf32>
        %squeeze3A_415 = vector.extract %slice3A_414[0] : f32 from vector<1xf32>
        %mul3A_416 = arith.constant 16 : i32
        %mul3A_417 = arith.muli %scan3A_57, %mul3A_416 : i32
        %add3A_418 = arith.constant 9 : i32
        %add3A_419 = arith.addi %mul3A_417, %add3A_418 : i32
        %get3A_420 = arith.index_cast %add3A_419 : i32 to index
        %get3A_421 = arith.constant 0 : index
        %get3A_422 = tpu.vector_load %arg12[%get3A_420, %get3A_421] {strides = array<i32>} : memref<128x64xf32, #tpu.memory_space<vmem>>, vector<16xf32>,
        %mul3A_423 = vector.broadcast %squeeze3A_415 : f32 to vector<16xf32>
        %mul3A_424 = arith.mulf %get3A_422, %mul3A_423 : vector<16xf32>
        %swap3A_425 = arith.index_cast %add3A_419 : i32 to index
        %swap3A_426 = arith.constant 0 : index
        %swap3A_427 = tpu.vector_load %arg12[%swap3A_425, %swap3A_426] {strides = array<i32>} : memref<128x64xf32, #tpu.memory_space<vmem>>, vector<16xf32>,
        tpu.vector_store %arg12[%swap3A_425, %swap3A_426], %mul3A_424 {strides = array<i32>} : memref<128x64xf32, #tpu.memory_space<vmem>>, vector<16xf32>,
        %get3A_428 = arith.index_cast %add3A_419 : i32 to index
        %get3A_429 = arith.constant 16 : index
        %get3A_430 = tpu.vector_load %arg12[%get3A_428, %get3A_429] {strides = array<i32>} : memref<128x64xf32, #tpu.memory_space<vmem>>, vector<16xf32>,
        %mul3A_431 = vector.broadcast %squeeze3A_415 : f32 to vector<16xf32>
        %mul3A_432 = arith.mulf %get3A_430, %mul3A_431 : vector<16xf32>
        %swap3A_433 = arith.index_cast %add3A_419 : i32 to index
        %swap3A_434 = arith.constant 16 : index
        %swap3A_435 = tpu.vector_load %arg12[%swap3A_433, %swap3A_434] {strides = array<i32>} : memref<128x64xf32, #tpu.memory_space<vmem>>, vector<16xf32>,
        tpu.vector_store %arg12[%swap3A_433, %swap3A_434], %mul3A_432 {strides = array<i32>} : memref<128x64xf32, #tpu.memory_space<vmem>>, vector<16xf32>,
        %get3A_436 = arith.index_cast %add3A_419 : i32 to index
        %get3A_437 = arith.constant 32 : index
        %get3A_438 = tpu.vector_load %arg12[%get3A_436, %get3A_437] {strides = array<i32>} : memref<128x64xf32, #tpu.memory_space<vmem>>, vector<16xf32>,
        %mul3A_439 = vector.broadcast %squeeze3A_415 : f32 to vector<16xf32>
        %mul3A_440 = arith.mulf %get3A_438, %mul3A_439 : vector<16xf32>
        %swap3A_441 = arith.index_cast %add3A_419 : i32 to index
        %swap3A_442 = arith.constant 32 : index
        %swap3A_443 = tpu.vector_load %arg12[%swap3A_441, %swap3A_442] {strides = array<i32>} : memref<128x64xf32, #tpu.memory_space<vmem>>, vector<16xf32>,
        tpu.vector_store %arg12[%swap3A_441, %swap3A_442], %mul3A_440 {strides = array<i32>} : memref<128x64xf32, #tpu.memory_space<vmem>>, vector<16xf32>,
        %get3A_444 = arith.index_cast %add3A_419 : i32 to index
        %get3A_445 = arith.constant 48 : index
        %get3A_446 = tpu.vector_load %arg12[%get3A_444, %get3A_445] {strides = array<i32>} : memref<128x64xf32, #tpu.memory_space<vmem>>, vector<16xf32>,
        %mul3A_447 = vector.broadcast %squeeze3A_415 : f32 to vector<16xf32>
        %mul3A_448 = arith.mulf %get3A_446, %mul3A_447 : vector<16xf32>
        %swap3A_449 = arith.index_cast %add3A_419 : i32 to index
        %swap3A_450 = arith.constant 48 : index
        %swap3A_451 = tpu.vector_load %arg12[%swap3A_449, %swap3A_450] {strides = array<i32>} : memref<128x64xf32, #tpu.memory_space<vmem>>, vector<16xf32>,
        tpu.vector_store %arg12[%swap3A_449, %swap3A_450], %mul3A_448 {strides = array<i32>} : memref<128x64xf32, #tpu.memory_space<vmem>>, vector<16xf32>,
        %slice3A_452 = vector.extract_strided_slice %mul3A_74 {offsets = [10], sizes = [1], strides = [1]} : vector<16xf32> to vector<1xf32>
        %squeeze3A_453 = vector.extract %slice3A_452[0] : f32 from vector<1xf32>
        %mul3A_454 = arith.constant 16 : i32
        %mul3A_455 = arith.muli %scan3A_57, %mul3A_454 : i32
        %add3A_456 = arith.constant 10 : i32
        %add3A_457 = arith.addi %mul3A_455, %add3A_456 : i32
        %get3A_458 = arith.index_cast %add3A_457 : i32 to index
        %get3A_459 = arith.constant 0 : index
        %get3A_460 = tpu.vector_load %arg12[%get3A_458, %get3A_459] {strides = array<i32>} : memref<128x64xf32, #tpu.memory_space<vmem>>, vector<16xf32>,
        %mul3A_461 = vector.broadcast %squeeze3A_453 : f32 to vector<16xf32>
        %mul3A_462 = arith.mulf %get3A_460, %mul3A_461 : vector<16xf32>
        %swap3A_463 = arith.index_cast %add3A_457 : i32 to index
        %swap3A_464 = arith.constant 0 : index
        %swap3A_465 = tpu.vector_load %arg12[%swap3A_463, %swap3A_464] {strides = array<i32>} : memref<128x64xf32, #tpu.memory_space<vmem>>, vector<16xf32>,
        tpu.vector_store %arg12[%swap3A_463, %swap3A_464], %mul3A_462 {strides = array<i32>} : memref<128x64xf32, #tpu.memory_space<vmem>>, vector<16xf32>,
        %get3A_466 = arith.index_cast %add3A_457 : i32 to index
        %get3A_467 = arith.constant 16 : index
        %get3A_468 = tpu.vector_load %arg12[%get3A_466, %get3A_467] {strides = array<i32>} : memref<128x64xf32, #tpu.memory_space<vmem>>, vector<16xf32>,
        %mul3A_469 = vector.broadcast %squeeze3A_453 : f32 to vector<16xf32>
        %mul3A_470 = arith.mulf %get3A_468, %mul3A_469 : vector<16xf32>
        %swap3A_471 = arith.index_cast %add3A_457 : i32 to index
        %swap3A_472 = arith.constant 16 : index
        %swap3A_473 = tpu.vector_load %arg12[%swap3A_471, %swap3A_472] {strides = array<i32>} : memref<128x64xf32, #tpu.memory_space<vmem>>, vector<16xf32>,
        tpu.vector_store %arg12[%swap3A_471, %swap3A_472], %mul3A_470 {strides = array<i32>} : memref<128x64xf32, #tpu.memory_space<vmem>>, vector<16xf32>,
        %get3A_474 = arith.index_cast %add3A_457 : i32 to index
        %get3A_475 = arith.constant 32 : index
        %get3A_476 = tpu.vector_load %arg12[%get3A_474, %get3A_475] {strides = array<i32>} : memref<128x64xf32, #tpu.memory_space<vmem>>, vector<16xf32>,
        %mul3A_477 = vector.broadcast %squeeze3A_453 : f32 to vector<16xf32>
        %mul3A_478 = arith.mulf %get3A_476, %mul3A_477 : vector<16xf32>
        %swap3A_479 = arith.index_cast %add3A_457 : i32 to index
        %swap3A_480 = arith.constant 32 : index
        %swap3A_481 = tpu.vector_load %arg12[%swap3A_479, %swap3A_480] {strides = array<i32>} : memref<128x64xf32, #tpu.memory_space<vmem>>, vector<16xf32>,
        tpu.vector_store %arg12[%swap3A_479, %swap3A_480], %mul3A_478 {strides = array<i32>} : memref<128x64xf32, #tpu.memory_space<vmem>>, vector<16xf32>,
        %get3A_482 = arith.index_cast %add3A_457 : i32 to index
        %get3A_483 = arith.constant 48 : index
        %get3A_484 = tpu.vector_load %arg12[%get3A_482, %get3A_483] {strides = array<i32>} : memref<128x64xf32, #tpu.memory_space<vmem>>, vector<16xf32>,
        %mul3A_485 = vector.broadcast %squeeze3A_453 : f32 to vector<16xf32>
        %mul3A_486 = arith.mulf %get3A_484, %mul3A_485 : vector<16xf32>
        %swap3A_487 = arith.index_cast %add3A_457 : i32 to index
        %swap3A_488 = arith.constant 48 : index
        %swap3A_489 = tpu.vector_load %arg12[%swap3A_487, %swap3A_488] {strides = array<i32>} : memref<128x64xf32, #tpu.memory_space<vmem>>, vector<16xf32>,
        tpu.vector_store %arg12[%swap3A_487, %swap3A_488], %mul3A_486 {strides = array<i32>} : memref<128x64xf32, #tpu.memory_space<vmem>>, vector<16xf32>,
        %slice3A_490 = vector.extract_strided_slice %mul3A_74 {offsets = [11], sizes = [1], strides = [1]} : vector<16xf32> to vector<1xf32>
        %squeeze3A_491 = vector.extract %slice3A_490[0] : f32 from vector<1xf32>
        %mul3A_492 = arith.constant 16 : i32
        %mul3A_493 = arith.muli %scan3A_57, %mul3A_492 : i32
        %add3A_494 = arith.constant 11 : i32
        %add3A_495 = arith.addi %mul3A_493, %add3A_494 : i32
        %get3A_496 = arith.index_cast %add3A_495 : i32 to index
        %get3A_497 = arith.constant 0 : index
        %get3A_498 = tpu.vector_load %arg12[%get3A_496, %get3A_497] {strides = array<i32>} : memref<128x64xf32, #tpu.memory_space<vmem>>, vector<16xf32>,
        %mul3A_499 = vector.broadcast %squeeze3A_491 : f32 to vector<16xf32>
        %mul3A_500 = arith.mulf %get3A_498, %mul3A_499 : vector<16xf32>
        %swap3A_501 = arith.index_cast %add3A_495 : i32 to index
        %swap3A_502 = arith.constant 0 : index
        %swap3A_503 = tpu.vector_load %arg12[%swap3A_501, %swap3A_502] {strides = array<i32>} : memref<128x64xf32, #tpu.memory_space<vmem>>, vector<16xf32>,
        tpu.vector_store %arg12[%swap3A_501, %swap3A_502], %mul3A_500 {strides = array<i32>} : memref<128x64xf32, #tpu.memory_space<vmem>>, vector<16xf32>,
        %get3A_504 = arith.index_cast %add3A_495 : i32 to index
        %get3A_505 = arith.constant 16 : index
        %get3A_506 = tpu.vector_load %arg12[%get3A_504, %get3A_505] {strides = array<i32>} : memref<128x64xf32, #tpu.memory_space<vmem>>, vector<16xf32>,
        %mul3A_507 = vector.broadcast %squeeze3A_491 : f32 to vector<16xf32>
        %mul3A_508 = arith.mulf %get3A_506, %mul3A_507 : vector<16xf32>
        %swap3A_509 = arith.index_cast %add3A_495 : i32 to index
        %swap3A_510 = arith.constant 16 : index
        %swap3A_511 = tpu.vector_load %arg12[%swap3A_509, %swap3A_510] {strides = array<i32>} : memref<128x64xf32, #tpu.memory_space<vmem>>, vector<16xf32>,
        tpu.vector_store %arg12[%swap3A_509, %swap3A_510], %mul3A_508 {strides = array<i32>} : memref<128x64xf32, #tpu.memory_space<vmem>>, vector<16xf32>,
        %get3A_512 = arith.index_cast %add3A_495 : i32 to index
        %get3A_513 = arith.constant 32 : index
        %get3A_514 = tpu.vector_load %arg12[%get3A_512, %get3A_513] {strides = array<i32>} : memref<128x64xf32, #tpu.memory_space<vmem>>, vector<16xf32>,
        %mul3A_515 = vector.broadcast %squeeze3A_491 : f32 to vector<16xf32>
        %mul3A_516 = arith.mulf %get3A_514, %mul3A_515 : vector<16xf32>
        %swap3A_517 = arith.index_cast %add3A_495 : i32 to index
        %swap3A_518 = arith.constant 32 : index
        %swap3A_519 = tpu.vector_load %arg12[%swap3A_517, %swap3A_518] {strides = array<i32>} : memref<128x64xf32, #tpu.memory_space<vmem>>, vector<16xf32>,
        tpu.vector_store %arg12[%swap3A_517, %swap3A_518], %mul3A_516 {strides = array<i32>} : memref<128x64xf32, #tpu.memory_space<vmem>>, vector<16xf32>,
        %get3A_520 = arith.index_cast %add3A_495 : i32 to index
        %get3A_521 = arith.constant 48 : index
        %get3A_522 = tpu.vector_load %arg12[%get3A_520, %get3A_521] {strides = array<i32>} : memref<128x64xf32, #tpu.memory_space<vmem>>, vector<16xf32>,
        %mul3A_523 = vector.broadcast %squeeze3A_491 : f32 to vector<16xf32>
        %mul3A_524 = arith.mulf %get3A_522, %mul3A_523 : vector<16xf32>
        %swap3A_525 = arith.index_cast %add3A_495 : i32 to index
        %swap3A_526 = arith.constant 48 : index
        %swap3A_527 = tpu.vector_load %arg12[%swap3A_525, %swap3A_526] {strides = array<i32>} : memref<128x64xf32, #tpu.memory_space<vmem>>, vector<16xf32>,
        tpu.vector_store %arg12[%swap3A_525, %swap3A_526], %mul3A_524 {strides = array<i32>} : memref<128x64xf32, #tpu.memory_space<vmem>>, vector<16xf32>,
        %slice3A_528 = vector.extract_strided_slice %mul3A_74 {offsets = [12], sizes = [1], strides = [1]} : vector<16xf32> to vector<1xf32>
        %squeeze3A_529 = vector.extract %slice3A_528[0] : f32 from vector<1xf32>
        %mul3A_530 = arith.constant 16 : i32
        %mul3A_531 = arith.muli %scan3A_57, %mul3A_530 : i32
        %add3A_532 = arith.constant 12 : i32
        %add3A_533 = arith.addi %mul3A_531, %add3A_532 : i32
        %get3A_534 = arith.index_cast %add3A_533 : i32 to index
        %get3A_535 = arith.constant 0 : index
        %get3A_536 = tpu.vector_load %arg12[%get3A_534, %get3A_535] {strides = array<i32>} : memref<128x64xf32, #tpu.memory_space<vmem>>, vector<16xf32>,
        %mul3A_537 = vector.broadcast %squeeze3A_529 : f32 to vector<16xf32>
        %mul3A_538 = arith.mulf %get3A_536, %mul3A_537 : vector<16xf32>
        %swap3A_539 = arith.index_cast %add3A_533 : i32 to index
        %swap3A_540 = arith.constant 0 : index
        %swap3A_541 = tpu.vector_load %arg12[%swap3A_539, %swap3A_540] {strides = array<i32>} : memref<128x64xf32, #tpu.memory_space<vmem>>, vector<16xf32>,
        tpu.vector_store %arg12[%swap3A_539, %swap3A_540], %mul3A_538 {strides = array<i32>} : memref<128x64xf32, #tpu.memory_space<vmem>>, vector<16xf32>,
        %get3A_542 = arith.index_cast %add3A_533 : i32 to index
        %get3A_543 = arith.constant 16 : index
        %get3A_544 = tpu.vector_load %arg12[%get3A_542, %get3A_543] {strides = array<i32>} : memref<128x64xf32, #tpu.memory_space<vmem>>, vector<16xf32>,
        %mul3A_545 = vector.broadcast %squeeze3A_529 : f32 to vector<16xf32>
        %mul3A_546 = arith.mulf %get3A_544, %mul3A_545 : vector<16xf32>
        %swap3A_547 = arith.index_cast %add3A_533 : i32 to index
        %swap3A_548 = arith.constant 16 : index
        %swap3A_549 = tpu.vector_load %arg12[%swap3A_547, %swap3A_548] {strides = array<i32>} : memref<128x64xf32, #tpu.memory_space<vmem>>, vector<16xf32>,
        tpu.vector_store %arg12[%swap3A_547, %swap3A_548], %mul3A_546 {strides = array<i32>} : memref<128x64xf32, #tpu.memory_space<vmem>>, vector<16xf32>,
        %get3A_550 = arith.index_cast %add3A_533 : i32 to index
        %get3A_551 = arith.constant 32 : index
        %get3A_552 = tpu.vector_load %arg12[%get3A_550, %get3A_551] {strides = array<i32>} : memref<128x64xf32, #tpu.memory_space<vmem>>, vector<16xf32>,
        %mul3A_553 = vector.broadcast %squeeze3A_529 : f32 to vector<16xf32>
        %mul3A_554 = arith.mulf %get3A_552, %mul3A_553 : vector<16xf32>
        %swap3A_555 = arith.index_cast %add3A_533 : i32 to index
        %swap3A_556 = arith.constant 32 : index
        %swap3A_557 = tpu.vector_load %arg12[%swap3A_555, %swap3A_556] {strides = array<i32>} : memref<128x64xf32, #tpu.memory_space<vmem>>, vector<16xf32>,
        tpu.vector_store %arg12[%swap3A_555, %swap3A_556], %mul3A_554 {strides = array<i32>} : memref<128x64xf32, #tpu.memory_space<vmem>>, vector<16xf32>,
        %get3A_558 = arith.index_cast %add3A_533 : i32 to index
        %get3A_559 = arith.constant 48 : index
        %get3A_560 = tpu.vector_load %arg12[%get3A_558, %get3A_559] {strides = array<i32>} : memref<128x64xf32, #tpu.memory_space<vmem>>, vector<16xf32>,
        %mul3A_561 = vector.broadcast %squeeze3A_529 : f32 to vector<16xf32>
        %mul3A_562 = arith.mulf %get3A_560, %mul3A_561 : vector<16xf32>
        %swap3A_563 = arith.index_cast %add3A_533 : i32 to index
        %swap3A_564 = arith.constant 48 : index
        %swap3A_565 = tpu.vector_load %arg12[%swap3A_563, %swap3A_564] {strides = array<i32>} : memref<128x64xf32, #tpu.memory_space<vmem>>, vector<16xf32>,
        tpu.vector_store %arg12[%swap3A_563, %swap3A_564], %mul3A_562 {strides = array<i32>} : memref<128x64xf32, #tpu.memory_space<vmem>>, vector<16xf32>,
        %slice3A_566 = vector.extract_strided_slice %mul3A_74 {offsets = [13], sizes = [1], strides = [1]} : vector<16xf32> to vector<1xf32>
        %squeeze3A_567 = vector.extract %slice3A_566[0] : f32 from vector<1xf32>
        %mul3A_568 = arith.constant 16 : i32
        %mul3A_569 = arith.muli %scan3A_57, %mul3A_568 : i32
        %add3A_570 = arith.constant 13 : i32
        %add3A_571 = arith.addi %mul3A_569, %add3A_570 : i32
        %get3A_572 = arith.index_cast %add3A_571 : i32 to index
        %get3A_573 = arith.constant 0 : index
        %get3A_574 = tpu.vector_load %arg12[%get3A_572, %get3A_573] {strides = array<i32>} : memref<128x64xf32, #tpu.memory_space<vmem>>, vector<16xf32>,
        %mul3A_575 = vector.broadcast %squeeze3A_567 : f32 to vector<16xf32>
        %mul3A_576 = arith.mulf %get3A_574, %mul3A_575 : vector<16xf32>
        %swap3A_577 = arith.index_cast %add3A_571 : i32 to index
        %swap3A_578 = arith.constant 0 : index
        %swap3A_579 = tpu.vector_load %arg12[%swap3A_577, %swap3A_578] {strides = array<i32>} : memref<128x64xf32, #tpu.memory_space<vmem>>, vector<16xf32>,
        tpu.vector_store %arg12[%swap3A_577, %swap3A_578], %mul3A_576 {strides = array<i32>} : memref<128x64xf32, #tpu.memory_space<vmem>>, vector<16xf32>,
        %get3A_580 = arith.index_cast %add3A_571 : i32 to index
        %get3A_581 = arith.constant 16 : index
        %get3A_582 = tpu.vector_load %arg12[%get3A_580, %get3A_581] {strides = array<i32>} : memref<128x64xf32, #tpu.memory_space<vmem>>, vector<16xf32>,
        %mul3A_583 = vector.broadcast %squeeze3A_567 : f32 to vector<16xf32>
        %mul3A_584 = arith.mulf %get3A_582, %mul3A_583 : vector<16xf32>
        %swap3A_585 = arith.index_cast %add3A_571 : i32 to index
        %swap3A_586 = arith.constant 16 : index
        %swap3A_587 = tpu.vector_load %arg12[%swap3A_585, %swap3A_586] {strides = array<i32>} : memref<128x64xf32, #tpu.memory_space<vmem>>, vector<16xf32>,
        tpu.vector_store %arg12[%swap3A_585, %swap3A_586], %mul3A_584 {strides = array<i32>} : memref<128x64xf32, #tpu.memory_space<vmem>>, vector<16xf32>,
        %get3A_588 = arith.index_cast %add3A_571 : i32 to index
        %get3A_589 = arith.constant 32 : index
        %get3A_590 = tpu.vector_load %arg12[%get3A_588, %get3A_589] {strides = array<i32>} : memref<128x64xf32, #tpu.memory_space<vmem>>, vector<16xf32>,
        %mul3A_591 = vector.broadcast %squeeze3A_567 : f32 to vector<16xf32>
        %mul3A_592 = arith.mulf %get3A_590, %mul3A_591 : vector<16xf32>
        %swap3A_593 = arith.index_cast %add3A_571 : i32 to index
        %swap3A_594 = arith.constant 32 : index
        %swap3A_595 = tpu.vector_load %arg12[%swap3A_593, %swap3A_594] {strides = array<i32>} : memref<128x64xf32, #tpu.memory_space<vmem>>, vector<16xf32>,
        tpu.vector_store %arg12[%swap3A_593, %swap3A_594], %mul3A_592 {strides = array<i32>} : memref<128x64xf32, #tpu.memory_space<vmem>>, vector<16xf32>,
        %get3A_596 = arith.index_cast %add3A_571 : i32 to index
        %get3A_597 = arith.constant 48 : index
        %get3A_598 = tpu.vector_load %arg12[%get3A_596, %get3A_597] {strides = array<i32>} : memref<128x64xf32, #tpu.memory_space<vmem>>, vector<16xf32>,
        %mul3A_599 = vector.broadcast %squeeze3A_567 : f32 to vector<16xf32>
        %mul3A_600 = arith.mulf %get3A_598, %mul3A_599 : vector<16xf32>
        %swap3A_601 = arith.index_cast %add3A_571 : i32 to index
        %swap3A_602 = arith.constant 48 : index
        %swap3A_603 = tpu.vector_load %arg12[%swap3A_601, %swap3A_602] {strides = array<i32>} : memref<128x64xf32, #tpu.memory_space<vmem>>, vector<16xf32>,
        tpu.vector_store %arg12[%swap3A_601, %swap3A_602], %mul3A_600 {strides = array<i32>} : memref<128x64xf32, #tpu.memory_space<vmem>>, vector<16xf32>,
        %slice3A_604 = vector.extract_strided_slice %mul3A_74 {offsets = [14], sizes = [1], strides = [1]} : vector<16xf32> to vector<1xf32>
        %squeeze3A_605 = vector.extract %slice3A_604[0] : f32 from vector<1xf32>
        %mul3A_606 = arith.constant 16 : i32
        %mul3A_607 = arith.muli %scan3A_57, %mul3A_606 : i32
        %add3A_608 = arith.constant 14 : i32
        %add3A_609 = arith.addi %mul3A_607, %add3A_608 : i32
        %get3A_610 = arith.index_cast %add3A_609 : i32 to index
        %get3A_611 = arith.constant 0 : index
        %get3A_612 = tpu.vector_load %arg12[%get3A_610, %get3A_611] {strides = array<i32>} : memref<128x64xf32, #tpu.memory_space<vmem>>, vector<16xf32>,
        %mul3A_613 = vector.broadcast %squeeze3A_605 : f32 to vector<16xf32>
        %mul3A_614 = arith.mulf %get3A_612, %mul3A_613 : vector<16xf32>
        %swap3A_615 = arith.index_cast %add3A_609 : i32 to index
        %swap3A_616 = arith.constant 0 : index
        %swap3A_617 = tpu.vector_load %arg12[%swap3A_615, %swap3A_616] {strides = array<i32>} : memref<128x64xf32, #tpu.memory_space<vmem>>, vector<16xf32>,
        tpu.vector_store %arg12[%swap3A_615, %swap3A_616], %mul3A_614 {strides = array<i32>} : memref<128x64xf32, #tpu.memory_space<vmem>>, vector<16xf32>,
        %get3A_618 = arith.index_cast %add3A_609 : i32 to index
        %get3A_619 = arith.constant 16 : index
        %get3A_620 = tpu.vector_load %arg12[%get3A_618, %get3A_619] {strides = array<i32>} : memref<128x64xf32, #tpu.memory_space<vmem>>, vector<16xf32>,
        %mul3A_621 = vector.broadcast %squeeze3A_605 : f32 to vector<16xf32>
        %mul3A_622 = arith.mulf %get3A_620, %mul3A_621 : vector<16xf32>
        %swap3A_623 = arith.index_cast %add3A_609 : i32 to index
        %swap3A_624 = arith.constant 16 : index
        %swap3A_625 = tpu.vector_load %arg12[%swap3A_623, %swap3A_624] {strides = array<i32>} : memref<128x64xf32, #tpu.memory_space<vmem>>, vector<16xf32>,
        tpu.vector_store %arg12[%swap3A_623, %swap3A_624], %mul3A_622 {strides = array<i32>} : memref<128x64xf32, #tpu.memory_space<vmem>>, vector<16xf32>,
        %get3A_626 = arith.index_cast %add3A_609 : i32 to index
        %get3A_627 = arith.constant 32 : index
        %get3A_628 = tpu.vector_load %arg12[%get3A_626, %get3A_627] {strides = array<i32>} : memref<128x64xf32, #tpu.memory_space<vmem>>, vector<16xf32>,
        %mul3A_629 = vector.broadcast %squeeze3A_605 : f32 to vector<16xf32>
        %mul3A_630 = arith.mulf %get3A_628, %mul3A_629 : vector<16xf32>
        %swap3A_631 = arith.index_cast %add3A_609 : i32 to index
        %swap3A_632 = arith.constant 32 : index
        %swap3A_633 = tpu.vector_load %arg12[%swap3A_631, %swap3A_632] {strides = array<i32>} : memref<128x64xf32, #tpu.memory_space<vmem>>, vector<16xf32>,
        tpu.vector_store %arg12[%swap3A_631, %swap3A_632], %mul3A_630 {strides = array<i32>} : memref<128x64xf32, #tpu.memory_space<vmem>>, vector<16xf32>,
        %get3A_634 = arith.index_cast %add3A_609 : i32 to index
        %get3A_635 = arith.constant 48 : index
        %get3A_636 = tpu.vector_load %arg12[%get3A_634, %get3A_635] {strides = array<i32>} : memref<128x64xf32, #tpu.memory_space<vmem>>, vector<16xf32>,
        %mul3A_637 = vector.broadcast %squeeze3A_605 : f32 to vector<16xf32>
        %mul3A_638 = arith.mulf %get3A_636, %mul3A_637 : vector<16xf32>
        %swap3A_639 = arith.index_cast %add3A_609 : i32 to index
        %swap3A_640 = arith.constant 48 : index
        %swap3A_641 = tpu.vector_load %arg12[%swap3A_639, %swap3A_640] {strides = array<i32>} : memref<128x64xf32, #tpu.memory_space<vmem>>, vector<16xf32>,
        tpu.vector_store %arg12[%swap3A_639, %swap3A_640], %mul3A_638 {strides = array<i32>} : memref<128x64xf32, #tpu.memory_space<vmem>>, vector<16xf32>,
        %slice3A_642 = vector.extract_strided_slice %mul3A_74 {offsets = [15], sizes = [1], strides = [1]} : vector<16xf32> to vector<1xf32>
        %squeeze3A_643 = vector.extract %slice3A_642[0] : f32 from vector<1xf32>
        %mul3A_644 = arith.constant 16 : i32
        %mul3A_645 = arith.muli %scan3A_57, %mul3A_644 : i32
        %add3A_646 = arith.constant 15 : i32
        %add3A_647 = arith.addi %mul3A_645, %add3A_646 : i32
        %get3A_648 = arith.index_cast %add3A_647 : i32 to index
        %get3A_649 = arith.constant 0 : index
        %get3A_650 = tpu.vector_load %arg12[%get3A_648, %get3A_649] {strides = array<i32>} : memref<128x64xf32, #tpu.memory_space<vmem>>, vector<16xf32>,
        %mul3A_651 = vector.broadcast %squeeze3A_643 : f32 to vector<16xf32>
        %mul3A_652 = arith.mulf %get3A_650, %mul3A_651 : vector<16xf32>
        %swap3A_653 = arith.index_cast %add3A_647 : i32 to index
        %swap3A_654 = arith.constant 0 : index
        %swap3A_655 = tpu.vector_load %arg12[%swap3A_653, %swap3A_654] {strides = array<i32>} : memref<128x64xf32, #tpu.memory_space<vmem>>, vector<16xf32>,
        tpu.vector_store %arg12[%swap3A_653, %swap3A_654], %mul3A_652 {strides = array<i32>} : memref<128x64xf32, #tpu.memory_space<vmem>>, vector<16xf32>,
        %get3A_656 = arith.index_cast %add3A_647 : i32 to index
        %get3A_657 = arith.constant 16 : index
        %get3A_658 = tpu.vector_load %arg12[%get3A_656, %get3A_657] {strides = array<i32>} : memref<128x64xf32, #tpu.memory_space<vmem>>, vector<16xf32>,
        %mul3A_659 = vector.broadcast %squeeze3A_643 : f32 to vector<16xf32>
        %mul3A_660 = arith.mulf %get3A_658, %mul3A_659 : vector<16xf32>
        %swap3A_661 = arith.index_cast %add3A_647 : i32 to index
        %swap3A_662 = arith.constant 16 : index
        %swap3A_663 = tpu.vector_load %arg12[%swap3A_661, %swap3A_662] {strides = array<i32>} : memref<128x64xf32, #tpu.memory_space<vmem>>, vector<16xf32>,
        tpu.vector_store %arg12[%swap3A_661, %swap3A_662], %mul3A_660 {strides = array<i32>} : memref<128x64xf32, #tpu.memory_space<vmem>>, vector<16xf32>,
        %get3A_664 = arith.index_cast %add3A_647 : i32 to index
        %get3A_665 = arith.constant 32 : index
        %get3A_666 = tpu.vector_load %arg12[%get3A_664, %get3A_665] {strides = array<i32>} : memref<128x64xf32, #tpu.memory_space<vmem>>, vector<16xf32>,
        %mul3A_667 = vector.broadcast %squeeze3A_643 : f32 to vector<16xf32>
        %mul3A_668 = arith.mulf %get3A_666, %mul3A_667 : vector<16xf32>
        %swap3A_669 = arith.index_cast %add3A_647 : i32 to index
        %swap3A_670 = arith.constant 32 : index
        %swap3A_671 = tpu.vector_load %arg12[%swap3A_669, %swap3A_670] {strides = array<i32>} : memref<128x64xf32, #tpu.memory_space<vmem>>, vector<16xf32>,
        tpu.vector_store %arg12[%swap3A_669, %swap3A_670], %mul3A_668 {strides = array<i32>} : memref<128x64xf32, #tpu.memory_space<vmem>>, vector<16xf32>,
        %get3A_672 = arith.index_cast %add3A_647 : i32 to index
        %get3A_673 = arith.constant 48 : index
        %get3A_674 = tpu.vector_load %arg12[%get3A_672, %get3A_673] {strides = array<i32>} : memref<128x64xf32, #tpu.memory_space<vmem>>, vector<16xf32>,
        %mul3A_675 = vector.broadcast %squeeze3A_643 : f32 to vector<16xf32>
        %mul3A_676 = arith.mulf %get3A_674, %mul3A_675 : vector<16xf32>
        %swap3A_677 = arith.index_cast %add3A_647 : i32 to index
        %swap3A_678 = arith.constant 48 : index
        %swap3A_679 = tpu.vector_load %arg12[%swap3A_677, %swap3A_678] {strides = array<i32>} : memref<128x64xf32, #tpu.memory_space<vmem>>, vector<16xf32>,
        tpu.vector_store %arg12[%swap3A_677, %swap3A_678], %mul3A_676 {strides = array<i32>} : memref<128x64xf32, #tpu.memory_space<vmem>>, vector<16xf32>,
      }
      %scan3A_56 = arith.constant 8 : i32
      "tpu.region"() ({
        %run_scoped3A = tpu.sem_alloc : memref<!tpu.dma_semaphore, #tpu.memory_space<semaphore_mem>>
        %dma_start3A_57 = arith.constant 0 : i32
        %dma_start3A_58 = tpu.memref_slice %arg9[%scan3A_41, %dma_start3A_57] : memref<80x128xi32, #tpu.memory_space<vmem>> -> memref<1x128xi32, #tpu.memory_space<vmem>>
        %dma_start3A_59 = tpu.memref_squeeze %dma_start3A_58 : memref<1x128xi32, #tpu.memory_space<vmem>> -> memref<128xi32, #tpu.memory_space<vmem>>
        %dma_start3A_60 = arith.constant 0 : i32
        %dma_start3A_61 = arith.constant 0 : i32
        %dma_start3A_62 = tpu.memref_slice %arg14[%dma_start3A_60, %dma_start3A_61] : memref<10240x64xf32, #tpu.memory_space<vmem_shared>> -> memref<10240x64xf32, #tpu.memory_space<vmem_shared>>
        tpu.enqueue_indirect_dma source(%arg12 : memref<128x64xf32, #tpu.memory_space<vmem>>) target(%dma_start3A_62 : memref<10240x64xf32, #tpu.memory_space<vmem_shared>>) offsets(%dma_start3A_59 : memref<128xi32, #tpu.memory_space<vmem>>) semaphore(%run_scoped3A : memref<!tpu.dma_semaphore, #tpu.memory_space<semaphore_mem>>) {add = true}
        %dma_wait3A_63 = arith.constant 0 : i32
        %dma_wait3A_64 = tpu.memref_slice %arg9[%scan3A_41, %dma_wait3A_63] : memref<80x128xi32, #tpu.memory_space<vmem>> -> memref<1x128xi32, #tpu.memory_space<vmem>>
        %dma_wait3A_65 = tpu.memref_squeeze %dma_wait3A_64 : memref<1x128xi32, #tpu.memory_space<vmem>> -> memref<128xi32, #tpu.memory_space<vmem>>
        %dma_wait3A_66 = arith.constant 0 : i32
        %dma_wait3A_67 = arith.constant 0 : i32
        %dma_wait3A_68 = tpu.memref_slice %arg14[%dma_wait3A_66, %dma_wait3A_67] : memref<10240x64xf32, #tpu.memory_space<vmem_shared>> -> memref<10240x64xf32, #tpu.memory_space<vmem_shared>>
        tpu.wait_indirect_dma semaphore(%run_scoped3A : memref<!tpu.dma_semaphore, #tpu.memory_space<semaphore_mem>>) src(%arg12 : memref<128x64xf32, #tpu.memory_space<vmem>>) dst(%dma_wait3A_68 : memref<10240x64xf32, #tpu.memory_space<vmem_shared>>)
        tpu.yield
      }) : () -> ()
    }
    %scan3A_35 = arith.constant 80 : i32
    %barrier3A_36 = arith.constant 0 : index
    tpu.barrier barrier_id(%barrier3A_36)
    %mul3A_37 = arith.constant 640 : i32
    %mul3A_38 = arith.muli %arg1, %mul3A_37 : i32
    %mul3A_39 = arith.constant 640 : i32
    %mul3A_40 = arith.muli %arg1, %mul3A_39 : i32
    "tpu.region"() ({
      %run_scoped3A = tpu.sem_alloc : memref<!tpu.dma_semaphore, #tpu.memory_space<semaphore_mem>>
      %dma_start3A = arith.constant 0 : i32
      %dma_start3A_41 = tpu.memref_slice %arg7[%arg0, %mul3A_40, %dma_start3A] : memref<2x10240x64xf32, #tpu.memory_space<hbm>> -> memref<1x640x64xf32, #tpu.memory_space<hbm>>
      %dma_start3A_42 = tpu.memref_squeeze %dma_start3A_41 : memref<1x640x64xf32, #tpu.memory_space<hbm>> -> memref<640x64xf32, #tpu.memory_space<hbm>>
      %dma_start3A_43 = arith.constant 0 : i32
      %dma_start3A_44 = tpu.memref_slice %arg14[%mul3A_38, %dma_start3A_43] : memref<10240x64xf32, #tpu.memory_space<vmem_shared>> -> memref<640x64xf32, #tpu.memory_space<vmem_shared>>
      tpu.enqueue_dma source(%dma_start3A_44 : memref<640x64xf32, #tpu.memory_space<vmem_shared>>) target(%dma_start3A_42 : memref<640x64xf32, #tpu.memory_space<hbm>>) target_semaphore(%run_scoped3A : memref<!tpu.dma_semaphore, #tpu.memory_space<semaphore_mem>>)
      %dma_wait3A = arith.constant 0 : i32
      %dma_wait3A_45 = tpu.memref_slice %arg7[%arg0, %mul3A_40, %dma_wait3A] : memref<2x10240x64xf32, #tpu.memory_space<hbm>> -> memref<1x640x64xf32, #tpu.memory_space<hbm>>
      %dma_wait3A_46 = tpu.memref_squeeze %dma_wait3A_45 : memref<1x640x64xf32, #tpu.memory_space<hbm>> -> memref<640x64xf32, #tpu.memory_space<hbm>>
      %dma_wait3A_47 = arith.constant 0 : i32
      %dma_wait3A_48 = tpu.memref_slice %arg14[%mul3A_38, %dma_wait3A_47] : memref<10240x64xf32, #tpu.memory_space<vmem_shared>> -> memref<640x64xf32, #tpu.memory_space<vmem_shared>>
      tpu.wait_dma2 semaphore(%run_scoped3A : memref<!tpu.dma_semaphore, #tpu.memory_space<semaphore_mem>>) src(%dma_wait3A_48 : memref<640x64xf32, #tpu.memory_space<vmem_shared>>) dst(%dma_wait3A_46 : memref<640x64xf32, #tpu.memory_space<hbm>>)
      tpu.yield
    }) : () -> ()
    return
  }
}

#map = affine_map<(d0, d1) -> (0, 0)>
#map1 = affine_map<(d0, d1) -> (0)>
#map2 = affine_map<(d0, d1) -> (0, 0, 0)>
module attributes {stable_mosaic.version = 14 : i64} {
  func.func @_msg(%arg0: i32, %arg1: i32, %arg2: memref<10000x64xf32, #tpu.memory_space<hbm>>, %arg3: memref<2560x128xi32, #tpu.memory_space<hbm>>, %arg4: memref<2560x128xi32, #tpu.memory_space<hbm>>, %arg5: memref<2560x128xf32, #tpu.memory_space<hbm>>, %arg6: memref<10240xf32, #tpu.memory_space<hbm>>, %arg7: memref<2x10240x64xf32, #tpu.memory_space<hbm>>, %arg8: memref<80x128xi32, #tpu.memory_space<vmem>>, %arg9: memref<80x128xi32, #tpu.memory_space<vmem>>, %arg10: memref<80x128xf32, #tpu.memory_space<vmem>>, %arg11: memref<10240xf32, #tpu.memory_space<vmem>>, %arg12: memref<128x64xf32, #tpu.memory_space<vmem>>, %arg13: memref<!tpu.dma_semaphore, #tpu.memory_space<semaphore_mem>>, %arg14: memref<10240x64xf32, #tpu.memory_space<vmem_shared>>) attributes {dimension_semantics = [#tpu.dimension_semantics<core_parallel>, #tpu.dimension_semantics<subcore_parallel>], iteration_bounds = array<i64: 2, 16>, scalar_prefetch = 0 : i64, scratch_operands = 7 : i64, tpu.core_type = #tpu.core_type<sc_vector_subcore>, window_params = [{transform_indices = #map}, {transform_indices = #map}, {transform_indices = #map}, {transform_indices = #map}, {transform_indices = #map1}, {transform_indices = #map2}]} {
    %mul3A = arith.constant 16 : i32
    %mul3A_0 = arith.muli %arg0, %mul3A : i32
    %add3A = arith.addi %mul3A_0, %arg1 : i32
    %scan3A = arith.constant 0 : i32
    %scan3A_1 = arith.constant 128 : i32
    %scan3A_2 = arith.addi %scan3A, %scan3A_1 : i32
    %scan3A_3 = arith.constant 1 : i32
    scf.for %scan3A_41 = %scan3A to %scan3A_2 step %scan3A_3  : i32 {
      %broadcast_in_dim3A = arith.constant 0.000000e+00 : f32
      %broadcast_in_dim3A_42 = vector.broadcast %broadcast_in_dim3A : f32 to vector<16xf32>
      %swap3A = arith.index_cast %scan3A_41 : i32 to index
      %swap3A_43 = arith.constant 0 : index
      %swap3A_44 = tpu.vector_load %arg12[%swap3A, %swap3A_43] {strides = array<i32>} : memref<128x64xf32, #tpu.memory_space<vmem>>, vector<16xf32>,
      tpu.vector_store %arg12[%swap3A, %swap3A_43], %broadcast_in_dim3A_42 {strides = array<i32>} : memref<128x64xf32, #tpu.memory_space<vmem>>, vector<16xf32>,
      %broadcast_in_dim3A_45 = arith.constant 0.000000e+00 : f32
      %broadcast_in_dim3A_46 = vector.broadcast %broadcast_in_dim3A_45 : f32 to vector<16xf32>
      %swap3A_47 = arith.index_cast %scan3A_41 : i32 to index
      %swap3A_48 = arith.constant 16 : index
      %swap3A_49 = tpu.vector_load %arg12[%swap3A_47, %swap3A_48] {strides = array<i32>} : memref<128x64xf32, #tpu.memory_space<vmem>>, vector<16xf32>,
      tpu.vector_store %arg12[%swap3A_47, %swap3A_48], %broadcast_in_dim3A_46 {strides = array<i32>} : memref<128x64xf32, #tpu.memory_space<vmem>>, vector<16xf32>,
      %broadcast_in_dim3A_50 = arith.constant 0.000000e+00 : f32
      %broadcast_in_dim3A_51 = vector.broadcast %broadcast_in_dim3A_50 : f32 to vector<16xf32>
      %swap3A_52 = arith.index_cast %scan3A_41 : i32 to index
      %swap3A_53 = arith.constant 32 : index
      %swap3A_54 = tpu.vector_load %arg12[%swap3A_52, %swap3A_53] {strides = array<i32>} : memref<128x64xf32, #tpu.memory_space<vmem>>, vector<16xf32>,
      tpu.vector_store %arg12[%swap3A_52, %swap3A_53], %broadcast_in_dim3A_51 {strides = array<i32>} : memref<128x64xf32, #tpu.memory_space<vmem>>, vector<16xf32>,
      %broadcast_in_dim3A_55 = arith.constant 0.000000e+00 : f32
      %broadcast_in_dim3A_56 = vector.broadcast %broadcast_in_dim3A_55 : f32 to vector<16xf32>
      %swap3A_57 = arith.index_cast %scan3A_41 : i32 to index
      %swap3A_58 = arith.constant 48 : index
      %swap3A_59 = tpu.vector_load %arg12[%swap3A_57, %swap3A_58] {strides = array<i32>} : memref<128x64xf32, #tpu.memory_space<vmem>>, vector<16xf32>,
      tpu.vector_store %arg12[%swap3A_57, %swap3A_58], %broadcast_in_dim3A_56 {strides = array<i32>} : memref<128x64xf32, #tpu.memory_space<vmem>>, vector<16xf32>,
    }
    %scan3A_4 = arith.constant 128 : i32
    %mul3A_5 = arith.constant 640 : i32
    %mul3A_6 = arith.muli %arg1, %mul3A_5 : i32
    %add3A_7 = arith.constant 0 : i32
    %add3A_8 = arith.addi %mul3A_6, %add3A_7 : i32
    "tpu.region"() ({
      %run_scoped3A = tpu.sem_alloc : memref<!tpu.dma_semaphore, #tpu.memory_space<semaphore_mem>>
      %dma_start3A = arith.constant 0 : i32
      %dma_start3A_41 = tpu.memref_slice %arg14[%add3A_8, %dma_start3A] : memref<10240x64xf32, #tpu.memory_space<vmem_shared>> -> memref<128x64xf32, #tpu.memory_space<vmem_shared>>
      %dma_start3A_42 = arith.constant 0 : i32
      %dma_start3A_43 = tpu.memref_slice %arg14[%add3A_8, %dma_start3A_42] : memref<10240x64xf32, #tpu.memory_space<vmem_shared>> -> memref<128x64xf32, #tpu.memory_space<vmem_shared>>
      tpu.enqueue_dma source(%arg12 : memref<128x64xf32, #tpu.memory_space<vmem>>) target(%dma_start3A_43 : memref<128x64xf32, #tpu.memory_space<vmem_shared>>) target_semaphore(%run_scoped3A : memref<!tpu.dma_semaphore, #tpu.memory_space<semaphore_mem>>)
      %dma_wait3A = arith.constant 0 : i32
      %dma_wait3A_44 = tpu.memref_slice %arg14[%add3A_8, %dma_wait3A] : memref<10240x64xf32, #tpu.memory_space<vmem_shared>> -> memref<128x64xf32, #tpu.memory_space<vmem_shared>>
      %dma_wait3A_45 = arith.constant 0 : i32
      %dma_wait3A_46 = tpu.memref_slice %arg14[%add3A_8, %dma_wait3A_45] : memref<10240x64xf32, #tpu.memory_space<vmem_shared>> -> memref<128x64xf32, #tpu.memory_space<vmem_shared>>
      tpu.wait_dma2 semaphore(%run_scoped3A : memref<!tpu.dma_semaphore, #tpu.memory_space<semaphore_mem>>) src(%arg12 : memref<128x64xf32, #tpu.memory_space<vmem>>) dst(%dma_wait3A_46 : memref<128x64xf32, #tpu.memory_space<vmem_shared>>)
      tpu.yield
    }) : () -> ()
    %mul3A_9 = arith.constant 640 : i32
    %mul3A_10 = arith.muli %arg1, %mul3A_9 : i32
    %add3A_11 = arith.constant 128 : i32
    %add3A_12 = arith.addi %mul3A_10, %add3A_11 : i32
    "tpu.region"() ({
      %run_scoped3A = tpu.sem_alloc : memref<!tpu.dma_semaphore, #tpu.memory_space<semaphore_mem>>
      %dma_start3A = arith.constant 0 : i32
      %dma_start3A_41 = tpu.memref_slice %arg14[%add3A_12, %dma_start3A] : memref<10240x64xf32, #tpu.memory_space<vmem_shared>> -> memref<128x64xf32, #tpu.memory_space<vmem_shared>>
      %dma_start3A_42 = arith.constant 0 : i32
      %dma_start3A_43 = tpu.memref_slice %arg14[%add3A_12, %dma_start3A_42] : memref<10240x64xf32, #tpu.memory_space<vmem_shared>> -> memref<128x64xf32, #tpu.memory_space<vmem_shared>>
      tpu.enqueue_dma source(%arg12 : memref<128x64xf32, #tpu.memory_space<vmem>>) target(%dma_start3A_43 : memref<128x64xf32, #tpu.memory_space<vmem_shared>>) target_semaphore(%run_scoped3A : memref<!tpu.dma_semaphore, #tpu.memory_space<semaphore_mem>>)
      %dma_wait3A = arith.constant 0 : i32
      %dma_wait3A_44 = tpu.memref_slice %arg14[%add3A_12, %dma_wait3A] : memref<10240x64xf32, #tpu.memory_space<vmem_shared>> -> memref<128x64xf32, #tpu.memory_space<vmem_shared>>
      %dma_wait3A_45 = arith.constant 0 : i32
      %dma_wait3A_46 = tpu.memref_slice %arg14[%add3A_12, %dma_wait3A_45] : memref<10240x64xf32, #tpu.memory_space<vmem_shared>> -> memref<128x64xf32, #tpu.memory_space<vmem_shared>>
      tpu.wait_dma2 semaphore(%run_scoped3A : memref<!tpu.dma_semaphore, #tpu.memory_space<semaphore_mem>>) src(%arg12 : memref<128x64xf32, #tpu.memory_space<vmem>>) dst(%dma_wait3A_46 : memref<128x64xf32, #tpu.memory_space<vmem_shared>>)
      tpu.yield
    }) : () -> ()
    %mul3A_13 = arith.constant 640 : i32
    %mul3A_14 = arith.muli %arg1, %mul3A_13 : i32
    %add3A_15 = arith.constant 256 : i32
    %add3A_16 = arith.addi %mul3A_14, %add3A_15 : i32
    "tpu.region"() ({
      %run_scoped3A = tpu.sem_alloc : memref<!tpu.dma_semaphore, #tpu.memory_space<semaphore_mem>>
      %dma_start3A = arith.constant 0 : i32
      %dma_start3A_41 = tpu.memref_slice %arg14[%add3A_16, %dma_start3A] : memref<10240x64xf32, #tpu.memory_space<vmem_shared>> -> memref<128x64xf32, #tpu.memory_space<vmem_shared>>
      %dma_start3A_42 = arith.constant 0 : i32
      %dma_start3A_43 = tpu.memref_slice %arg14[%add3A_16, %dma_start3A_42] : memref<10240x64xf32, #tpu.memory_space<vmem_shared>> -> memref<128x64xf32, #tpu.memory_space<vmem_shared>>
      tpu.enqueue_dma source(%arg12 : memref<128x64xf32, #tpu.memory_space<vmem>>) target(%dma_start3A_43 : memref<128x64xf32, #tpu.memory_space<vmem_shared>>) target_semaphore(%run_scoped3A : memref<!tpu.dma_semaphore, #tpu.memory_space<semaphore_mem>>)
      %dma_wait3A = arith.constant 0 : i32
      %dma_wait3A_44 = tpu.memref_slice %arg14[%add3A_16, %dma_wait3A] : memref<10240x64xf32, #tpu.memory_space<vmem_shared>> -> memref<128x64xf32, #tpu.memory_space<vmem_shared>>
      %dma_wait3A_45 = arith.constant 0 : i32
      %dma_wait3A_46 = tpu.memref_slice %arg14[%add3A_16, %dma_wait3A_45] : memref<10240x64xf32, #tpu.memory_space<vmem_shared>> -> memref<128x64xf32, #tpu.memory_space<vmem_shared>>
      tpu.wait_dma2 semaphore(%run_scoped3A : memref<!tpu.dma_semaphore, #tpu.memory_space<semaphore_mem>>) src(%arg12 : memref<128x64xf32, #tpu.memory_space<vmem>>) dst(%dma_wait3A_46 : memref<128x64xf32, #tpu.memory_space<vmem_shared>>)
      tpu.yield
    }) : () -> ()
    %mul3A_17 = arith.constant 640 : i32
    %mul3A_18 = arith.muli %arg1, %mul3A_17 : i32
    %add3A_19 = arith.constant 384 : i32
    %add3A_20 = arith.addi %mul3A_18, %add3A_19 : i32
    "tpu.region"() ({
      %run_scoped3A = tpu.sem_alloc : memref<!tpu.dma_semaphore, #tpu.memory_space<semaphore_mem>>
      %dma_start3A = arith.constant 0 : i32
      %dma_start3A_41 = tpu.memref_slice %arg14[%add3A_20, %dma_start3A] : memref<10240x64xf32, #tpu.memory_space<vmem_shared>> -> memref<128x64xf32, #tpu.memory_space<vmem_shared>>
      %dma_start3A_42 = arith.constant 0 : i32
      %dma_start3A_43 = tpu.memref_slice %arg14[%add3A_20, %dma_start3A_42] : memref<10240x64xf32, #tpu.memory_space<vmem_shared>> -> memref<128x64xf32, #tpu.memory_space<vmem_shared>>
      tpu.enqueue_dma source(%arg12 : memref<128x64xf32, #tpu.memory_space<vmem>>) target(%dma_start3A_43 : memref<128x64xf32, #tpu.memory_space<vmem_shared>>) target_semaphore(%run_scoped3A : memref<!tpu.dma_semaphore, #tpu.memory_space<semaphore_mem>>)
      %dma_wait3A = arith.constant 0 : i32
      %dma_wait3A_44 = tpu.memref_slice %arg14[%add3A_20, %dma_wait3A] : memref<10240x64xf32, #tpu.memory_space<vmem_shared>> -> memref<128x64xf32, #tpu.memory_space<vmem_shared>>
      %dma_wait3A_45 = arith.constant 0 : i32
      %dma_wait3A_46 = tpu.memref_slice %arg14[%add3A_20, %dma_wait3A_45] : memref<10240x64xf32, #tpu.memory_space<vmem_shared>> -> memref<128x64xf32, #tpu.memory_space<vmem_shared>>
      tpu.wait_dma2 semaphore(%run_scoped3A : memref<!tpu.dma_semaphore, #tpu.memory_space<semaphore_mem>>) src(%arg12 : memref<128x64xf32, #tpu.memory_space<vmem>>) dst(%dma_wait3A_46 : memref<128x64xf32, #tpu.memory_space<vmem_shared>>)
      tpu.yield
    }) : () -> ()
    %mul3A_21 = arith.constant 640 : i32
    %mul3A_22 = arith.muli %arg1, %mul3A_21 : i32
    %add3A_23 = arith.constant 512 : i32
    %add3A_24 = arith.addi %mul3A_22, %add3A_23 : i32
    "tpu.region"() ({
      %run_scoped3A = tpu.sem_alloc : memref<!tpu.dma_semaphore, #tpu.memory_space<semaphore_mem>>
      %dma_start3A = arith.constant 0 : i32
      %dma_start3A_41 = tpu.memref_slice %arg14[%add3A_24, %dma_start3A] : memref<10240x64xf32, #tpu.memory_space<vmem_shared>> -> memref<128x64xf32, #tpu.memory_space<vmem_shared>>
      %dma_start3A_42 = arith.constant 0 : i32
      %dma_start3A_43 = tpu.memref_slice %arg14[%add3A_24, %dma_start3A_42] : memref<10240x64xf32, #tpu.memory_space<vmem_shared>> -> memref<128x64xf32, #tpu.memory_space<vmem_shared>>
      tpu.enqueue_dma source(%arg12 : memref<128x64xf32, #tpu.memory_space<vmem>>) target(%dma_start3A_43 : memref<128x64xf32, #tpu.memory_space<vmem_shared>>) target_semaphore(%run_scoped3A : memref<!tpu.dma_semaphore, #tpu.memory_space<semaphore_mem>>)
      %dma_wait3A = arith.constant 0 : i32
      %dma_wait3A_44 = tpu.memref_slice %arg14[%add3A_24, %dma_wait3A] : memref<10240x64xf32, #tpu.memory_space<vmem_shared>> -> memref<128x64xf32, #tpu.memory_space<vmem_shared>>
      %dma_wait3A_45 = arith.constant 0 : i32
      %dma_wait3A_46 = tpu.memref_slice %arg14[%add3A_24, %dma_wait3A_45] : memref<10240x64xf32, #tpu.memory_space<vmem_shared>> -> memref<128x64xf32, #tpu.memory_space<vmem_shared>>
      tpu.wait_dma2 semaphore(%run_scoped3A : memref<!tpu.dma_semaphore, #tpu.memory_space<semaphore_mem>>) src(%arg12 : memref<128x64xf32, #tpu.memory_space<vmem>>) dst(%dma_wait3A_46 : memref<128x64xf32, #tpu.memory_space<vmem_shared>>)
      tpu.yield
    }) : () -> ()
    %barrier3A = arith.constant 0 : index
    tpu.barrier barrier_id(%barrier3A)
    "tpu.region"() ({
      %run_scoped3A = tpu.sem_alloc : memref<!tpu.dma_semaphore, #tpu.memory_space<semaphore_mem>>
      tpu.enqueue_dma source(%arg6 : memref<10240xf32, #tpu.memory_space<hbm>>) target(%arg11 : memref<10240xf32, #tpu.memory_space<vmem>>) target_semaphore(%run_scoped3A : memref<!tpu.dma_semaphore, #tpu.memory_space<semaphore_mem>>)
      tpu.wait_dma2 semaphore(%run_scoped3A : memref<!tpu.dma_semaphore, #tpu.memory_space<semaphore_mem>>) src(%arg6 : memref<10240xf32, #tpu.memory_space<hbm>>) dst(%arg11 : memref<10240xf32, #tpu.memory_space<vmem>>)
      tpu.yield
    }) : () -> ()
    %mul3A_25 = arith.constant 80 : i32
    %mul3A_26 = arith.muli %add3A, %mul3A_25 : i32
    "tpu.region"() ({
      %run_scoped3A = tpu.sem_alloc : memref<!tpu.dma_semaphore, #tpu.memory_space<semaphore_mem>>
      %dma_start3A = arith.constant 0 : i32
      %dma_start3A_41 = tpu.memref_slice %arg3[%mul3A_26, %dma_start3A] : memref<2560x128xi32, #tpu.memory_space<hbm>> -> memref<80x128xi32, #tpu.memory_space<hbm>>
      %dma_start3A_42 = arith.constant 0 : i32
      %dma_start3A_43 = tpu.memref_slice %arg3[%mul3A_26, %dma_start3A_42] : memref<2560x128xi32, #tpu.memory_space<hbm>> -> memref<80x128xi32, #tpu.memory_space<hbm>>
      tpu.enqueue_dma source(%dma_start3A_43 : memref<80x128xi32, #tpu.memory_space<hbm>>) target(%arg8 : memref<80x128xi32, #tpu.memory_space<vmem>>) target_semaphore(%run_scoped3A : memref<!tpu.dma_semaphore, #tpu.memory_space<semaphore_mem>>)
      %dma_wait3A = arith.constant 0 : i32
      %dma_wait3A_44 = tpu.memref_slice %arg3[%mul3A_26, %dma_wait3A] : memref<2560x128xi32, #tpu.memory_space<hbm>> -> memref<80x128xi32, #tpu.memory_space<hbm>>
      %dma_wait3A_45 = arith.constant 0 : i32
      %dma_wait3A_46 = tpu.memref_slice %arg3[%mul3A_26, %dma_wait3A_45] : memref<2560x128xi32, #tpu.memory_space<hbm>> -> memref<80x128xi32, #tpu.memory_space<hbm>>
      tpu.wait_dma2 semaphore(%run_scoped3A : memref<!tpu.dma_semaphore, #tpu.memory_space<semaphore_mem>>) src(%dma_wait3A_46 : memref<80x128xi32, #tpu.memory_space<hbm>>) dst(%arg8 : memref<80x128xi32, #tpu.memory_space<vmem>>)
      tpu.yield
    }) : () -> ()
    %mul3A_27 = arith.constant 80 : i32
    %mul3A_28 = arith.muli %add3A, %mul3A_27 : i32
    "tpu.region"() ({
      %run_scoped3A = tpu.sem_alloc : memref<!tpu.dma_semaphore, #tpu.memory_space<semaphore_mem>>
      %dma_start3A = arith.constant 0 : i32
      %dma_start3A_41 = tpu.memref_slice %arg4[%mul3A_28, %dma_start3A] : memref<2560x128xi32, #tpu.memory_space<hbm>> -> memref<80x128xi32, #tpu.memory_space<hbm>>
      %dma_start3A_42 = arith.constant 0 : i32
      %dma_start3A_43 = tpu.memref_slice %arg4[%mul3A_28, %dma_start3A_42] : memref<2560x128xi32, #tpu.memory_space<hbm>> -> memref<80x128xi32, #tpu.memory_space<hbm>>
      tpu.enqueue_dma source(%dma_start3A_43 : memref<80x128xi32, #tpu.memory_space<hbm>>) target(%arg9 : memref<80x128xi32, #tpu.memory_space<vmem>>) target_semaphore(%run_scoped3A : memref<!tpu.dma_semaphore, #tpu.memory_space<semaphore_mem>>)
      %dma_wait3A = arith.constant 0 : i32
      %dma_wait3A_44 = tpu.memref_slice %arg4[%mul3A_28, %dma_wait3A] : memref<2560x128xi32, #tpu.memory_space<hbm>> -> memref<80x128xi32, #tpu.memory_space<hbm>>
      %dma_wait3A_45 = arith.constant 0 : i32
      %dma_wait3A_46 = tpu.memref_slice %arg4[%mul3A_28, %dma_wait3A_45] : memref<2560x128xi32, #tpu.memory_space<hbm>> -> memref<80x128xi32, #tpu.memory_space<hbm>>
      tpu.wait_dma2 semaphore(%run_scoped3A : memref<!tpu.dma_semaphore, #tpu.memory_space<semaphore_mem>>) src(%dma_wait3A_46 : memref<80x128xi32, #tpu.memory_space<hbm>>) dst(%arg9 : memref<80x128xi32, #tpu.memory_space<vmem>>)
      tpu.yield
    }) : () -> ()
    %mul3A_29 = arith.constant 80 : i32
    %mul3A_30 = arith.muli %add3A, %mul3A_29 : i32
    "tpu.region"() ({
      %run_scoped3A = tpu.sem_alloc : memref<!tpu.dma_semaphore, #tpu.memory_space<semaphore_mem>>
      %dma_start3A = arith.constant 0 : i32
      %dma_start3A_41 = tpu.memref_slice %arg5[%mul3A_30, %dma_start3A] : memref<2560x128xf32, #tpu.memory_space<hbm>> -> memref<80x128xf32, #tpu.memory_space<hbm>>
      %dma_start3A_42 = arith.constant 0 : i32
      %dma_start3A_43 = tpu.memref_slice %arg5[%mul3A_30, %dma_start3A_42] : memref<2560x128xf32, #tpu.memory_space<hbm>> -> memref<80x128xf32, #tpu.memory_space<hbm>>
      tpu.enqueue_dma source(%dma_start3A_43 : memref<80x128xf32, #tpu.memory_space<hbm>>) target(%arg10 : memref<80x128xf32, #tpu.memory_space<vmem>>) target_semaphore(%run_scoped3A : memref<!tpu.dma_semaphore, #tpu.memory_space<semaphore_mem>>)
      %dma_wait3A = arith.constant 0 : i32
      %dma_wait3A_44 = tpu.memref_slice %arg5[%mul3A_30, %dma_wait3A] : memref<2560x128xf32, #tpu.memory_space<hbm>> -> memref<80x128xf32, #tpu.memory_space<hbm>>
      %dma_wait3A_45 = arith.constant 0 : i32
      %dma_wait3A_46 = tpu.memref_slice %arg5[%mul3A_30, %dma_wait3A_45] : memref<2560x128xf32, #tpu.memory_space<hbm>> -> memref<80x128xf32, #tpu.memory_space<hbm>>
      tpu.wait_dma2 semaphore(%run_scoped3A : memref<!tpu.dma_semaphore, #tpu.memory_space<semaphore_mem>>) src(%dma_wait3A_46 : memref<80x128xf32, #tpu.memory_space<hbm>>) dst(%arg10 : memref<80x128xf32, #tpu.memory_space<vmem>>)
      tpu.yield
    }) : () -> ()
    %scan3A_31 = arith.constant 0 : i32
    %scan3A_32 = arith.constant 80 : i32
    %scan3A_33 = arith.addi %scan3A_31, %scan3A_32 : i32
    %scan3A_34 = arith.constant 1 : i32
    scf.for %scan3A_41 = %scan3A_31 to %scan3A_33 step %scan3A_34  : i32 {
      %dma_start3A = arith.constant 0 : i32
      %dma_start3A_42 = tpu.memref_slice %arg8[%scan3A_41, %dma_start3A] : memref<80x128xi32, #tpu.memory_space<vmem>> -> memref<1x128xi32, #tpu.memory_space<vmem>>
      %dma_start3A_43 = tpu.memref_squeeze %dma_start3A_42 : memref<1x128xi32, #tpu.memory_space<vmem>> -> memref<128xi32, #tpu.memory_space<vmem>>
      %dma_start3A_44 = arith.constant 0 : i32
      %dma_start3A_45 = arith.constant 0 : i32
      %dma_start3A_46 = tpu.memref_slice %arg2[%dma_start3A_44, %dma_start3A_45] : memref<10000x64xf32, #tpu.memory_space<hbm>> -> memref<10000x64xf32, #tpu.memory_space<hbm>>
      tpu.enqueue_indirect_dma source(%dma_start3A_46 : memref<10000x64xf32, #tpu.memory_space<hbm>>) target(%arg12 : memref<128x64xf32, #tpu.memory_space<vmem>>) offsets(%dma_start3A_43 : memref<128xi32, #tpu.memory_space<vmem>>) semaphore(%arg13 : memref<!tpu.dma_semaphore, #tpu.memory_space<semaphore_mem>>)
      %dma_wait3A = arith.constant 0 : i32
      %dma_wait3A_47 = tpu.memref_slice %arg8[%scan3A_41, %dma_wait3A] : memref<80x128xi32, #tpu.memory_space<vmem>> -> memref<1x128xi32, #tpu.memory_space<vmem>>
      %dma_wait3A_48 = tpu.memref_squeeze %dma_wait3A_47 : memref<1x128xi32, #tpu.memory_space<vmem>> -> memref<128xi32, #tpu.memory_space<vmem>>
      %dma_wait3A_49 = arith.constant 0 : i32
      %dma_wait3A_50 = arith.constant 0 : i32
      %dma_wait3A_51 = tpu.memref_slice %arg2[%dma_wait3A_49, %dma_wait3A_50] : memref<10000x64xf32, #tpu.memory_space<hbm>> -> memref<10000x64xf32, #tpu.memory_space<hbm>>
      tpu.wait_indirect_dma semaphore(%arg13 : memref<!tpu.dma_semaphore, #tpu.memory_space<semaphore_mem>>) src(%dma_wait3A_51 : memref<10000x64xf32, #tpu.memory_space<hbm>>) dst(%arg12 : memref<128x64xf32, #tpu.memory_space<vmem>>)
      %scan3A_52 = arith.constant 0 : i32
      %scan3A_53 = arith.constant 8 : i32
      %scan3A_54 = arith.addi %scan3A_52, %scan3A_53 : i32
      %scan3A_55 = arith.constant 1 : i32
      scf.for %scan3A_57 = %scan3A_52 to %scan3A_54 step %scan3A_55  : i32 {
        %mul3A_58 = arith.constant 16 : i32
        %mul3A_59 = arith.muli %scan3A_57, %mul3A_58 : i32
        %get3A = arith.index_cast %scan3A_41 : i32 to index
        %get3A_60 = arith.index_cast %mul3A_59 : i32 to index
        %get3A_61 = tpu.vector_load %arg8[%get3A, %get3A_60] {strides = array<i32>} : memref<80x128xi32, #tpu.memory_space<vmem>>, vector<16xi32>,
        %mul3A_62 = arith.constant 16 : i32
        %mul3A_63 = arith.muli %scan3A_57, %mul3A_62 : i32
        %get3A_64 = arith.index_cast %scan3A_41 : i32 to index
        %get3A_65 = arith.index_cast %mul3A_63 : i32 to index
        %get3A_66 = tpu.vector_load %arg9[%get3A_64, %get3A_65] {strides = array<i32>} : memref<80x128xi32, #tpu.memory_space<vmem>>, vector<16xi32>,
        %mul3A_67 = arith.constant 16 : i32
        %mul3A_68 = arith.muli %scan3A_57, %mul3A_67 : i32
        %get3A_69 = arith.index_cast %scan3A_41 : i32 to index
        %get3A_70 = arith.index_cast %mul3A_68 : i32 to index
        %get3A_71 = tpu.vector_load %arg10[%get3A_69, %get3A_70] {strides = array<i32>} : memref<80x128xf32, #tpu.memory_space<vmem>>, vector<16xf32>,
        %gather3A = tpu.vector_load_idx %arg11[%get3A_61] : memref<10240xf32, #tpu.memory_space<vmem>>[vector<16xi32>], vector<16xf32>,
        %gather3A_72 = tpu.vector_load_idx %arg11[%get3A_66] : memref<10240xf32, #tpu.memory_space<vmem>>[vector<16xi32>], vector<16xf32>,
        %mul3A_73 = arith.mulf %gather3A, %get3A_71 : vector<16xf32>
        %mul3A_74 = arith.mulf %mul3A_73, %gather3A_72 : vector<16xf32>
        %slice3A = vector.extract_strided_slice %mul3A_74 {offsets = [0], sizes = [1], strides = [1]} : vector<16xf32> to vector<1xf32>
        %squeeze3A = vector.extract %slice3A[0] : f32 from vector<1xf32>
        %mul3A_75 = arith.constant 16 : i32
        %mul3A_76 = arith.muli %scan3A_57, %mul3A_75 : i32
        %add3A_77 = arith.constant 0 : i32
        %add3A_78 = arith.addi %mul3A_76, %add3A_77 : i32
        %get3A_79 = arith.index_cast %add3A_78 : i32 to index
        %get3A_80 = arith.constant 0 : index
        %get3A_81 = tpu.vector_load %arg12[%get3A_79, %get3A_80] {strides = array<i32>} : memref<128x64xf32, #tpu.memory_space<vmem>>, vector<16xf32>,
        %mul3A_82 = vector.broadcast %squeeze3A : f32 to vector<16xf32>
        %mul3A_83 = arith.mulf %get3A_81, %mul3A_82 : vector<16xf32>
        %swap3A = arith.index_cast %add3A_78 : i32 to index
        %swap3A_84 = arith.constant 0 : index
        %swap3A_85 = tpu.vector_load %arg12[%swap3A, %swap3A_84] {strides = array<i32>} : memref<128x64xf32, #tpu.memory_space<vmem>>, vector<16xf32>,
        tpu.vector_store %arg12[%swap3A, %swap3A_84], %mul3A_83 {strides = array<i32>} : memref<128x64xf32, #tpu.memory_space<vmem>>, vector<16xf32>,
        %get3A_86 = arith.index_cast %add3A_78 : i32 to index
        %get3A_87 = arith.constant 16 : index
        %get3A_88 = tpu.vector_load %arg12[%get3A_86, %get3A_87] {strides = array<i32>} : memref<128x64xf32, #tpu.memory_space<vmem>>, vector<16xf32>,
        %mul3A_89 = vector.broadcast %squeeze3A : f32 to vector<16xf32>
        %mul3A_90 = arith.mulf %get3A_88, %mul3A_89 : vector<16xf32>
        %swap3A_91 = arith.index_cast %add3A_78 : i32 to index
        %swap3A_92 = arith.constant 16 : index
        %swap3A_93 = tpu.vector_load %arg12[%swap3A_91, %swap3A_92] {strides = array<i32>} : memref<128x64xf32, #tpu.memory_space<vmem>>, vector<16xf32>,
        tpu.vector_store %arg12[%swap3A_91, %swap3A_92], %mul3A_90 {strides = array<i32>} : memref<128x64xf32, #tpu.memory_space<vmem>>, vector<16xf32>,
        %get3A_94 = arith.index_cast %add3A_78 : i32 to index
        %get3A_95 = arith.constant 32 : index
        %get3A_96 = tpu.vector_load %arg12[%get3A_94, %get3A_95] {strides = array<i32>} : memref<128x64xf32, #tpu.memory_space<vmem>>, vector<16xf32>,
        %mul3A_97 = vector.broadcast %squeeze3A : f32 to vector<16xf32>
        %mul3A_98 = arith.mulf %get3A_96, %mul3A_97 : vector<16xf32>
        %swap3A_99 = arith.index_cast %add3A_78 : i32 to index
        %swap3A_100 = arith.constant 32 : index
        %swap3A_101 = tpu.vector_load %arg12[%swap3A_99, %swap3A_100] {strides = array<i32>} : memref<128x64xf32, #tpu.memory_space<vmem>>, vector<16xf32>,
        tpu.vector_store %arg12[%swap3A_99, %swap3A_100], %mul3A_98 {strides = array<i32>} : memref<128x64xf32, #tpu.memory_space<vmem>>, vector<16xf32>,
        %get3A_102 = arith.index_cast %add3A_78 : i32 to index
        %get3A_103 = arith.constant 48 : index
        %get3A_104 = tpu.vector_load %arg12[%get3A_102, %get3A_103] {strides = array<i32>} : memref<128x64xf32, #tpu.memory_space<vmem>>, vector<16xf32>,
        %mul3A_105 = vector.broadcast %squeeze3A : f32 to vector<16xf32>
        %mul3A_106 = arith.mulf %get3A_104, %mul3A_105 : vector<16xf32>
        %swap3A_107 = arith.index_cast %add3A_78 : i32 to index
        %swap3A_108 = arith.constant 48 : index
        %swap3A_109 = tpu.vector_load %arg12[%swap3A_107, %swap3A_108] {strides = array<i32>} : memref<128x64xf32, #tpu.memory_space<vmem>>, vector<16xf32>,
        tpu.vector_store %arg12[%swap3A_107, %swap3A_108], %mul3A_106 {strides = array<i32>} : memref<128x64xf32, #tpu.memory_space<vmem>>, vector<16xf32>,
        %slice3A_110 = vector.extract_strided_slice %mul3A_74 {offsets = [1], sizes = [1], strides = [1]} : vector<16xf32> to vector<1xf32>
        %squeeze3A_111 = vector.extract %slice3A_110[0] : f32 from vector<1xf32>
        %mul3A_112 = arith.constant 16 : i32
        %mul3A_113 = arith.muli %scan3A_57, %mul3A_112 : i32
        %add3A_114 = arith.constant 1 : i32
        %add3A_115 = arith.addi %mul3A_113, %add3A_114 : i32
        %get3A_116 = arith.index_cast %add3A_115 : i32 to index
        %get3A_117 = arith.constant 0 : index
        %get3A_118 = tpu.vector_load %arg12[%get3A_116, %get3A_117] {strides = array<i32>} : memref<128x64xf32, #tpu.memory_space<vmem>>, vector<16xf32>,
        %mul3A_119 = vector.broadcast %squeeze3A_111 : f32 to vector<16xf32>
        %mul3A_120 = arith.mulf %get3A_118, %mul3A_119 : vector<16xf32>
        %swap3A_121 = arith.index_cast %add3A_115 : i32 to index
        %swap3A_122 = arith.constant 0 : index
        %swap3A_123 = tpu.vector_load %arg12[%swap3A_121, %swap3A_122] {strides = array<i32>} : memref<128x64xf32, #tpu.memory_space<vmem>>, vector<16xf32>,
        tpu.vector_store %arg12[%swap3A_121, %swap3A_122], %mul3A_120 {strides = array<i32>} : memref<128x64xf32, #tpu.memory_space<vmem>>, vector<16xf32>,
        %get3A_124 = arith.index_cast %add3A_115 : i32 to index
        %get3A_125 = arith.constant 16 : index
        %get3A_126 = tpu.vector_load %arg12[%get3A_124, %get3A_125] {strides = array<i32>} : memref<128x64xf32, #tpu.memory_space<vmem>>, vector<16xf32>,
        %mul3A_127 = vector.broadcast %squeeze3A_111 : f32 to vector<16xf32>
        %mul3A_128 = arith.mulf %get3A_126, %mul3A_127 : vector<16xf32>
        %swap3A_129 = arith.index_cast %add3A_115 : i32 to index
        %swap3A_130 = arith.constant 16 : index
        %swap3A_131 = tpu.vector_load %arg12[%swap3A_129, %swap3A_130] {strides = array<i32>} : memref<128x64xf32, #tpu.memory_space<vmem>>, vector<16xf32>,
        tpu.vector_store %arg12[%swap3A_129, %swap3A_130], %mul3A_128 {strides = array<i32>} : memref<128x64xf32, #tpu.memory_space<vmem>>, vector<16xf32>,
        %get3A_132 = arith.index_cast %add3A_115 : i32 to index
        %get3A_133 = arith.constant 32 : index
        %get3A_134 = tpu.vector_load %arg12[%get3A_132, %get3A_133] {strides = array<i32>} : memref<128x64xf32, #tpu.memory_space<vmem>>, vector<16xf32>,
        %mul3A_135 = vector.broadcast %squeeze3A_111 : f32 to vector<16xf32>
        %mul3A_136 = arith.mulf %get3A_134, %mul3A_135 : vector<16xf32>
        %swap3A_137 = arith.index_cast %add3A_115 : i32 to index
        %swap3A_138 = arith.constant 32 : index
        %swap3A_139 = tpu.vector_load %arg12[%swap3A_137, %swap3A_138] {strides = array<i32>} : memref<128x64xf32, #tpu.memory_space<vmem>>, vector<16xf32>,
        tpu.vector_store %arg12[%swap3A_137, %swap3A_138], %mul3A_136 {strides = array<i32>} : memref<128x64xf32, #tpu.memory_space<vmem>>, vector<16xf32>,
        %get3A_140 = arith.index_cast %add3A_115 : i32 to index
        %get3A_141 = arith.constant 48 : index
        %get3A_142 = tpu.vector_load %arg12[%get3A_140, %get3A_141] {strides = array<i32>} : memref<128x64xf32, #tpu.memory_space<vmem>>, vector<16xf32>,
        %mul3A_143 = vector.broadcast %squeeze3A_111 : f32 to vector<16xf32>
        %mul3A_144 = arith.mulf %get3A_142, %mul3A_143 : vector<16xf32>
        %swap3A_145 = arith.index_cast %add3A_115 : i32 to index
        %swap3A_146 = arith.constant 48 : index
        %swap3A_147 = tpu.vector_load %arg12[%swap3A_145, %swap3A_146] {strides = array<i32>} : memref<128x64xf32, #tpu.memory_space<vmem>>, vector<16xf32>,
        tpu.vector_store %arg12[%swap3A_145, %swap3A_146], %mul3A_144 {strides = array<i32>} : memref<128x64xf32, #tpu.memory_space<vmem>>, vector<16xf32>,
        %slice3A_148 = vector.extract_strided_slice %mul3A_74 {offsets = [2], sizes = [1], strides = [1]} : vector<16xf32> to vector<1xf32>
        %squeeze3A_149 = vector.extract %slice3A_148[0] : f32 from vector<1xf32>
        %mul3A_150 = arith.constant 16 : i32
        %mul3A_151 = arith.muli %scan3A_57, %mul3A_150 : i32
        %add3A_152 = arith.constant 2 : i32
        %add3A_153 = arith.addi %mul3A_151, %add3A_152 : i32
        %get3A_154 = arith.index_cast %add3A_153 : i32 to index
        %get3A_155 = arith.constant 0 : index
        %get3A_156 = tpu.vector_load %arg12[%get3A_154, %get3A_155] {strides = array<i32>} : memref<128x64xf32, #tpu.memory_space<vmem>>, vector<16xf32>,
        %mul3A_157 = vector.broadcast %squeeze3A_149 : f32 to vector<16xf32>
        %mul3A_158 = arith.mulf %get3A_156, %mul3A_157 : vector<16xf32>
        %swap3A_159 = arith.index_cast %add3A_153 : i32 to index
        %swap3A_160 = arith.constant 0 : index
        %swap3A_161 = tpu.vector_load %arg12[%swap3A_159, %swap3A_160] {strides = array<i32>} : memref<128x64xf32, #tpu.memory_space<vmem>>, vector<16xf32>,
        tpu.vector_store %arg12[%swap3A_159, %swap3A_160], %mul3A_158 {strides = array<i32>} : memref<128x64xf32, #tpu.memory_space<vmem>>, vector<16xf32>,
        %get3A_162 = arith.index_cast %add3A_153 : i32 to index
        %get3A_163 = arith.constant 16 : index
        %get3A_164 = tpu.vector_load %arg12[%get3A_162, %get3A_163] {strides = array<i32>} : memref<128x64xf32, #tpu.memory_space<vmem>>, vector<16xf32>,
        %mul3A_165 = vector.broadcast %squeeze3A_149 : f32 to vector<16xf32>
        %mul3A_166 = arith.mulf %get3A_164, %mul3A_165 : vector<16xf32>
        %swap3A_167 = arith.index_cast %add3A_153 : i32 to index
        %swap3A_168 = arith.constant 16 : index
        %swap3A_169 = tpu.vector_load %arg12[%swap3A_167, %swap3A_168] {strides = array<i32>} : memref<128x64xf32, #tpu.memory_space<vmem>>, vector<16xf32>,
        tpu.vector_store %arg12[%swap3A_167, %swap3A_168], %mul3A_166 {strides = array<i32>} : memref<128x64xf32, #tpu.memory_space<vmem>>, vector<16xf32>,
        %get3A_170 = arith.index_cast %add3A_153 : i32 to index
        %get3A_171 = arith.constant 32 : index
        %get3A_172 = tpu.vector_load %arg12[%get3A_170, %get3A_171] {strides = array<i32>} : memref<128x64xf32, #tpu.memory_space<vmem>>, vector<16xf32>,
        %mul3A_173 = vector.broadcast %squeeze3A_149 : f32 to vector<16xf32>
        %mul3A_174 = arith.mulf %get3A_172, %mul3A_173 : vector<16xf32>
        %swap3A_175 = arith.index_cast %add3A_153 : i32 to index
        %swap3A_176 = arith.constant 32 : index
        %swap3A_177 = tpu.vector_load %arg12[%swap3A_175, %swap3A_176] {strides = array<i32>} : memref<128x64xf32, #tpu.memory_space<vmem>>, vector<16xf32>,
        tpu.vector_store %arg12[%swap3A_175, %swap3A_176], %mul3A_174 {strides = array<i32>} : memref<128x64xf32, #tpu.memory_space<vmem>>, vector<16xf32>,
        %get3A_178 = arith.index_cast %add3A_153 : i32 to index
        %get3A_179 = arith.constant 48 : index
        %get3A_180 = tpu.vector_load %arg12[%get3A_178, %get3A_179] {strides = array<i32>} : memref<128x64xf32, #tpu.memory_space<vmem>>, vector<16xf32>,
        %mul3A_181 = vector.broadcast %squeeze3A_149 : f32 to vector<16xf32>
        %mul3A_182 = arith.mulf %get3A_180, %mul3A_181 : vector<16xf32>
        %swap3A_183 = arith.index_cast %add3A_153 : i32 to index
        %swap3A_184 = arith.constant 48 : index
        %swap3A_185 = tpu.vector_load %arg12[%swap3A_183, %swap3A_184] {strides = array<i32>} : memref<128x64xf32, #tpu.memory_space<vmem>>, vector<16xf32>,
        tpu.vector_store %arg12[%swap3A_183, %swap3A_184], %mul3A_182 {strides = array<i32>} : memref<128x64xf32, #tpu.memory_space<vmem>>, vector<16xf32>,
        %slice3A_186 = vector.extract_strided_slice %mul3A_74 {offsets = [3], sizes = [1], strides = [1]} : vector<16xf32> to vector<1xf32>
        %squeeze3A_187 = vector.extract %slice3A_186[0] : f32 from vector<1xf32>
        %mul3A_188 = arith.constant 16 : i32
        %mul3A_189 = arith.muli %scan3A_57, %mul3A_188 : i32
        %add3A_190 = arith.constant 3 : i32
        %add3A_191 = arith.addi %mul3A_189, %add3A_190 : i32
        %get3A_192 = arith.index_cast %add3A_191 : i32 to index
        %get3A_193 = arith.constant 0 : index
        %get3A_194 = tpu.vector_load %arg12[%get3A_192, %get3A_193] {strides = array<i32>} : memref<128x64xf32, #tpu.memory_space<vmem>>, vector<16xf32>,
        %mul3A_195 = vector.broadcast %squeeze3A_187 : f32 to vector<16xf32>
        %mul3A_196 = arith.mulf %get3A_194, %mul3A_195 : vector<16xf32>
        %swap3A_197 = arith.index_cast %add3A_191 : i32 to index
        %swap3A_198 = arith.constant 0 : index
        %swap3A_199 = tpu.vector_load %arg12[%swap3A_197, %swap3A_198] {strides = array<i32>} : memref<128x64xf32, #tpu.memory_space<vmem>>, vector<16xf32>,
        tpu.vector_store %arg12[%swap3A_197, %swap3A_198], %mul3A_196 {strides = array<i32>} : memref<128x64xf32, #tpu.memory_space<vmem>>, vector<16xf32>,
        %get3A_200 = arith.index_cast %add3A_191 : i32 to index
        %get3A_201 = arith.constant 16 : index
        %get3A_202 = tpu.vector_load %arg12[%get3A_200, %get3A_201] {strides = array<i32>} : memref<128x64xf32, #tpu.memory_space<vmem>>, vector<16xf32>,
        %mul3A_203 = vector.broadcast %squeeze3A_187 : f32 to vector<16xf32>
        %mul3A_204 = arith.mulf %get3A_202, %mul3A_203 : vector<16xf32>
        %swap3A_205 = arith.index_cast %add3A_191 : i32 to index
        %swap3A_206 = arith.constant 16 : index
        %swap3A_207 = tpu.vector_load %arg12[%swap3A_205, %swap3A_206] {strides = array<i32>} : memref<128x64xf32, #tpu.memory_space<vmem>>, vector<16xf32>,
        tpu.vector_store %arg12[%swap3A_205, %swap3A_206], %mul3A_204 {strides = array<i32>} : memref<128x64xf32, #tpu.memory_space<vmem>>, vector<16xf32>,
        %get3A_208 = arith.index_cast %add3A_191 : i32 to index
        %get3A_209 = arith.constant 32 : index
        %get3A_210 = tpu.vector_load %arg12[%get3A_208, %get3A_209] {strides = array<i32>} : memref<128x64xf32, #tpu.memory_space<vmem>>, vector<16xf32>,
        %mul3A_211 = vector.broadcast %squeeze3A_187 : f32 to vector<16xf32>
        %mul3A_212 = arith.mulf %get3A_210, %mul3A_211 : vector<16xf32>
        %swap3A_213 = arith.index_cast %add3A_191 : i32 to index
        %swap3A_214 = arith.constant 32 : index
        %swap3A_215 = tpu.vector_load %arg12[%swap3A_213, %swap3A_214] {strides = array<i32>} : memref<128x64xf32, #tpu.memory_space<vmem>>, vector<16xf32>,
        tpu.vector_store %arg12[%swap3A_213, %swap3A_214], %mul3A_212 {strides = array<i32>} : memref<128x64xf32, #tpu.memory_space<vmem>>, vector<16xf32>,
        %get3A_216 = arith.index_cast %add3A_191 : i32 to index
        %get3A_217 = arith.constant 48 : index
        %get3A_218 = tpu.vector_load %arg12[%get3A_216, %get3A_217] {strides = array<i32>} : memref<128x64xf32, #tpu.memory_space<vmem>>, vector<16xf32>,
        %mul3A_219 = vector.broadcast %squeeze3A_187 : f32 to vector<16xf32>
        %mul3A_220 = arith.mulf %get3A_218, %mul3A_219 : vector<16xf32>
        %swap3A_221 = arith.index_cast %add3A_191 : i32 to index
        %swap3A_222 = arith.constant 48 : index
        %swap3A_223 = tpu.vector_load %arg12[%swap3A_221, %swap3A_222] {strides = array<i32>} : memref<128x64xf32, #tpu.memory_space<vmem>>, vector<16xf32>,
        tpu.vector_store %arg12[%swap3A_221, %swap3A_222], %mul3A_220 {strides = array<i32>} : memref<128x64xf32, #tpu.memory_space<vmem>>, vector<16xf32>,
        %slice3A_224 = vector.extract_strided_slice %mul3A_74 {offsets = [4], sizes = [1], strides = [1]} : vector<16xf32> to vector<1xf32>
        %squeeze3A_225 = vector.extract %slice3A_224[0] : f32 from vector<1xf32>
        %mul3A_226 = arith.constant 16 : i32
        %mul3A_227 = arith.muli %scan3A_57, %mul3A_226 : i32
        %add3A_228 = arith.constant 4 : i32
        %add3A_229 = arith.addi %mul3A_227, %add3A_228 : i32
        %get3A_230 = arith.index_cast %add3A_229 : i32 to index
        %get3A_231 = arith.constant 0 : index
        %get3A_232 = tpu.vector_load %arg12[%get3A_230, %get3A_231] {strides = array<i32>} : memref<128x64xf32, #tpu.memory_space<vmem>>, vector<16xf32>,
        %mul3A_233 = vector.broadcast %squeeze3A_225 : f32 to vector<16xf32>
        %mul3A_234 = arith.mulf %get3A_232, %mul3A_233 : vector<16xf32>
        %swap3A_235 = arith.index_cast %add3A_229 : i32 to index
        %swap3A_236 = arith.constant 0 : index
        %swap3A_237 = tpu.vector_load %arg12[%swap3A_235, %swap3A_236] {strides = array<i32>} : memref<128x64xf32, #tpu.memory_space<vmem>>, vector<16xf32>,
        tpu.vector_store %arg12[%swap3A_235, %swap3A_236], %mul3A_234 {strides = array<i32>} : memref<128x64xf32, #tpu.memory_space<vmem>>, vector<16xf32>,
        %get3A_238 = arith.index_cast %add3A_229 : i32 to index
        %get3A_239 = arith.constant 16 : index
        %get3A_240 = tpu.vector_load %arg12[%get3A_238, %get3A_239] {strides = array<i32>} : memref<128x64xf32, #tpu.memory_space<vmem>>, vector<16xf32>,
        %mul3A_241 = vector.broadcast %squeeze3A_225 : f32 to vector<16xf32>
        %mul3A_242 = arith.mulf %get3A_240, %mul3A_241 : vector<16xf32>
        %swap3A_243 = arith.index_cast %add3A_229 : i32 to index
        %swap3A_244 = arith.constant 16 : index
        %swap3A_245 = tpu.vector_load %arg12[%swap3A_243, %swap3A_244] {strides = array<i32>} : memref<128x64xf32, #tpu.memory_space<vmem>>, vector<16xf32>,
        tpu.vector_store %arg12[%swap3A_243, %swap3A_244], %mul3A_242 {strides = array<i32>} : memref<128x64xf32, #tpu.memory_space<vmem>>, vector<16xf32>,
        %get3A_246 = arith.index_cast %add3A_229 : i32 to index
        %get3A_247 = arith.constant 32 : index
        %get3A_248 = tpu.vector_load %arg12[%get3A_246, %get3A_247] {strides = array<i32>} : memref<128x64xf32, #tpu.memory_space<vmem>>, vector<16xf32>,
        %mul3A_249 = vector.broadcast %squeeze3A_225 : f32 to vector<16xf32>
        %mul3A_250 = arith.mulf %get3A_248, %mul3A_249 : vector<16xf32>
        %swap3A_251 = arith.index_cast %add3A_229 : i32 to index
        %swap3A_252 = arith.constant 32 : index
        %swap3A_253 = tpu.vector_load %arg12[%swap3A_251, %swap3A_252] {strides = array<i32>} : memref<128x64xf32, #tpu.memory_space<vmem>>, vector<16xf32>,
        tpu.vector_store %arg12[%swap3A_251, %swap3A_252], %mul3A_250 {strides = array<i32>} : memref<128x64xf32, #tpu.memory_space<vmem>>, vector<16xf32>,
        %get3A_254 = arith.index_cast %add3A_229 : i32 to index
        %get3A_255 = arith.constant 48 : index
        %get3A_256 = tpu.vector_load %arg12[%get3A_254, %get3A_255] {strides = array<i32>} : memref<128x64xf32, #tpu.memory_space<vmem>>, vector<16xf32>,
        %mul3A_257 = vector.broadcast %squeeze3A_225 : f32 to vector<16xf32>
        %mul3A_258 = arith.mulf %get3A_256, %mul3A_257 : vector<16xf32>
        %swap3A_259 = arith.index_cast %add3A_229 : i32 to index
        %swap3A_260 = arith.constant 48 : index
        %swap3A_261 = tpu.vector_load %arg12[%swap3A_259, %swap3A_260] {strides = array<i32>} : memref<128x64xf32, #tpu.memory_space<vmem>>, vector<16xf32>,
        tpu.vector_store %arg12[%swap3A_259, %swap3A_260], %mul3A_258 {strides = array<i32>} : memref<128x64xf32, #tpu.memory_space<vmem>>, vector<16xf32>,
        %slice3A_262 = vector.extract_strided_slice %mul3A_74 {offsets = [5], sizes = [1], strides = [1]} : vector<16xf32> to vector<1xf32>
        %squeeze3A_263 = vector.extract %slice3A_262[0] : f32 from vector<1xf32>
        %mul3A_264 = arith.constant 16 : i32
        %mul3A_265 = arith.muli %scan3A_57, %mul3A_264 : i32
        %add3A_266 = arith.constant 5 : i32
        %add3A_267 = arith.addi %mul3A_265, %add3A_266 : i32
        %get3A_268 = arith.index_cast %add3A_267 : i32 to index
        %get3A_269 = arith.constant 0 : index
        %get3A_270 = tpu.vector_load %arg12[%get3A_268, %get3A_269] {strides = array<i32>} : memref<128x64xf32, #tpu.memory_space<vmem>>, vector<16xf32>,
        %mul3A_271 = vector.broadcast %squeeze3A_263 : f32 to vector<16xf32>
        %mul3A_272 = arith.mulf %get3A_270, %mul3A_271 : vector<16xf32>
        %swap3A_273 = arith.index_cast %add3A_267 : i32 to index
        %swap3A_274 = arith.constant 0 : index
        %swap3A_275 = tpu.vector_load %arg12[%swap3A_273, %swap3A_274] {strides = array<i32>} : memref<128x64xf32, #tpu.memory_space<vmem>>, vector<16xf32>,
        tpu.vector_store %arg12[%swap3A_273, %swap3A_274], %mul3A_272 {strides = array<i32>} : memref<128x64xf32, #tpu.memory_space<vmem>>, vector<16xf32>,
        %get3A_276 = arith.index_cast %add3A_267 : i32 to index
        %get3A_277 = arith.constant 16 : index
        %get3A_278 = tpu.vector_load %arg12[%get3A_276, %get3A_277] {strides = array<i32>} : memref<128x64xf32, #tpu.memory_space<vmem>>, vector<16xf32>,
        %mul3A_279 = vector.broadcast %squeeze3A_263 : f32 to vector<16xf32>
        %mul3A_280 = arith.mulf %get3A_278, %mul3A_279 : vector<16xf32>
        %swap3A_281 = arith.index_cast %add3A_267 : i32 to index
        %swap3A_282 = arith.constant 16 : index
        %swap3A_283 = tpu.vector_load %arg12[%swap3A_281, %swap3A_282] {strides = array<i32>} : memref<128x64xf32, #tpu.memory_space<vmem>>, vector<16xf32>,
        tpu.vector_store %arg12[%swap3A_281, %swap3A_282], %mul3A_280 {strides = array<i32>} : memref<128x64xf32, #tpu.memory_space<vmem>>, vector<16xf32>,
        %get3A_284 = arith.index_cast %add3A_267 : i32 to index
        %get3A_285 = arith.constant 32 : index
        %get3A_286 = tpu.vector_load %arg12[%get3A_284, %get3A_285] {strides = array<i32>} : memref<128x64xf32, #tpu.memory_space<vmem>>, vector<16xf32>,
        %mul3A_287 = vector.broadcast %squeeze3A_263 : f32 to vector<16xf32>
        %mul3A_288 = arith.mulf %get3A_286, %mul3A_287 : vector<16xf32>
        %swap3A_289 = arith.index_cast %add3A_267 : i32 to index
        %swap3A_290 = arith.constant 32 : index
        %swap3A_291 = tpu.vector_load %arg12[%swap3A_289, %swap3A_290] {strides = array<i32>} : memref<128x64xf32, #tpu.memory_space<vmem>>, vector<16xf32>,
        tpu.vector_store %arg12[%swap3A_289, %swap3A_290], %mul3A_288 {strides = array<i32>} : memref<128x64xf32, #tpu.memory_space<vmem>>, vector<16xf32>,
        %get3A_292 = arith.index_cast %add3A_267 : i32 to index
        %get3A_293 = arith.constant 48 : index
        %get3A_294 = tpu.vector_load %arg12[%get3A_292, %get3A_293] {strides = array<i32>} : memref<128x64xf32, #tpu.memory_space<vmem>>, vector<16xf32>,
        %mul3A_295 = vector.broadcast %squeeze3A_263 : f32 to vector<16xf32>
        %mul3A_296 = arith.mulf %get3A_294, %mul3A_295 : vector<16xf32>
        %swap3A_297 = arith.index_cast %add3A_267 : i32 to index
        %swap3A_298 = arith.constant 48 : index
        %swap3A_299 = tpu.vector_load %arg12[%swap3A_297, %swap3A_298] {strides = array<i32>} : memref<128x64xf32, #tpu.memory_space<vmem>>, vector<16xf32>,
        tpu.vector_store %arg12[%swap3A_297, %swap3A_298], %mul3A_296 {strides = array<i32>} : memref<128x64xf32, #tpu.memory_space<vmem>>, vector<16xf32>,
        %slice3A_300 = vector.extract_strided_slice %mul3A_74 {offsets = [6], sizes = [1], strides = [1]} : vector<16xf32> to vector<1xf32>
        %squeeze3A_301 = vector.extract %slice3A_300[0] : f32 from vector<1xf32>
        %mul3A_302 = arith.constant 16 : i32
        %mul3A_303 = arith.muli %scan3A_57, %mul3A_302 : i32
        %add3A_304 = arith.constant 6 : i32
        %add3A_305 = arith.addi %mul3A_303, %add3A_304 : i32
        %get3A_306 = arith.index_cast %add3A_305 : i32 to index
        %get3A_307 = arith.constant 0 : index
        %get3A_308 = tpu.vector_load %arg12[%get3A_306, %get3A_307] {strides = array<i32>} : memref<128x64xf32, #tpu.memory_space<vmem>>, vector<16xf32>,
        %mul3A_309 = vector.broadcast %squeeze3A_301 : f32 to vector<16xf32>
        %mul3A_310 = arith.mulf %get3A_308, %mul3A_309 : vector<16xf32>
        %swap3A_311 = arith.index_cast %add3A_305 : i32 to index
        %swap3A_312 = arith.constant 0 : index
        %swap3A_313 = tpu.vector_load %arg12[%swap3A_311, %swap3A_312] {strides = array<i32>} : memref<128x64xf32, #tpu.memory_space<vmem>>, vector<16xf32>,
        tpu.vector_store %arg12[%swap3A_311, %swap3A_312], %mul3A_310 {strides = array<i32>} : memref<128x64xf32, #tpu.memory_space<vmem>>, vector<16xf32>,
        %get3A_314 = arith.index_cast %add3A_305 : i32 to index
        %get3A_315 = arith.constant 16 : index
        %get3A_316 = tpu.vector_load %arg12[%get3A_314, %get3A_315] {strides = array<i32>} : memref<128x64xf32, #tpu.memory_space<vmem>>, vector<16xf32>,
        %mul3A_317 = vector.broadcast %squeeze3A_301 : f32 to vector<16xf32>
        %mul3A_318 = arith.mulf %get3A_316, %mul3A_317 : vector<16xf32>
        %swap3A_319 = arith.index_cast %add3A_305 : i32 to index
        %swap3A_320 = arith.constant 16 : index
        %swap3A_321 = tpu.vector_load %arg12[%swap3A_319, %swap3A_320] {strides = array<i32>} : memref<128x64xf32, #tpu.memory_space<vmem>>, vector<16xf32>,
        tpu.vector_store %arg12[%swap3A_319, %swap3A_320], %mul3A_318 {strides = array<i32>} : memref<128x64xf32, #tpu.memory_space<vmem>>, vector<16xf32>,
        %get3A_322 = arith.index_cast %add3A_305 : i32 to index
        %get3A_323 = arith.constant 32 : index
        %get3A_324 = tpu.vector_load %arg12[%get3A_322, %get3A_323] {strides = array<i32>} : memref<128x64xf32, #tpu.memory_space<vmem>>, vector<16xf32>,
        %mul3A_325 = vector.broadcast %squeeze3A_301 : f32 to vector<16xf32>
        %mul3A_326 = arith.mulf %get3A_324, %mul3A_325 : vector<16xf32>
        %swap3A_327 = arith.index_cast %add3A_305 : i32 to index
        %swap3A_328 = arith.constant 32 : index
        %swap3A_329 = tpu.vector_load %arg12[%swap3A_327, %swap3A_328] {strides = array<i32>} : memref<128x64xf32, #tpu.memory_space<vmem>>, vector<16xf32>,
        tpu.vector_store %arg12[%swap3A_327, %swap3A_328], %mul3A_326 {strides = array<i32>} : memref<128x64xf32, #tpu.memory_space<vmem>>, vector<16xf32>,
        %get3A_330 = arith.index_cast %add3A_305 : i32 to index
        %get3A_331 = arith.constant 48 : index
        %get3A_332 = tpu.vector_load %arg12[%get3A_330, %get3A_331] {strides = array<i32>} : memref<128x64xf32, #tpu.memory_space<vmem>>, vector<16xf32>,
        %mul3A_333 = vector.broadcast %squeeze3A_301 : f32 to vector<16xf32>
        %mul3A_334 = arith.mulf %get3A_332, %mul3A_333 : vector<16xf32>
        %swap3A_335 = arith.index_cast %add3A_305 : i32 to index
        %swap3A_336 = arith.constant 48 : index
        %swap3A_337 = tpu.vector_load %arg12[%swap3A_335, %swap3A_336] {strides = array<i32>} : memref<128x64xf32, #tpu.memory_space<vmem>>, vector<16xf32>,
        tpu.vector_store %arg12[%swap3A_335, %swap3A_336], %mul3A_334 {strides = array<i32>} : memref<128x64xf32, #tpu.memory_space<vmem>>, vector<16xf32>,
        %slice3A_338 = vector.extract_strided_slice %mul3A_74 {offsets = [7], sizes = [1], strides = [1]} : vector<16xf32> to vector<1xf32>
        %squeeze3A_339 = vector.extract %slice3A_338[0] : f32 from vector<1xf32>
        %mul3A_340 = arith.constant 16 : i32
        %mul3A_341 = arith.muli %scan3A_57, %mul3A_340 : i32
        %add3A_342 = arith.constant 7 : i32
        %add3A_343 = arith.addi %mul3A_341, %add3A_342 : i32
        %get3A_344 = arith.index_cast %add3A_343 : i32 to index
        %get3A_345 = arith.constant 0 : index
        %get3A_346 = tpu.vector_load %arg12[%get3A_344, %get3A_345] {strides = array<i32>} : memref<128x64xf32, #tpu.memory_space<vmem>>, vector<16xf32>,
        %mul3A_347 = vector.broadcast %squeeze3A_339 : f32 to vector<16xf32>
        %mul3A_348 = arith.mulf %get3A_346, %mul3A_347 : vector<16xf32>
        %swap3A_349 = arith.index_cast %add3A_343 : i32 to index
        %swap3A_350 = arith.constant 0 : index
        %swap3A_351 = tpu.vector_load %arg12[%swap3A_349, %swap3A_350] {strides = array<i32>} : memref<128x64xf32, #tpu.memory_space<vmem>>, vector<16xf32>,
        tpu.vector_store %arg12[%swap3A_349, %swap3A_350], %mul3A_348 {strides = array<i32>} : memref<128x64xf32, #tpu.memory_space<vmem>>, vector<16xf32>,
        %get3A_352 = arith.index_cast %add3A_343 : i32 to index
        %get3A_353 = arith.constant 16 : index
        %get3A_354 = tpu.vector_load %arg12[%get3A_352, %get3A_353] {strides = array<i32>} : memref<128x64xf32, #tpu.memory_space<vmem>>, vector<16xf32>,
        %mul3A_355 = vector.broadcast %squeeze3A_339 : f32 to vector<16xf32>
        %mul3A_356 = arith.mulf %get3A_354, %mul3A_355 : vector<16xf32>
        %swap3A_357 = arith.index_cast %add3A_343 : i32 to index
        %swap3A_358 = arith.constant 16 : index
        %swap3A_359 = tpu.vector_load %arg12[%swap3A_357, %swap3A_358] {strides = array<i32>} : memref<128x64xf32, #tpu.memory_space<vmem>>, vector<16xf32>,
        tpu.vector_store %arg12[%swap3A_357, %swap3A_358], %mul3A_356 {strides = array<i32>} : memref<128x64xf32, #tpu.memory_space<vmem>>, vector<16xf32>,
        %get3A_360 = arith.index_cast %add3A_343 : i32 to index
        %get3A_361 = arith.constant 32 : index
        %get3A_362 = tpu.vector_load %arg12[%get3A_360, %get3A_361] {strides = array<i32>} : memref<128x64xf32, #tpu.memory_space<vmem>>, vector<16xf32>,
        %mul3A_363 = vector.broadcast %squeeze3A_339 : f32 to vector<16xf32>
        %mul3A_364 = arith.mulf %get3A_362, %mul3A_363 : vector<16xf32>
        %swap3A_365 = arith.index_cast %add3A_343 : i32 to index
        %swap3A_366 = arith.constant 32 : index
        %swap3A_367 = tpu.vector_load %arg12[%swap3A_365, %swap3A_366] {strides = array<i32>} : memref<128x64xf32, #tpu.memory_space<vmem>>, vector<16xf32>,
        tpu.vector_store %arg12[%swap3A_365, %swap3A_366], %mul3A_364 {strides = array<i32>} : memref<128x64xf32, #tpu.memory_space<vmem>>, vector<16xf32>,
        %get3A_368 = arith.index_cast %add3A_343 : i32 to index
        %get3A_369 = arith.constant 48 : index
        %get3A_370 = tpu.vector_load %arg12[%get3A_368, %get3A_369] {strides = array<i32>} : memref<128x64xf32, #tpu.memory_space<vmem>>, vector<16xf32>,
        %mul3A_371 = vector.broadcast %squeeze3A_339 : f32 to vector<16xf32>
        %mul3A_372 = arith.mulf %get3A_370, %mul3A_371 : vector<16xf32>
        %swap3A_373 = arith.index_cast %add3A_343 : i32 to index
        %swap3A_374 = arith.constant 48 : index
        %swap3A_375 = tpu.vector_load %arg12[%swap3A_373, %swap3A_374] {strides = array<i32>} : memref<128x64xf32, #tpu.memory_space<vmem>>, vector<16xf32>,
        tpu.vector_store %arg12[%swap3A_373, %swap3A_374], %mul3A_372 {strides = array<i32>} : memref<128x64xf32, #tpu.memory_space<vmem>>, vector<16xf32>,
        %slice3A_376 = vector.extract_strided_slice %mul3A_74 {offsets = [8], sizes = [1], strides = [1]} : vector<16xf32> to vector<1xf32>
        %squeeze3A_377 = vector.extract %slice3A_376[0] : f32 from vector<1xf32>
        %mul3A_378 = arith.constant 16 : i32
        %mul3A_379 = arith.muli %scan3A_57, %mul3A_378 : i32
        %add3A_380 = arith.constant 8 : i32
        %add3A_381 = arith.addi %mul3A_379, %add3A_380 : i32
        %get3A_382 = arith.index_cast %add3A_381 : i32 to index
        %get3A_383 = arith.constant 0 : index
        %get3A_384 = tpu.vector_load %arg12[%get3A_382, %get3A_383] {strides = array<i32>} : memref<128x64xf32, #tpu.memory_space<vmem>>, vector<16xf32>,
        %mul3A_385 = vector.broadcast %squeeze3A_377 : f32 to vector<16xf32>
        %mul3A_386 = arith.mulf %get3A_384, %mul3A_385 : vector<16xf32>
        %swap3A_387 = arith.index_cast %add3A_381 : i32 to index
        %swap3A_388 = arith.constant 0 : index
        %swap3A_389 = tpu.vector_load %arg12[%swap3A_387, %swap3A_388] {strides = array<i32>} : memref<128x64xf32, #tpu.memory_space<vmem>>, vector<16xf32>,
        tpu.vector_store %arg12[%swap3A_387, %swap3A_388], %mul3A_386 {strides = array<i32>} : memref<128x64xf32, #tpu.memory_space<vmem>>, vector<16xf32>,
        %get3A_390 = arith.index_cast %add3A_381 : i32 to index
        %get3A_391 = arith.constant 16 : index
        %get3A_392 = tpu.vector_load %arg12[%get3A_390, %get3A_391] {strides = array<i32>} : memref<128x64xf32, #tpu.memory_space<vmem>>, vector<16xf32>,
        %mul3A_393 = vector.broadcast %squeeze3A_377 : f32 to vector<16xf32>
        %mul3A_394 = arith.mulf %get3A_392, %mul3A_393 : vector<16xf32>
        %swap3A_395 = arith.index_cast %add3A_381 : i32 to index
        %swap3A_396 = arith.constant 16 : index
        %swap3A_397 = tpu.vector_load %arg12[%swap3A_395, %swap3A_396] {strides = array<i32>} : memref<128x64xf32, #tpu.memory_space<vmem>>, vector<16xf32>,
        tpu.vector_store %arg12[%swap3A_395, %swap3A_396], %mul3A_394 {strides = array<i32>} : memref<128x64xf32, #tpu.memory_space<vmem>>, vector<16xf32>,
        %get3A_398 = arith.index_cast %add3A_381 : i32 to index
        %get3A_399 = arith.constant 32 : index
        %get3A_400 = tpu.vector_load %arg12[%get3A_398, %get3A_399] {strides = array<i32>} : memref<128x64xf32, #tpu.memory_space<vmem>>, vector<16xf32>,
        %mul3A_401 = vector.broadcast %squeeze3A_377 : f32 to vector<16xf32>
        %mul3A_402 = arith.mulf %get3A_400, %mul3A_401 : vector<16xf32>
        %swap3A_403 = arith.index_cast %add3A_381 : i32 to index
        %swap3A_404 = arith.constant 32 : index
        %swap3A_405 = tpu.vector_load %arg12[%swap3A_403, %swap3A_404] {strides = array<i32>} : memref<128x64xf32, #tpu.memory_space<vmem>>, vector<16xf32>,
        tpu.vector_store %arg12[%swap3A_403, %swap3A_404], %mul3A_402 {strides = array<i32>} : memref<128x64xf32, #tpu.memory_space<vmem>>, vector<16xf32>,
        %get3A_406 = arith.index_cast %add3A_381 : i32 to index
        %get3A_407 = arith.constant 48 : index
        %get3A_408 = tpu.vector_load %arg12[%get3A_406, %get3A_407] {strides = array<i32>} : memref<128x64xf32, #tpu.memory_space<vmem>>, vector<16xf32>,
        %mul3A_409 = vector.broadcast %squeeze3A_377 : f32 to vector<16xf32>
        %mul3A_410 = arith.mulf %get3A_408, %mul3A_409 : vector<16xf32>
        %swap3A_411 = arith.index_cast %add3A_381 : i32 to index
        %swap3A_412 = arith.constant 48 : index
        %swap3A_413 = tpu.vector_load %arg12[%swap3A_411, %swap3A_412] {strides = array<i32>} : memref<128x64xf32, #tpu.memory_space<vmem>>, vector<16xf32>,
        tpu.vector_store %arg12[%swap3A_411, %swap3A_412], %mul3A_410 {strides = array<i32>} : memref<128x64xf32, #tpu.memory_space<vmem>>, vector<16xf32>,
        %slice3A_414 = vector.extract_strided_slice %mul3A_74 {offsets = [9], sizes = [1], strides = [1]} : vector<16xf32> to vector<1xf32>
        %squeeze3A_415 = vector.extract %slice3A_414[0] : f32 from vector<1xf32>
        %mul3A_416 = arith.constant 16 : i32
        %mul3A_417 = arith.muli %scan3A_57, %mul3A_416 : i32
        %add3A_418 = arith.constant 9 : i32
        %add3A_419 = arith.addi %mul3A_417, %add3A_418 : i32
        %get3A_420 = arith.index_cast %add3A_419 : i32 to index
        %get3A_421 = arith.constant 0 : index
        %get3A_422 = tpu.vector_load %arg12[%get3A_420, %get3A_421] {strides = array<i32>} : memref<128x64xf32, #tpu.memory_space<vmem>>, vector<16xf32>,
        %mul3A_423 = vector.broadcast %squeeze3A_415 : f32 to vector<16xf32>
        %mul3A_424 = arith.mulf %get3A_422, %mul3A_423 : vector<16xf32>
        %swap3A_425 = arith.index_cast %add3A_419 : i32 to index
        %swap3A_426 = arith.constant 0 : index
        %swap3A_427 = tpu.vector_load %arg12[%swap3A_425, %swap3A_426] {strides = array<i32>} : memref<128x64xf32, #tpu.memory_space<vmem>>, vector<16xf32>,
        tpu.vector_store %arg12[%swap3A_425, %swap3A_426], %mul3A_424 {strides = array<i32>} : memref<128x64xf32, #tpu.memory_space<vmem>>, vector<16xf32>,
        %get3A_428 = arith.index_cast %add3A_419 : i32 to index
        %get3A_429 = arith.constant 16 : index
        %get3A_430 = tpu.vector_load %arg12[%get3A_428, %get3A_429] {strides = array<i32>} : memref<128x64xf32, #tpu.memory_space<vmem>>, vector<16xf32>,
        %mul3A_431 = vector.broadcast %squeeze3A_415 : f32 to vector<16xf32>
        %mul3A_432 = arith.mulf %get3A_430, %mul3A_431 : vector<16xf32>
        %swap3A_433 = arith.index_cast %add3A_419 : i32 to index
        %swap3A_434 = arith.constant 16 : index
        %swap3A_435 = tpu.vector_load %arg12[%swap3A_433, %swap3A_434] {strides = array<i32>} : memref<128x64xf32, #tpu.memory_space<vmem>>, vector<16xf32>,
        tpu.vector_store %arg12[%swap3A_433, %swap3A_434], %mul3A_432 {strides = array<i32>} : memref<128x64xf32, #tpu.memory_space<vmem>>, vector<16xf32>,
        %get3A_436 = arith.index_cast %add3A_419 : i32 to index
        %get3A_437 = arith.constant 32 : index
        %get3A_438 = tpu.vector_load %arg12[%get3A_436, %get3A_437] {strides = array<i32>} : memref<128x64xf32, #tpu.memory_space<vmem>>, vector<16xf32>,
        %mul3A_439 = vector.broadcast %squeeze3A_415 : f32 to vector<16xf32>
        %mul3A_440 = arith.mulf %get3A_438, %mul3A_439 : vector<16xf32>
        %swap3A_441 = arith.index_cast %add3A_419 : i32 to index
        %swap3A_442 = arith.constant 32 : index
        %swap3A_443 = tpu.vector_load %arg12[%swap3A_441, %swap3A_442] {strides = array<i32>} : memref<128x64xf32, #tpu.memory_space<vmem>>, vector<16xf32>,
        tpu.vector_store %arg12[%swap3A_441, %swap3A_442], %mul3A_440 {strides = array<i32>} : memref<128x64xf32, #tpu.memory_space<vmem>>, vector<16xf32>,
        %get3A_444 = arith.index_cast %add3A_419 : i32 to index
        %get3A_445 = arith.constant 48 : index
        %get3A_446 = tpu.vector_load %arg12[%get3A_444, %get3A_445] {strides = array<i32>} : memref<128x64xf32, #tpu.memory_space<vmem>>, vector<16xf32>,
        %mul3A_447 = vector.broadcast %squeeze3A_415 : f32 to vector<16xf32>
        %mul3A_448 = arith.mulf %get3A_446, %mul3A_447 : vector<16xf32>
        %swap3A_449 = arith.index_cast %add3A_419 : i32 to index
        %swap3A_450 = arith.constant 48 : index
        %swap3A_451 = tpu.vector_load %arg12[%swap3A_449, %swap3A_450] {strides = array<i32>} : memref<128x64xf32, #tpu.memory_space<vmem>>, vector<16xf32>,
        tpu.vector_store %arg12[%swap3A_449, %swap3A_450], %mul3A_448 {strides = array<i32>} : memref<128x64xf32, #tpu.memory_space<vmem>>, vector<16xf32>,
        %slice3A_452 = vector.extract_strided_slice %mul3A_74 {offsets = [10], sizes = [1], strides = [1]} : vector<16xf32> to vector<1xf32>
        %squeeze3A_453 = vector.extract %slice3A_452[0] : f32 from vector<1xf32>
        %mul3A_454 = arith.constant 16 : i32
        %mul3A_455 = arith.muli %scan3A_57, %mul3A_454 : i32
        %add3A_456 = arith.constant 10 : i32
        %add3A_457 = arith.addi %mul3A_455, %add3A_456 : i32
        %get3A_458 = arith.index_cast %add3A_457 : i32 to index
        %get3A_459 = arith.constant 0 : index
        %get3A_460 = tpu.vector_load %arg12[%get3A_458, %get3A_459] {strides = array<i32>} : memref<128x64xf32, #tpu.memory_space<vmem>>, vector<16xf32>,
        %mul3A_461 = vector.broadcast %squeeze3A_453 : f32 to vector<16xf32>
        %mul3A_462 = arith.mulf %get3A_460, %mul3A_461 : vector<16xf32>
        %swap3A_463 = arith.index_cast %add3A_457 : i32 to index
        %swap3A_464 = arith.constant 0 : index
        %swap3A_465 = tpu.vector_load %arg12[%swap3A_463, %swap3A_464] {strides = array<i32>} : memref<128x64xf32, #tpu.memory_space<vmem>>, vector<16xf32>,
        tpu.vector_store %arg12[%swap3A_463, %swap3A_464], %mul3A_462 {strides = array<i32>} : memref<128x64xf32, #tpu.memory_space<vmem>>, vector<16xf32>,
        %get3A_466 = arith.index_cast %add3A_457 : i32 to index
        %get3A_467 = arith.constant 16 : index
        %get3A_468 = tpu.vector_load %arg12[%get3A_466, %get3A_467] {strides = array<i32>} : memref<128x64xf32, #tpu.memory_space<vmem>>, vector<16xf32>,
        %mul3A_469 = vector.broadcast %squeeze3A_453 : f32 to vector<16xf32>
        %mul3A_470 = arith.mulf %get3A_468, %mul3A_469 : vector<16xf32>
        %swap3A_471 = arith.index_cast %add3A_457 : i32 to index
        %swap3A_472 = arith.constant 16 : index
        %swap3A_473 = tpu.vector_load %arg12[%swap3A_471, %swap3A_472] {strides = array<i32>} : memref<128x64xf32, #tpu.memory_space<vmem>>, vector<16xf32>,
        tpu.vector_store %arg12[%swap3A_471, %swap3A_472], %mul3A_470 {strides = array<i32>} : memref<128x64xf32, #tpu.memory_space<vmem>>, vector<16xf32>,
        %get3A_474 = arith.index_cast %add3A_457 : i32 to index
        %get3A_475 = arith.constant 32 : index
        %get3A_476 = tpu.vector_load %arg12[%get3A_474, %get3A_475] {strides = array<i32>} : memref<128x64xf32, #tpu.memory_space<vmem>>, vector<16xf32>,
        %mul3A_477 = vector.broadcast %squeeze3A_453 : f32 to vector<16xf32>
        %mul3A_478 = arith.mulf %get3A_476, %mul3A_477 : vector<16xf32>
        %swap3A_479 = arith.index_cast %add3A_457 : i32 to index
        %swap3A_480 = arith.constant 32 : index
        %swap3A_481 = tpu.vector_load %arg12[%swap3A_479, %swap3A_480] {strides = array<i32>} : memref<128x64xf32, #tpu.memory_space<vmem>>, vector<16xf32>,
        tpu.vector_store %arg12[%swap3A_479, %swap3A_480], %mul3A_478 {strides = array<i32>} : memref<128x64xf32, #tpu.memory_space<vmem>>, vector<16xf32>,
        %get3A_482 = arith.index_cast %add3A_457 : i32 to index
        %get3A_483 = arith.constant 48 : index
        %get3A_484 = tpu.vector_load %arg12[%get3A_482, %get3A_483] {strides = array<i32>} : memref<128x64xf32, #tpu.memory_space<vmem>>, vector<16xf32>,
        %mul3A_485 = vector.broadcast %squeeze3A_453 : f32 to vector<16xf32>
        %mul3A_486 = arith.mulf %get3A_484, %mul3A_485 : vector<16xf32>
        %swap3A_487 = arith.index_cast %add3A_457 : i32 to index
        %swap3A_488 = arith.constant 48 : index
        %swap3A_489 = tpu.vector_load %arg12[%swap3A_487, %swap3A_488] {strides = array<i32>} : memref<128x64xf32, #tpu.memory_space<vmem>>, vector<16xf32>,
        tpu.vector_store %arg12[%swap3A_487, %swap3A_488], %mul3A_486 {strides = array<i32>} : memref<128x64xf32, #tpu.memory_space<vmem>>, vector<16xf32>,
        %slice3A_490 = vector.extract_strided_slice %mul3A_74 {offsets = [11], sizes = [1], strides = [1]} : vector<16xf32> to vector<1xf32>
        %squeeze3A_491 = vector.extract %slice3A_490[0] : f32 from vector<1xf32>
        %mul3A_492 = arith.constant 16 : i32
        %mul3A_493 = arith.muli %scan3A_57, %mul3A_492 : i32
        %add3A_494 = arith.constant 11 : i32
        %add3A_495 = arith.addi %mul3A_493, %add3A_494 : i32
        %get3A_496 = arith.index_cast %add3A_495 : i32 to index
        %get3A_497 = arith.constant 0 : index
        %get3A_498 = tpu.vector_load %arg12[%get3A_496, %get3A_497] {strides = array<i32>} : memref<128x64xf32, #tpu.memory_space<vmem>>, vector<16xf32>,
        %mul3A_499 = vector.broadcast %squeeze3A_491 : f32 to vector<16xf32>
        %mul3A_500 = arith.mulf %get3A_498, %mul3A_499 : vector<16xf32>
        %swap3A_501 = arith.index_cast %add3A_495 : i32 to index
        %swap3A_502 = arith.constant 0 : index
        %swap3A_503 = tpu.vector_load %arg12[%swap3A_501, %swap3A_502] {strides = array<i32>} : memref<128x64xf32, #tpu.memory_space<vmem>>, vector<16xf32>,
        tpu.vector_store %arg12[%swap3A_501, %swap3A_502], %mul3A_500 {strides = array<i32>} : memref<128x64xf32, #tpu.memory_space<vmem>>, vector<16xf32>,
        %get3A_504 = arith.index_cast %add3A_495 : i32 to index
        %get3A_505 = arith.constant 16 : index
        %get3A_506 = tpu.vector_load %arg12[%get3A_504, %get3A_505] {strides = array<i32>} : memref<128x64xf32, #tpu.memory_space<vmem>>, vector<16xf32>,
        %mul3A_507 = vector.broadcast %squeeze3A_491 : f32 to vector<16xf32>
        %mul3A_508 = arith.mulf %get3A_506, %mul3A_507 : vector<16xf32>
        %swap3A_509 = arith.index_cast %add3A_495 : i32 to index
        %swap3A_510 = arith.constant 16 : index
        %swap3A_511 = tpu.vector_load %arg12[%swap3A_509, %swap3A_510] {strides = array<i32>} : memref<128x64xf32, #tpu.memory_space<vmem>>, vector<16xf32>,
        tpu.vector_store %arg12[%swap3A_509, %swap3A_510], %mul3A_508 {strides = array<i32>} : memref<128x64xf32, #tpu.memory_space<vmem>>, vector<16xf32>,
        %get3A_512 = arith.index_cast %add3A_495 : i32 to index
        %get3A_513 = arith.constant 32 : index
        %get3A_514 = tpu.vector_load %arg12[%get3A_512, %get3A_513] {strides = array<i32>} : memref<128x64xf32, #tpu.memory_space<vmem>>, vector<16xf32>,
        %mul3A_515 = vector.broadcast %squeeze3A_491 : f32 to vector<16xf32>
        %mul3A_516 = arith.mulf %get3A_514, %mul3A_515 : vector<16xf32>
        %swap3A_517 = arith.index_cast %add3A_495 : i32 to index
        %swap3A_518 = arith.constant 32 : index
        %swap3A_519 = tpu.vector_load %arg12[%swap3A_517, %swap3A_518] {strides = array<i32>} : memref<128x64xf32, #tpu.memory_space<vmem>>, vector<16xf32>,
        tpu.vector_store %arg12[%swap3A_517, %swap3A_518], %mul3A_516 {strides = array<i32>} : memref<128x64xf32, #tpu.memory_space<vmem>>, vector<16xf32>,
        %get3A_520 = arith.index_cast %add3A_495 : i32 to index
        %get3A_521 = arith.constant 48 : index
        %get3A_522 = tpu.vector_load %arg12[%get3A_520, %get3A_521] {strides = array<i32>} : memref<128x64xf32, #tpu.memory_space<vmem>>, vector<16xf32>,
        %mul3A_523 = vector.broadcast %squeeze3A_491 : f32 to vector<16xf32>
        %mul3A_524 = arith.mulf %get3A_522, %mul3A_523 : vector<16xf32>
        %swap3A_525 = arith.index_cast %add3A_495 : i32 to index
        %swap3A_526 = arith.constant 48 : index
        %swap3A_527 = tpu.vector_load %arg12[%swap3A_525, %swap3A_526] {strides = array<i32>} : memref<128x64xf32, #tpu.memory_space<vmem>>, vector<16xf32>,
        tpu.vector_store %arg12[%swap3A_525, %swap3A_526], %mul3A_524 {strides = array<i32>} : memref<128x64xf32, #tpu.memory_space<vmem>>, vector<16xf32>,
        %slice3A_528 = vector.extract_strided_slice %mul3A_74 {offsets = [12], sizes = [1], strides = [1]} : vector<16xf32> to vector<1xf32>
        %squeeze3A_529 = vector.extract %slice3A_528[0] : f32 from vector<1xf32>
        %mul3A_530 = arith.constant 16 : i32
        %mul3A_531 = arith.muli %scan3A_57, %mul3A_530 : i32
        %add3A_532 = arith.constant 12 : i32
        %add3A_533 = arith.addi %mul3A_531, %add3A_532 : i32
        %get3A_534 = arith.index_cast %add3A_533 : i32 to index
        %get3A_535 = arith.constant 0 : index
        %get3A_536 = tpu.vector_load %arg12[%get3A_534, %get3A_535] {strides = array<i32>} : memref<128x64xf32, #tpu.memory_space<vmem>>, vector<16xf32>,
        %mul3A_537 = vector.broadcast %squeeze3A_529 : f32 to vector<16xf32>
        %mul3A_538 = arith.mulf %get3A_536, %mul3A_537 : vector<16xf32>
        %swap3A_539 = arith.index_cast %add3A_533 : i32 to index
        %swap3A_540 = arith.constant 0 : index
        %swap3A_541 = tpu.vector_load %arg12[%swap3A_539, %swap3A_540] {strides = array<i32>} : memref<128x64xf32, #tpu.memory_space<vmem>>, vector<16xf32>,
        tpu.vector_store %arg12[%swap3A_539, %swap3A_540], %mul3A_538 {strides = array<i32>} : memref<128x64xf32, #tpu.memory_space<vmem>>, vector<16xf32>,
        %get3A_542 = arith.index_cast %add3A_533 : i32 to index
        %get3A_543 = arith.constant 16 : index
        %get3A_544 = tpu.vector_load %arg12[%get3A_542, %get3A_543] {strides = array<i32>} : memref<128x64xf32, #tpu.memory_space<vmem>>, vector<16xf32>,
        %mul3A_545 = vector.broadcast %squeeze3A_529 : f32 to vector<16xf32>
        %mul3A_546 = arith.mulf %get3A_544, %mul3A_545 : vector<16xf32>
        %swap3A_547 = arith.index_cast %add3A_533 : i32 to index
        %swap3A_548 = arith.constant 16 : index
        %swap3A_549 = tpu.vector_load %arg12[%swap3A_547, %swap3A_548] {strides = array<i32>} : memref<128x64xf32, #tpu.memory_space<vmem>>, vector<16xf32>,
        tpu.vector_store %arg12[%swap3A_547, %swap3A_548], %mul3A_546 {strides = array<i32>} : memref<128x64xf32, #tpu.memory_space<vmem>>, vector<16xf32>,
        %get3A_550 = arith.index_cast %add3A_533 : i32 to index
        %get3A_551 = arith.constant 32 : index
        %get3A_552 = tpu.vector_load %arg12[%get3A_550, %get3A_551] {strides = array<i32>} : memref<128x64xf32, #tpu.memory_space<vmem>>, vector<16xf32>,
        %mul3A_553 = vector.broadcast %squeeze3A_529 : f32 to vector<16xf32>
        %mul3A_554 = arith.mulf %get3A_552, %mul3A_553 : vector<16xf32>
        %swap3A_555 = arith.index_cast %add3A_533 : i32 to index
        %swap3A_556 = arith.constant 32 : index
        %swap3A_557 = tpu.vector_load %arg12[%swap3A_555, %swap3A_556] {strides = array<i32>} : memref<128x64xf32, #tpu.memory_space<vmem>>, vector<16xf32>,
        tpu.vector_store %arg12[%swap3A_555, %swap3A_556], %mul3A_554 {strides = array<i32>} : memref<128x64xf32, #tpu.memory_space<vmem>>, vector<16xf32>,
        %get3A_558 = arith.index_cast %add3A_533 : i32 to index
        %get3A_559 = arith.constant 48 : index
        %get3A_560 = tpu.vector_load %arg12[%get3A_558, %get3A_559] {strides = array<i32>} : memref<128x64xf32, #tpu.memory_space<vmem>>, vector<16xf32>,
        %mul3A_561 = vector.broadcast %squeeze3A_529 : f32 to vector<16xf32>
        %mul3A_562 = arith.mulf %get3A_560, %mul3A_561 : vector<16xf32>
        %swap3A_563 = arith.index_cast %add3A_533 : i32 to index
        %swap3A_564 = arith.constant 48 : index
        %swap3A_565 = tpu.vector_load %arg12[%swap3A_563, %swap3A_564] {strides = array<i32>} : memref<128x64xf32, #tpu.memory_space<vmem>>, vector<16xf32>,
        tpu.vector_store %arg12[%swap3A_563, %swap3A_564], %mul3A_562 {strides = array<i32>} : memref<128x64xf32, #tpu.memory_space<vmem>>, vector<16xf32>,
        %slice3A_566 = vector.extract_strided_slice %mul3A_74 {offsets = [13], sizes = [1], strides = [1]} : vector<16xf32> to vector<1xf32>
        %squeeze3A_567 = vector.extract %slice3A_566[0] : f32 from vector<1xf32>
        %mul3A_568 = arith.constant 16 : i32
        %mul3A_569 = arith.muli %scan3A_57, %mul3A_568 : i32
        %add3A_570 = arith.constant 13 : i32
        %add3A_571 = arith.addi %mul3A_569, %add3A_570 : i32
        %get3A_572 = arith.index_cast %add3A_571 : i32 to index
        %get3A_573 = arith.constant 0 : index
        %get3A_574 = tpu.vector_load %arg12[%get3A_572, %get3A_573] {strides = array<i32>} : memref<128x64xf32, #tpu.memory_space<vmem>>, vector<16xf32>,
        %mul3A_575 = vector.broadcast %squeeze3A_567 : f32 to vector<16xf32>
        %mul3A_576 = arith.mulf %get3A_574, %mul3A_575 : vector<16xf32>
        %swap3A_577 = arith.index_cast %add3A_571 : i32 to index
        %swap3A_578 = arith.constant 0 : index
        %swap3A_579 = tpu.vector_load %arg12[%swap3A_577, %swap3A_578] {strides = array<i32>} : memref<128x64xf32, #tpu.memory_space<vmem>>, vector<16xf32>,
        tpu.vector_store %arg12[%swap3A_577, %swap3A_578], %mul3A_576 {strides = array<i32>} : memref<128x64xf32, #tpu.memory_space<vmem>>, vector<16xf32>,
        %get3A_580 = arith.index_cast %add3A_571 : i32 to index
        %get3A_581 = arith.constant 16 : index
        %get3A_582 = tpu.vector_load %arg12[%get3A_580, %get3A_581] {strides = array<i32>} : memref<128x64xf32, #tpu.memory_space<vmem>>, vector<16xf32>,
        %mul3A_583 = vector.broadcast %squeeze3A_567 : f32 to vector<16xf32>
        %mul3A_584 = arith.mulf %get3A_582, %mul3A_583 : vector<16xf32>
        %swap3A_585 = arith.index_cast %add3A_571 : i32 to index
        %swap3A_586 = arith.constant 16 : index
        %swap3A_587 = tpu.vector_load %arg12[%swap3A_585, %swap3A_586] {strides = array<i32>} : memref<128x64xf32, #tpu.memory_space<vmem>>, vector<16xf32>,
        tpu.vector_store %arg12[%swap3A_585, %swap3A_586], %mul3A_584 {strides = array<i32>} : memref<128x64xf32, #tpu.memory_space<vmem>>, vector<16xf32>,
        %get3A_588 = arith.index_cast %add3A_571 : i32 to index
        %get3A_589 = arith.constant 32 : index
        %get3A_590 = tpu.vector_load %arg12[%get3A_588, %get3A_589] {strides = array<i32>} : memref<128x64xf32, #tpu.memory_space<vmem>>, vector<16xf32>,
        %mul3A_591 = vector.broadcast %squeeze3A_567 : f32 to vector<16xf32>
        %mul3A_592 = arith.mulf %get3A_590, %mul3A_591 : vector<16xf32>
        %swap3A_593 = arith.index_cast %add3A_571 : i32 to index
        %swap3A_594 = arith.constant 32 : index
        %swap3A_595 = tpu.vector_load %arg12[%swap3A_593, %swap3A_594] {strides = array<i32>} : memref<128x64xf32, #tpu.memory_space<vmem>>, vector<16xf32>,
        tpu.vector_store %arg12[%swap3A_593, %swap3A_594], %mul3A_592 {strides = array<i32>} : memref<128x64xf32, #tpu.memory_space<vmem>>, vector<16xf32>,
        %get3A_596 = arith.index_cast %add3A_571 : i32 to index
        %get3A_597 = arith.constant 48 : index
        %get3A_598 = tpu.vector_load %arg12[%get3A_596, %get3A_597] {strides = array<i32>} : memref<128x64xf32, #tpu.memory_space<vmem>>, vector<16xf32>,
        %mul3A_599 = vector.broadcast %squeeze3A_567 : f32 to vector<16xf32>
        %mul3A_600 = arith.mulf %get3A_598, %mul3A_599 : vector<16xf32>
        %swap3A_601 = arith.index_cast %add3A_571 : i32 to index
        %swap3A_602 = arith.constant 48 : index
        %swap3A_603 = tpu.vector_load %arg12[%swap3A_601, %swap3A_602] {strides = array<i32>} : memref<128x64xf32, #tpu.memory_space<vmem>>, vector<16xf32>,
        tpu.vector_store %arg12[%swap3A_601, %swap3A_602], %mul3A_600 {strides = array<i32>} : memref<128x64xf32, #tpu.memory_space<vmem>>, vector<16xf32>,
        %slice3A_604 = vector.extract_strided_slice %mul3A_74 {offsets = [14], sizes = [1], strides = [1]} : vector<16xf32> to vector<1xf32>
        %squeeze3A_605 = vector.extract %slice3A_604[0] : f32 from vector<1xf32>
        %mul3A_606 = arith.constant 16 : i32
        %mul3A_607 = arith.muli %scan3A_57, %mul3A_606 : i32
        %add3A_608 = arith.constant 14 : i32
        %add3A_609 = arith.addi %mul3A_607, %add3A_608 : i32
        %get3A_610 = arith.index_cast %add3A_609 : i32 to index
        %get3A_611 = arith.constant 0 : index
        %get3A_612 = tpu.vector_load %arg12[%get3A_610, %get3A_611] {strides = array<i32>} : memref<128x64xf32, #tpu.memory_space<vmem>>, vector<16xf32>,
        %mul3A_613 = vector.broadcast %squeeze3A_605 : f32 to vector<16xf32>
        %mul3A_614 = arith.mulf %get3A_612, %mul3A_613 : vector<16xf32>
        %swap3A_615 = arith.index_cast %add3A_609 : i32 to index
        %swap3A_616 = arith.constant 0 : index
        %swap3A_617 = tpu.vector_load %arg12[%swap3A_615, %swap3A_616] {strides = array<i32>} : memref<128x64xf32, #tpu.memory_space<vmem>>, vector<16xf32>,
        tpu.vector_store %arg12[%swap3A_615, %swap3A_616], %mul3A_614 {strides = array<i32>} : memref<128x64xf32, #tpu.memory_space<vmem>>, vector<16xf32>,
        %get3A_618 = arith.index_cast %add3A_609 : i32 to index
        %get3A_619 = arith.constant 16 : index
        %get3A_620 = tpu.vector_load %arg12[%get3A_618, %get3A_619] {strides = array<i32>} : memref<128x64xf32, #tpu.memory_space<vmem>>, vector<16xf32>,
        %mul3A_621 = vector.broadcast %squeeze3A_605 : f32 to vector<16xf32>
        %mul3A_622 = arith.mulf %get3A_620, %mul3A_621 : vector<16xf32>
        %swap3A_623 = arith.index_cast %add3A_609 : i32 to index
        %swap3A_624 = arith.constant 16 : index
        %swap3A_625 = tpu.vector_load %arg12[%swap3A_623, %swap3A_624] {strides = array<i32>} : memref<128x64xf32, #tpu.memory_space<vmem>>, vector<16xf32>,
        tpu.vector_store %arg12[%swap3A_623, %swap3A_624], %mul3A_622 {strides = array<i32>} : memref<128x64xf32, #tpu.memory_space<vmem>>, vector<16xf32>,
        %get3A_626 = arith.index_cast %add3A_609 : i32 to index
        %get3A_627 = arith.constant 32 : index
        %get3A_628 = tpu.vector_load %arg12[%get3A_626, %get3A_627] {strides = array<i32>} : memref<128x64xf32, #tpu.memory_space<vmem>>, vector<16xf32>,
        %mul3A_629 = vector.broadcast %squeeze3A_605 : f32 to vector<16xf32>
        %mul3A_630 = arith.mulf %get3A_628, %mul3A_629 : vector<16xf32>
        %swap3A_631 = arith.index_cast %add3A_609 : i32 to index
        %swap3A_632 = arith.constant 32 : index
        %swap3A_633 = tpu.vector_load %arg12[%swap3A_631, %swap3A_632] {strides = array<i32>} : memref<128x64xf32, #tpu.memory_space<vmem>>, vector<16xf32>,
        tpu.vector_store %arg12[%swap3A_631, %swap3A_632], %mul3A_630 {strides = array<i32>} : memref<128x64xf32, #tpu.memory_space<vmem>>, vector<16xf32>,
        %get3A_634 = arith.index_cast %add3A_609 : i32 to index
        %get3A_635 = arith.constant 48 : index
        %get3A_636 = tpu.vector_load %arg12[%get3A_634, %get3A_635] {strides = array<i32>} : memref<128x64xf32, #tpu.memory_space<vmem>>, vector<16xf32>,
        %mul3A_637 = vector.broadcast %squeeze3A_605 : f32 to vector<16xf32>
        %mul3A_638 = arith.mulf %get3A_636, %mul3A_637 : vector<16xf32>
        %swap3A_639 = arith.index_cast %add3A_609 : i32 to index
        %swap3A_640 = arith.constant 48 : index
        %swap3A_641 = tpu.vector_load %arg12[%swap3A_639, %swap3A_640] {strides = array<i32>} : memref<128x64xf32, #tpu.memory_space<vmem>>, vector<16xf32>,
        tpu.vector_store %arg12[%swap3A_639, %swap3A_640], %mul3A_638 {strides = array<i32>} : memref<128x64xf32, #tpu.memory_space<vmem>>, vector<16xf32>,
        %slice3A_642 = vector.extract_strided_slice %mul3A_74 {offsets = [15], sizes = [1], strides = [1]} : vector<16xf32> to vector<1xf32>
        %squeeze3A_643 = vector.extract %slice3A_642[0] : f32 from vector<1xf32>
        %mul3A_644 = arith.constant 16 : i32
        %mul3A_645 = arith.muli %scan3A_57, %mul3A_644 : i32
        %add3A_646 = arith.constant 15 : i32
        %add3A_647 = arith.addi %mul3A_645, %add3A_646 : i32
        %get3A_648 = arith.index_cast %add3A_647 : i32 to index
        %get3A_649 = arith.constant 0 : index
        %get3A_650 = tpu.vector_load %arg12[%get3A_648, %get3A_649] {strides = array<i32>} : memref<128x64xf32, #tpu.memory_space<vmem>>, vector<16xf32>,
        %mul3A_651 = vector.broadcast %squeeze3A_643 : f32 to vector<16xf32>
        %mul3A_652 = arith.mulf %get3A_650, %mul3A_651 : vector<16xf32>
        %swap3A_653 = arith.index_cast %add3A_647 : i32 to index
        %swap3A_654 = arith.constant 0 : index
        %swap3A_655 = tpu.vector_load %arg12[%swap3A_653, %swap3A_654] {strides = array<i32>} : memref<128x64xf32, #tpu.memory_space<vmem>>, vector<16xf32>,
        tpu.vector_store %arg12[%swap3A_653, %swap3A_654], %mul3A_652 {strides = array<i32>} : memref<128x64xf32, #tpu.memory_space<vmem>>, vector<16xf32>,
        %get3A_656 = arith.index_cast %add3A_647 : i32 to index
        %get3A_657 = arith.constant 16 : index
        %get3A_658 = tpu.vector_load %arg12[%get3A_656, %get3A_657] {strides = array<i32>} : memref<128x64xf32, #tpu.memory_space<vmem>>, vector<16xf32>,
        %mul3A_659 = vector.broadcast %squeeze3A_643 : f32 to vector<16xf32>
        %mul3A_660 = arith.mulf %get3A_658, %mul3A_659 : vector<16xf32>
        %swap3A_661 = arith.index_cast %add3A_647 : i32 to index
        %swap3A_662 = arith.constant 16 : index
        %swap3A_663 = tpu.vector_load %arg12[%swap3A_661, %swap3A_662] {strides = array<i32>} : memref<128x64xf32, #tpu.memory_space<vmem>>, vector<16xf32>,
        tpu.vector_store %arg12[%swap3A_661, %swap3A_662], %mul3A_660 {strides = array<i32>} : memref<128x64xf32, #tpu.memory_space<vmem>>, vector<16xf32>,
        %get3A_664 = arith.index_cast %add3A_647 : i32 to index
        %get3A_665 = arith.constant 32 : index
        %get3A_666 = tpu.vector_load %arg12[%get3A_664, %get3A_665] {strides = array<i32>} : memref<128x64xf32, #tpu.memory_space<vmem>>, vector<16xf32>,
        %mul3A_667 = vector.broadcast %squeeze3A_643 : f32 to vector<16xf32>
        %mul3A_668 = arith.mulf %get3A_666, %mul3A_667 : vector<16xf32>
        %swap3A_669 = arith.index_cast %add3A_647 : i32 to index
        %swap3A_670 = arith.constant 32 : index
        %swap3A_671 = tpu.vector_load %arg12[%swap3A_669, %swap3A_670] {strides = array<i32>} : memref<128x64xf32, #tpu.memory_space<vmem>>, vector<16xf32>,
        tpu.vector_store %arg12[%swap3A_669, %swap3A_670], %mul3A_668 {strides = array<i32>} : memref<128x64xf32, #tpu.memory_space<vmem>>, vector<16xf32>,
        %get3A_672 = arith.index_cast %add3A_647 : i32 to index
        %get3A_673 = arith.constant 48 : index
        %get3A_674 = tpu.vector_load %arg12[%get3A_672, %get3A_673] {strides = array<i32>} : memref<128x64xf32, #tpu.memory_space<vmem>>, vector<16xf32>,
        %mul3A_675 = vector.broadcast %squeeze3A_643 : f32 to vector<16xf32>
        %mul3A_676 = arith.mulf %get3A_674, %mul3A_675 : vector<16xf32>
        %swap3A_677 = arith.index_cast %add3A_647 : i32 to index
        %swap3A_678 = arith.constant 48 : index
        %swap3A_679 = tpu.vector_load %arg12[%swap3A_677, %swap3A_678] {strides = array<i32>} : memref<128x64xf32, #tpu.memory_space<vmem>>, vector<16xf32>,
        tpu.vector_store %arg12[%swap3A_677, %swap3A_678], %mul3A_676 {strides = array<i32>} : memref<128x64xf32, #tpu.memory_space<vmem>>, vector<16xf32>,
      }
      %scan3A_56 = arith.constant 8 : i32
      "tpu.region"() ({
        %run_scoped3A = tpu.sem_alloc : memref<!tpu.dma_semaphore, #tpu.memory_space<semaphore_mem>>
        %dma_start3A_57 = arith.constant 0 : i32
        %dma_start3A_58 = tpu.memref_slice %arg9[%scan3A_41, %dma_start3A_57] : memref<80x128xi32, #tpu.memory_space<vmem>> -> memref<1x128xi32, #tpu.memory_space<vmem>>
        %dma_start3A_59 = tpu.memref_squeeze %dma_start3A_58 : memref<1x128xi32, #tpu.memory_space<vmem>> -> memref<128xi32, #tpu.memory_space<vmem>>
        %dma_start3A_60 = arith.constant 0 : i32
        %dma_start3A_61 = arith.constant 0 : i32
        %dma_start3A_62 = tpu.memref_slice %arg14[%dma_start3A_60, %dma_start3A_61] : memref<10240x64xf32, #tpu.memory_space<vmem_shared>> -> memref<10240x64xf32, #tpu.memory_space<vmem_shared>>
        tpu.enqueue_indirect_dma source(%arg12 : memref<128x64xf32, #tpu.memory_space<vmem>>) target(%dma_start3A_62 : memref<10240x64xf32, #tpu.memory_space<vmem_shared>>) offsets(%dma_start3A_59 : memref<128xi32, #tpu.memory_space<vmem>>) semaphore(%run_scoped3A : memref<!tpu.dma_semaphore, #tpu.memory_space<semaphore_mem>>) {add = true}
        %dma_wait3A_63 = arith.constant 0 : i32
        %dma_wait3A_64 = tpu.memref_slice %arg9[%scan3A_41, %dma_wait3A_63] : memref<80x128xi32, #tpu.memory_space<vmem>> -> memref<1x128xi32, #tpu.memory_space<vmem>>
        %dma_wait3A_65 = tpu.memref_squeeze %dma_wait3A_64 : memref<1x128xi32, #tpu.memory_space<vmem>> -> memref<128xi32, #tpu.memory_space<vmem>>
        %dma_wait3A_66 = arith.constant 0 : i32
        %dma_wait3A_67 = arith.constant 0 : i32
        %dma_wait3A_68 = tpu.memref_slice %arg14[%dma_wait3A_66, %dma_wait3A_67] : memref<10240x64xf32, #tpu.memory_space<vmem_shared>> -> memref<10240x64xf32, #tpu.memory_space<vmem_shared>>
        tpu.wait_indirect_dma semaphore(%run_scoped3A : memref<!tpu.dma_semaphore, #tpu.memory_space<semaphore_mem>>) src(%arg12 : memref<128x64xf32, #tpu.memory_space<vmem>>) dst(%dma_wait3A_68 : memref<10240x64xf32, #tpu.memory_space<vmem_shared>>)
        tpu.yield
      }) : () -> ()
    }
    %scan3A_35 = arith.constant 80 : i32
    %barrier3A_36 = arith.constant 0 : index
    tpu.barrier barrier_id(%barrier3A_36)
    %mul3A_37 = arith.constant 640 : i32
    %mul3A_38 = arith.muli %arg1, %mul3A_37 : i32
    %mul3A_39 = arith.constant 640 : i32
    %mul3A_40 = arith.muli %arg1, %mul3A_39 : i32
    "tpu.region"() ({
      %run_scoped3A = tpu.sem_alloc : memref<!tpu.dma_semaphore, #tpu.memory_space<semaphore_mem>>
      %dma_start3A = arith.constant 0 : i32
      %dma_start3A_41 = tpu.memref_slice %arg7[%arg0, %mul3A_40, %dma_start3A] : memref<2x10240x64xf32, #tpu.memory_space<hbm>> -> memref<1x640x64xf32, #tpu.memory_space<hbm>>
      %dma_start3A_42 = tpu.memref_squeeze %dma_start3A_41 : memref<1x640x64xf32, #tpu.memory_space<hbm>> -> memref<640x64xf32, #tpu.memory_space<hbm>>
      %dma_start3A_43 = arith.constant 0 : i32
      %dma_start3A_44 = tpu.memref_slice %arg14[%mul3A_38, %dma_start3A_43] : memref<10240x64xf32, #tpu.memory_space<vmem_shared>> -> memref<640x64xf32, #tpu.memory_space<vmem_shared>>
      tpu.enqueue_dma source(%dma_start3A_44 : memref<640x64xf32, #tpu.memory_space<vmem_shared>>) target(%dma_start3A_42 : memref<640x64xf32, #tpu.memory_space<hbm>>) target_semaphore(%run_scoped3A : memref<!tpu.dma_semaphore, #tpu.memory_space<semaphore_mem>>)
      %dma_wait3A = arith.constant 0 : i32
      %dma_wait3A_45 = tpu.memref_slice %arg7[%arg0, %mul3A_40, %dma_wait3A] : memref<2x10240x64xf32, #tpu.memory_space<hbm>> -> memref<1x640x64xf32, #tpu.memory_space<hbm>>
      %dma_wait3A_46 = tpu.memref_squeeze %dma_wait3A_45 : memref<1x640x64xf32, #tpu.memory_space<hbm>> -> memref<640x64xf32, #tpu.memory_space<hbm>>
      %dma_wait3A_47 = arith.constant 0 : i32
      %dma_wait3A_48 = tpu.memref_slice %arg14[%mul3A_38, %dma_wait3A_47] : memref<10240x64xf32, #tpu.memory_space<vmem_shared>> -> memref<640x64xf32, #tpu.memory_space<vmem_shared>>
      tpu.wait_dma2 semaphore(%run_scoped3A : memref<!tpu.dma_semaphore, #tpu.memory_space<semaphore_mem>>) src(%dma_wait3A_48 : memref<640x64xf32, #tpu.memory_space<vmem_shared>>) dst(%dma_wait3A_46 : memref<640x64xf32, #tpu.memory_space<hbm>>)
      tpu.yield
    }) : () -> ()
    return
  }
}

module attributes {stable_mosaic.version = 14 : i64} {
  func.func @_mm_body(%arg0: i32, %arg1: memref<1000x128xf32, #tpu.memory_space<vmem>>, %arg2: memref<128x64xf32, #tpu.memory_space<vmem>>, %arg3: memref<1000x64xf32, #tpu.memory_space<vmem>>) attributes {dimension_semantics = [#tpu.dimension_semantics<arbitrary>], iteration_bounds = array<i64: 10>, scalar_prefetch = 0 : i64, scratch_operands = 0 : i64, tpu.core_type = #tpu.core_type<tc>, window_params = [{transform_indices = @transform_0, window_bounds = array<i64: 1000, 128>}, {pipeline_mode = #tpu.pipeline_mode<synchronous>, transform_indices = @transform_1, window_bounds = array<i64: 128, 64>}, {transform_indices = @transform_2, window_bounds = array<i64: 1000, 64>}]} {
    %get3A = arith.constant 0 : index
    %get3A_0 = arith.constant 0 : index
    %get3A_1 = vector.load %arg1[%get3A, %get3A_0] : memref<1000x128xf32, #tpu.memory_space<vmem>>, vector<1000x128xf32>
    %get3A_2 = arith.constant 0 : index
    %get3A_3 = arith.constant 0 : index
    %get3A_4 = vector.load %arg2[%get3A_2, %get3A_3] : memref<128x64xf32, #tpu.memory_space<vmem>>, vector<128x64xf32>
    %dot_general3A = arith.constant dense<0.000000e+00> : vector<1000x64xf32>
    %dot_general3A_5 = tpu.matmul %get3A_1, %get3A_4, %dot_general3A {dimension_numbers = #tpu.dot_dimension_numbers<[1], [0], [0], [1], [0, 0, 1, 1], [], []>, transpose_lhs_hint = false} : vector<1000x128xf32>, vector<128x64xf32>, vector<1000x64xf32> -> vector<1000x64xf32>
    %swap3A = arith.constant 0 : index
    %swap3A_6 = arith.constant 0 : index
    %swap3A_7 = vector.load %arg3[%swap3A, %swap3A_6] : memref<1000x64xf32, #tpu.memory_space<vmem>>, vector<1000x64xf32>
    tpu.vector_store %arg3[%swap3A, %swap3A_6], %dot_general3A_5 {strides = array<i32>} : memref<1000x64xf32, #tpu.memory_space<vmem>>, vector<1000x64xf32>,
    return
  }
  func.func @transform_0(%arg0: i32) -> (i32, i32) {
    %c0_i32 = arith.constant 0 : i32
    %c0_i32_0 = arith.constant 0 : i32
    return %arg0, %c0_i32 : i32, i32
  }
  func.func @transform_1(%arg0: i32) -> (i32, i32) {
    %c0_i32 = arith.constant 0 : i32
    %c0_i32_0 = arith.constant 0 : i32
    %c0_i32_1 = arith.constant 0 : i32
    return %c0_i32, %c0_i32_0 : i32, i32
  }
  func.func @transform_2(%arg0: i32) -> (i32, i32) {
    %c0_i32 = arith.constant 0 : i32
    %c0_i32_0 = arith.constant 0 : i32
    return %arg0, %c0_i32 : i32, i32
  }
}

module attributes {stable_mosaic.version = 14 : i64} {
  func.func @_dinv_body(%arg0: memref<80x128xf32, #tpu.memory_space<vmem>>, %arg1: memref<80x128xf32, #tpu.memory_space<vmem>>) attributes {dimension_semantics = [], scalar_prefetch = 0 : i64, scratch_operands = 0 : i64, tpu.core_type = #tpu.core_type<tc>} {
    %get3A = arith.constant 0 : index
    %get3A_0 = arith.constant 0 : index
    %get3A_1 = vector.load %arg0[%get3A, %get3A_0] : memref<80x128xf32, #tpu.memory_space<vmem>>, vector<80x128xf32>
    %rsqrt3A = math.rsqrt %get3A_1 : vector<80x128xf32>
    %swap3A = arith.constant 0 : index
    %swap3A_2 = arith.constant 0 : index
    %swap3A_3 = vector.load %arg1[%swap3A, %swap3A_2] : memref<80x128xf32, #tpu.memory_space<vmem>>, vector<80x128xf32>
    tpu.vector_store %arg1[%swap3A, %swap3A_2], %rsqrt3A {strides = array<i32>} : memref<80x128xf32, #tpu.memory_space<vmem>>, vector<80x128xf32>,
    return
  }
}

module attributes {stable_mosaic.version = 14 : i64} {
  func.func @_finish1_body(%arg0: i32, %arg1: memref<1000x64xf32, #tpu.memory_space<vmem>>, %arg2: memref<1000x64xf32, #tpu.memory_space<vmem>>, %arg3: memref<1000x64xf32, #tpu.memory_space<vmem>>, %arg4: memref<1000x1xf32, #tpu.memory_space<vmem>>, %arg5: memref<1x64xf32, #tpu.memory_space<vmem>>, %arg6: memref<64x64xf32, #tpu.memory_space<vmem>>, %arg7: memref<1000x64xf32, #tpu.memory_space<vmem>>) attributes {dimension_semantics = [#tpu.dimension_semantics<arbitrary>], iteration_bounds = array<i64: 10>, scalar_prefetch = 0 : i64, scratch_operands = 0 : i64, tpu.core_type = #tpu.core_type<tc>, window_params = [{transform_indices = @transform_0, window_bounds = array<i64: 1000, 64>}, {transform_indices = @transform_1, window_bounds = array<i64: 1000, 64>}, {transform_indices = @transform_2, window_bounds = array<i64: 1000, 64>}, {transform_indices = @transform_3, window_bounds = array<i64: 1000, 1>}, {pipeline_mode = #tpu.pipeline_mode<synchronous>, transform_indices = @transform_4, window_bounds = array<i64: 1, 64>}, {pipeline_mode = #tpu.pipeline_mode<synchronous>, transform_indices = @transform_5, window_bounds = array<i64: 64, 64>}, {transform_indices = @transform_6, window_bounds = array<i64: 1000, 64>}]} {
    %get3A = arith.constant 0 : index
    %get3A_0 = arith.constant 0 : index
    %get3A_1 = vector.load %arg4[%get3A, %get3A_0] : memref<1000x1xf32, #tpu.memory_space<vmem>>, vector<1000x1xf32>
    %get3A_2 = arith.constant 0 : index
    %get3A_3 = arith.constant 0 : index
    %get3A_4 = vector.load %arg1[%get3A_2, %get3A_3] : memref<1000x64xf32, #tpu.memory_space<vmem>>, vector<1000x64xf32>
    %get3A_5 = arith.constant 0 : index
    %get3A_6 = arith.constant 0 : index
    %get3A_7 = vector.load %arg2[%get3A_5, %get3A_6] : memref<1000x64xf32, #tpu.memory_space<vmem>>, vector<1000x64xf32>
    %add3A = arith.addf %get3A_4, %get3A_7 : vector<1000x64xf32>
    %mul3A = arith.mulf %get3A_1, %get3A_1 : vector<1000x1xf32>
    %get3A_8 = arith.constant 0 : index
    %get3A_9 = arith.constant 0 : index
    %get3A_10 = vector.load %arg3[%get3A_8, %get3A_9] : memref<1000x64xf32, #tpu.memory_space<vmem>>, vector<1000x64xf32>
    %mul3A_11 = vector.broadcast %mul3A : vector<1000x1xf32> to vector<1000x64xf32>
    %mul3A_12 = arith.mulf %mul3A_11, %get3A_10 : vector<1000x64xf32>
    %add3A_13 = arith.addf %add3A, %mul3A_12 : vector<1000x64xf32>
    %get3A_14 = arith.constant 0 : index
    %get3A_15 = arith.constant 0 : index
    %get3A_16 = vector.load %arg5[%get3A_14, %get3A_15] : memref<1x64xf32, #tpu.memory_space<vmem>>, vector<1x64xf32>
    %add3A_17 = vector.broadcast %get3A_16 : vector<1x64xf32> to vector<1000x64xf32>
    %add3A_18 = arith.addf %add3A_13, %add3A_17 : vector<1000x64xf32>
    %max3A = arith.constant 0.000000e+00 : f32
    %max3A_19 = vector.broadcast %max3A : f32 to vector<1000x64xf32>
    %max3A_20 = arith.maximumf %add3A_18, %max3A_19 : vector<1000x64xf32>
    %get3A_21 = arith.constant 0 : index
    %get3A_22 = arith.constant 0 : index
    %get3A_23 = vector.load %arg6[%get3A_21, %get3A_22] : memref<64x64xf32, #tpu.memory_space<vmem>>, vector<64x64xf32>
    %dot_general3A = arith.constant dense<0.000000e+00> : vector<1000x64xf32>
    %dot_general3A_24 = tpu.matmul %max3A_20, %get3A_23, %dot_general3A {dimension_numbers = #tpu.dot_dimension_numbers<[1], [0], [0], [1], [0, 0, 1, 1], [], []>, transpose_lhs_hint = false} : vector<1000x64xf32>, vector<64x64xf32>, vector<1000x64xf32> -> vector<1000x64xf32>
    %swap3A = arith.constant 0 : index
    %swap3A_25 = arith.constant 0 : index
    %swap3A_26 = vector.load %arg7[%swap3A, %swap3A_25] : memref<1000x64xf32, #tpu.memory_space<vmem>>, vector<1000x64xf32>
    tpu.vector_store %arg7[%swap3A, %swap3A_25], %dot_general3A_24 {strides = array<i32>} : memref<1000x64xf32, #tpu.memory_space<vmem>>, vector<1000x64xf32>,
    return
  }
  func.func @transform_0(%arg0: i32) -> (i32, i32) {
    %c0_i32 = arith.constant 0 : i32
    %c0_i32_0 = arith.constant 0 : i32
    return %arg0, %c0_i32 : i32, i32
  }
  func.func @transform_1(%arg0: i32) -> (i32, i32) {
    %c0_i32 = arith.constant 0 : i32
    %c0_i32_0 = arith.constant 0 : i32
    return %arg0, %c0_i32 : i32, i32
  }
  func.func @transform_2(%arg0: i32) -> (i32, i32) {
    %c0_i32 = arith.constant 0 : i32
    %c0_i32_0 = arith.constant 0 : i32
    return %arg0, %c0_i32 : i32, i32
  }
  func.func @transform_3(%arg0: i32) -> (i32, i32) {
    %c0_i32 = arith.constant 0 : i32
    %c0_i32_0 = arith.constant 0 : i32
    return %arg0, %c0_i32 : i32, i32
  }
  func.func @transform_4(%arg0: i32) -> (i32, i32) {
    %c0_i32 = arith.constant 0 : i32
    %c0_i32_0 = arith.constant 0 : i32
    %c0_i32_1 = arith.constant 0 : i32
    return %c0_i32, %c0_i32_0 : i32, i32
  }
  func.func @transform_5(%arg0: i32) -> (i32, i32) {
    %c0_i32 = arith.constant 0 : i32
    %c0_i32_0 = arith.constant 0 : i32
    %c0_i32_1 = arith.constant 0 : i32
    return %c0_i32, %c0_i32_0 : i32, i32
  }
  func.func @transform_6(%arg0: i32) -> (i32, i32) {
    %c0_i32 = arith.constant 0 : i32
    %c0_i32_0 = arith.constant 0 : i32
    return %arg0, %c0_i32 : i32, i32
  }
}

module attributes {stable_mosaic.version = 14 : i64} {
  func.func @_finish2_body(%arg0: i32, %arg1: memref<1000x64xf32, #tpu.memory_space<vmem>>, %arg2: memref<1000x64xf32, #tpu.memory_space<vmem>>, %arg3: memref<1000x64xf32, #tpu.memory_space<vmem>>, %arg4: memref<1000x1xf32, #tpu.memory_space<vmem>>, %arg5: memref<1x64xf32, #tpu.memory_space<vmem>>, %arg6: memref<1000x64xf32, #tpu.memory_space<vmem>>) attributes {dimension_semantics = [#tpu.dimension_semantics<arbitrary>], iteration_bounds = array<i64: 10>, scalar_prefetch = 0 : i64, scratch_operands = 0 : i64, tpu.core_type = #tpu.core_type<tc>, window_params = [{transform_indices = @transform_0, window_bounds = array<i64: 1000, 64>}, {transform_indices = @transform_1, window_bounds = array<i64: 1000, 64>}, {transform_indices = @transform_2, window_bounds = array<i64: 1000, 64>}, {transform_indices = @transform_3, window_bounds = array<i64: 1000, 1>}, {pipeline_mode = #tpu.pipeline_mode<synchronous>, transform_indices = @transform_4, window_bounds = array<i64: 1, 64>}, {transform_indices = @transform_5, window_bounds = array<i64: 1000, 64>}]} {
    %get3A = arith.constant 0 : index
    %get3A_0 = arith.constant 0 : index
    %get3A_1 = vector.load %arg4[%get3A, %get3A_0] : memref<1000x1xf32, #tpu.memory_space<vmem>>, vector<1000x1xf32>
    %get3A_2 = arith.constant 0 : index
    %get3A_3 = arith.constant 0 : index
    %get3A_4 = vector.load %arg1[%get3A_2, %get3A_3] : memref<1000x64xf32, #tpu.memory_space<vmem>>, vector<1000x64xf32>
    %get3A_5 = arith.constant 0 : index
    %get3A_6 = arith.constant 0 : index
    %get3A_7 = vector.load %arg2[%get3A_5, %get3A_6] : memref<1000x64xf32, #tpu.memory_space<vmem>>, vector<1000x64xf32>
    %add3A = arith.addf %get3A_4, %get3A_7 : vector<1000x64xf32>
    %mul3A = arith.mulf %get3A_1, %get3A_1 : vector<1000x1xf32>
    %get3A_8 = arith.constant 0 : index
    %get3A_9 = arith.constant 0 : index
    %get3A_10 = vector.load %arg3[%get3A_8, %get3A_9] : memref<1000x64xf32, #tpu.memory_space<vmem>>, vector<1000x64xf32>
    %mul3A_11 = vector.broadcast %mul3A : vector<1000x1xf32> to vector<1000x64xf32>
    %mul3A_12 = arith.mulf %mul3A_11, %get3A_10 : vector<1000x64xf32>
    %add3A_13 = arith.addf %add3A, %mul3A_12 : vector<1000x64xf32>
    %get3A_14 = arith.constant 0 : index
    %get3A_15 = arith.constant 0 : index
    %get3A_16 = vector.load %arg5[%get3A_14, %get3A_15] : memref<1x64xf32, #tpu.memory_space<vmem>>, vector<1x64xf32>
    %add3A_17 = vector.broadcast %get3A_16 : vector<1x64xf32> to vector<1000x64xf32>
    %add3A_18 = arith.addf %add3A_13, %add3A_17 : vector<1000x64xf32>
    %reduce_max3A = arith.constant dense<0xFF800000> : vector<1000xf32>
    %reduce_max3A_19 = vector.multi_reduction <maximumf>, %add3A_18, %reduce_max3A [1] : vector<1000x64xf32> to vector<1000xf32>
    %broadcast_in_dim3A = vector.shape_cast %reduce_max3A_19 : vector<1000xf32> to vector<1000x1xf32>
    %sub3A = vector.broadcast %broadcast_in_dim3A : vector<1000x1xf32> to vector<1000x64xf32>
    %sub3A_20 = arith.subf %add3A_18, %sub3A : vector<1000x64xf32>
    %exp3A = math.exp %sub3A_20 : vector<1000x64xf32>
    %sub3A_21 = vector.broadcast %broadcast_in_dim3A : vector<1000x1xf32> to vector<1000x64xf32>
    %sub3A_22 = arith.subf %add3A_18, %sub3A_21 : vector<1000x64xf32>
    %reduce_sum3A = arith.constant dense<0.000000e+00> : vector<1000xf32>
    %reduce_sum3A_23 = vector.multi_reduction <add>, %exp3A, %reduce_sum3A [1] : vector<1000x64xf32> to vector<1000xf32>
    %broadcast_in_dim3A_24 = vector.shape_cast %reduce_sum3A_23 : vector<1000xf32> to vector<1000x1xf32>
    %log3A = math.log %broadcast_in_dim3A_24 : vector<1000x1xf32>
    %sub3A_25 = vector.broadcast %log3A : vector<1000x1xf32> to vector<1000x64xf32>
    %sub3A_26 = arith.subf %sub3A_22, %sub3A_25 : vector<1000x64xf32>
    %swap3A = arith.constant 0 : index
    %swap3A_27 = arith.constant 0 : index
    %swap3A_28 = vector.load %arg6[%swap3A, %swap3A_27] : memref<1000x64xf32, #tpu.memory_space<vmem>>, vector<1000x64xf32>
    tpu.vector_store %arg6[%swap3A, %swap3A_27], %sub3A_26 {strides = array<i32>} : memref<1000x64xf32, #tpu.memory_space<vmem>>, vector<1000x64xf32>,
    return
  }
  func.func @transform_0(%arg0: i32) -> (i32, i32) {
    %c0_i32 = arith.constant 0 : i32
    %c0_i32_0 = arith.constant 0 : i32
    return %arg0, %c0_i32 : i32, i32
  }
  func.func @transform_1(%arg0: i32) -> (i32, i32) {
    %c0_i32 = arith.constant 0 : i32
    %c0_i32_0 = arith.constant 0 : i32
    return %arg0, %c0_i32 : i32, i32
  }
  func.func @transform_2(%arg0: i32) -> (i32, i32) {
    %c0_i32 = arith.constant 0 : i32
    %c0_i32_0 = arith.constant 0 : i32
    return %arg0, %c0_i32 : i32, i32
  }
  func.func @transform_3(%arg0: i32) -> (i32, i32) {
    %c0_i32 = arith.constant 0 : i32
    %c0_i32_0 = arith.constant 0 : i32
    return %arg0, %c0_i32 : i32, i32
  }
  func.func @transform_4(%arg0: i32) -> (i32, i32) {
    %c0_i32 = arith.constant 0 : i32
    %c0_i32_0 = arith.constant 0 : i32
    %c0_i32_1 = arith.constant 0 : i32
    return %c0_i32, %c0_i32_0 : i32, i32
  }
  func.func @transform_5(%arg0: i32) -> (i32, i32) {
    %c0_i32 = arith.constant 0 : i32
    %c0_i32_0 = arith.constant 0 : i32
    return %arg0, %c0_i32 : i32, i32
  }
}

</mosaic_0001>

<sc_bundles>
// kernel: kernel.12.cloned.1.call-start
scs
__scs_entry_jumppad:
0x0: {  	(pc) =	sbr.rel $0x88, $3  }
0x1: {  	(tag) =	ssettag $0x0;
	lr =	simm.s32 $0x1  }
0x2: {  	[smem:$0x3F9A] =	sst lr;
	_ =	strace $0xD0000000  }
0x3: {  	_ = 	snop  }
0x4: {  	_ = 	snop  }
0x5: {  	_ = 	snop  }
0x6: {  	_ = 	snop  }
0x7: {  	_ = 	snop  }
__scs_overlays_trampoline_lowered:
0x8: {  	[smem:$0x3FA9] =	sst s0  }
0x9: {  	[smem:$0x3FAA] =	sst s1  }
0xa: {  	[smem:$0x3FAB] =	sst s2  }
0xb: {  	[smem:$0x3FAC] =	sst s3  }
0xc: {  	[smem:$0x3FAD] =	sst s4  }
0xd: {  	[smem:$0x3FAE] =	sst s5  }
0xe: {  	[smem:$0x3FAF] =	sst s6  }
0xf: {  	[smem:$0x3FB0] =	sst s7  }
0x10: {  	[smem:$0x3FB1] =	sst s8  }
0x11: {  	[smem:$0x3FB2] =	sst s9;
	s0 =	simm.s32 @!p0 $0x0  }
0x12: {  	s1 =	sld [smem:$0x3F98];
	s0 =	simm.s32 @p0 $0x1  }
0x13: {  	[smem:$0x3FB3] =	sst s0;
	s0 =	simm.s32 @!p1 $0x0  }
0x14: {  	s2 =	sld [smem:$0x3F97];
	s0 =	simm.s32 @p1 $0x1  }
0x15: {  	[smem:$0x3FB4] =	sst s0;
	s0 =	simm.s32 @!p2 $0x0  }
0x16: {  	s3 =	sld [smem:$0x3FDB];
	s0 =	simm.s32 @p2 $0x1  }
0x17: {  	s4 =	simm.s32 $0x1BF5;
	[smem:$0x3FB6] =	sst s0  }
0x18: {  	s0 =	sld [smem:$0x3F99];
	_ =	swait.ge [sflag:s4], $0x0  }
0x19: {  	s7 =	sld [smem:$0x3F9A]  }
0x1a: {  	s8 =	sadd.s32 $0xFFFFE003, lr  }
0x1b: {  	s9 =	sadd.s32 $0xFFFFFEF7, lr;
	s5 =	simm.s32 $0xFFFFFFFF;
	p2 =	slt.u32 s8, $0xFFFFF086  }
0x1c: {  	p1 =	slt.u32 s9, $0xF7A;
	s5 =	simm.s32 @!p2 $0x0  }
0x1d: {  	s5 =	simm.s32 @p1 $0x1;
	p0 =	seq.s32 s7, s2  }
0x1e: {  	s7 =	smul.u32 @!p0 $0xF7A, s2;
	p2 =	seq.s32 @!p0 s5, $0x0  }
0x1f: {  	s9 =	smul.u32 $0xF7A, s1;
	s8 =	simm.s32 @!p0 $0x1BF5;
	p2 =	por !p2, p0  }
0x20: {  	[sflag:s8] =	ssyncset.s32 @!p0 $0xFFFFF086;
	s6 =	sadd.s32 @!p0 s3, s7;
	s7 =	simm.s32 @!p0 $0x108  }
0x21: {  	s3 =	sadd.s32 s3, s9;
	s6 =	sadd.s32 @!p0 $0x88, s6;
	s7 =	simm.s32 @p2 $0x1082  }
0x22: {  	[simem:s7], [sflag:s8] =	dma.local @!p0 [hbm:s6], $0xF7A  }
0x23: {  	s9 =	sor.u32 $0xD0000000, s2;
	s6 =	simm.s32 $0x108;
	_ =	swait.ge @!p0 [sflag:s8], $0x0  }
0x24: {  	s3 =	sadd.s32 $0x88, s3;
	s6 =	simm.s32 @!p1 $0x1082;
	[sflag:s4] =	ssyncset.s32 $0xFFFFF086  }
0x25: {  	[simem:s6], [sflag:s4] =	dma.local [hbm:s3], $0xF7A  }
0x26: {  	[smem:$0x3F9A] =	sst s1;
	(tag) =	ssettag s2;
	_ =	strace s9  }
0x27: {  	s1 =	sld [smem:$0x3FAA]  }
0x28: {  	s2 =	sld [smem:$0x3FAB]  }
0x29: {  	s4 =	sld [smem:$0x3FAD]  }
0x2a: {  	p0 =	seq.s32 s5, $0x0;
	s5 =	sld [smem:$0x3FAE]  }
0x2b: {  	s6 =	sld [smem:$0x3FAF]  }
0x2c: {  	s7 =	sld [smem:$0x3FB0]  }
0x2d: {  	s3 =	simm.s32 $0x108;
	s8 =	sld [smem:$0x3FB1]  }
0x2e: {  	s3 =	simm.s32 @!p0 $0x1082;
	s9 =	sld [smem:$0x3FB2]  }
0x2f: {  	lr =	sadd.s32 s0, s3;
	s0 =	sld [smem:$0x3FA9]  }
0x30: {  	s3 =	sld [smem:$0x3FAC]  }
0x31: {  	[smem:$0x3FB5] =	sst s10  }
0x32: {  	s10 =	sld [smem:$0x3FB3];
	_ =	sdelay $0x3  }
0x33: {  	p0 =	seq.s32 s10, $0x1;
	s10 =	sld [smem:$0x3FB5];
	_ =	sdelay $0x3  }
0x34: {  	[smem:$0x3FB5] =	sst s10  }
0x35: {  	s10 =	sld [smem:$0x3FB4];
	_ =	sdelay $0x3  }
0x36: {  	p1 =	seq.s32 s10, $0x1;
	s10 =	sld [smem:$0x3FB5];
	_ =	sdelay $0x3  }
0x37: {  	[smem:$0x3FB5] =	sst s10  }
0x38: {  	s10 =	sld [smem:$0x3FB6]  }
0x39: {  	_ = 	snop;
	(pc) =	sbr.ind lr, $3  }
0x3a: {  	_ = 	snop  }
0x3b: {  	_ = 	snop  }
0x3c: {  	p2 =	seq.s32 s10, $0x1;
	s10 =	sld [smem:$0x3FB5]  }
0x3d: {  	_ =	shalt  }
0x3e: {  	_ =	shalt  }
0x3f: {  	_ =	shalt  }
0x40: {  	_ =	shalt  }
0x41: {  	_ =	shalt  }
0x42: {  	_ =	shalt  }
0x43: {  	_ =	shalt  }
0x44: {  	_ =	shalt  }
0x45: {  	_ =	shalt  }
0x46: {  	_ =	shalt  }
0x47: {  	_ =	shalt  }
0x48: {  	_ =	shalt  }
0x49: {  	_ =	shalt  }
0x4a: {  	_ =	shalt  }
0x4b: {  	_ =	shalt  }
0x4c: {  	_ =	shalt  }
0x4d: {  	_ =	shalt  }
0x4e: {  	_ =	shalt  }
0x4f: {  	_ =	shalt  }
0x50: {  	_ =	shalt  }
0x51: {  	_ =	shalt  }
0x52: {  	_ =	shalt  }
0x53: {  	_ =	shalt  }
0x54: {  	_ =	shalt  }
0x55: {  	_ =	shalt  }
0x56: {  	_ =	shalt  }
0x57: {  	_ =	shalt  }
0x58: {  	_ =	shalt  }
0x59: {  	_ =	shalt  }
0x5a: {  	_ =	shalt  }
0x5b: {  	_ =	shalt  }
0x5c: {  	_ =	shalt  }
0x5d: {  	_ =	shalt  }
0x5e: {  	_ =	shalt  }
0x5f: {  	_ =	shalt  }
0x60: {  	_ =	shalt  }
0x61: {  	_ =	shalt  }
0x62: {  	_ =	shalt  }
0x63: {  	_ =	shalt  }
0x64: {  	_ =	shalt  }
0x65: {  	_ =	shalt  }
0x66: {  	_ =	shalt  }
0x67: {  	_ =	shalt  }
0x68: {  	_ =	shalt  }
0x69: {  	_ =	shalt  }
0x6a: {  	_ =	shalt  }
0x6b: {  	_ =	shalt  }
0x6c: {  	_ =	shalt  }
0x6d: {  	_ =	shalt  }
0x6e: {  	_ =	shalt  }
0x6f: {  	_ =	shalt  }
0x70: {  	_ =	shalt  }
0x71: {  	_ =	shalt  }
0x72: {  	_ =	shalt  }
0x73: {  	_ =	shalt  }
0x74: {  	_ =	shalt  }
0x75: {  	_ =	shalt  }
0x76: {  	_ =	shalt  }
0x77: {  	_ =	shalt  }
0x78: {  	_ =	shalt  }
0x79: {  	_ =	shalt  }
0x7a: {  	_ =	shalt  }
0x7b: {  	_ =	shalt  }
0x7c: {  	_ =	shalt  }
0x7d: {  	_ =	shalt  }
0x7e: {  	_ =	shalt  }
0x7f: {  	_ =	shalt  }
0x80: {  	_ =	shalt  }
0x81: {  	_ =	shalt  }
0x82: {  	_ =	shalt  }
0x83: {  	_ =	shalt  }
0x84: {  	_ =	shalt  }
0x85: {  	_ =	shalt  }
0x86: {  	_ =	shalt  }
0x87: {  	_ =	shalt  }
.Lfunc_end0:
.L_simem_size_0:
called_computation.1_lowered:
.L_overlay_start_0:
0x88: {  	s2 =	sld [smem:$0x3FD9]  }
0x89: {  	s3 =	sld [smem:$0x3FFE];
	_ =	sdelay $0x1  }
0x8a: {  	s1 =	srdreg.scid  }
0x8b: {  	s0 =	sand.u32 $0x1, s1  }
0x8c: {  	s17 =	sshll.u32 s0, $0xA;
	s2 =	sadd.s32 s3, s2  }
0x8d: {  	s2 =	sadd.s32 s2, s17  }
0x8e: {  	[smem:$0x3FC1] =	sst s2  }
0x8f: {  	_ = 	snop  }
0x90: {  	s2 =	sld [smem:$0x3FD0];
	(tm) =	ssettm $0x1  }
0x91: {  	s18 =	sld [smem:$0x3FFB];
	_ =	sdelay $0x3  }
0x92: {  	_ =	strace s18  }
0x93: {  	s3 =	sld [smem:$0x3FFC];
	_ =	sdelay $0x3  }
0x94: {  	_ =	strace s3  }
0x95: {  	s3 =	sld [smem:$0x3FFD];
	_ =	sdelay $0x3  }
0x96: {  	_ =	strace s3  }
0x97: {  	_ =	strace $0x8FFFFFFF  }
0x98: {  	s19 =	sld [smem:$0x3FDB];
	_ =	sdelay $0x1  }
0x99: {  	s4 =	simm.s32 $_scs_section_size  }
0x9a: {  	s5 =	simm.s32 $_size__tile_overlayer_lowered;
	s6 =	simm.s32 $_tile_overlayer_lowered  }
0x9b: {  	s22 =	simm.s32 $0x1BFF;
	s21 =	sshll.u32 s6, $0x1;
	s3 =	sadd.s32 s4, s19  }
0x9c: {  	s7 =	simm.s32 $0x0;
	s20 =	sshll.u32 s5, $0x1;
	s5 =	sadd.s32 s21, s3  }
0x9d: {  	[timem:s7], [sflag:s22] =	dma.local [hbm:s5], s20  }
0x9e: {  	_ =	swait.ge [sflag:s22], s20  }
0x9f: {  	s4 =	ssub.s32 $0x0, s20;
	[sflag:s22] =	ssyncset.done $0x0  }
0xa0: {  	[sflag:s22] =	ssyncadd.s32 s4;
	_ =	sdelay $0x1  }
0xa1: {  	s23 =	simm.s32 $0x1B8B  }
0xa2: {  	_ =	swait.ge [sflag:s23], $0x1  }
0xa3: {  	[sflag:s23] =	ssyncset.done $0x0  }
0xa4: {  	s25 =	simm.s32 $0x1B8E;
	s24 =	sld [smem:$0x3FFE];
	[sflag:s23] =	ssyncadd.s32 $0xFFFFFFFF  }
0xa5: {  	s26 =	simm.s32 $execute0_lowered;
	[smem:$0x3FD2] =	sst s25  }
0xa6: {  	s5 =	sshll.u32 s26, $0x1;
	_ =	strace $0x80000049;
	[dreg:$0x1] =	wrdreg $0xFFFFFFFF  }
0xa7: {  	s28 =	simm.s32 $_size_execute0_lowered;
	s3 =	sadd.s32 s3, s5;
	[dreg:$0x0] =	wrdreg $0x0  }
0xa8: {  	s5 =	sshll.u32 s28, $0x1;
	[dreg:$0x2] =	wrdreg s3  }
0xa9: {  	[dreg:$0x3] =	wrdreg s5  }
0xaa: {  	[dreg:$0x4] =	wrdreg $0xC0  }
0xab: {  	_ =	task [dreg:s7], $0x5FFFF  }
0xac: {  	[dreg:$0x1] =	wrdreg $0xFFFFFFFF  }
0xad: {  	[dreg:$0x0] =	wrdreg $0x60  }
0xae: {  	[dreg:$0x2] =	wrdreg s2  }
0xaf: {  	[dreg:$0x3] =	wrdreg s24  }
0xb0: {  	[dreg:$0x4] =	wrdreg $0xC0000  }
0xb1: {  	[dreg:$0x5] =	wrdreg $0x9  }
0xb2: {  	_ =	task.clear_ibuf [dreg:s7], $0x6FFFF;
	_ =	strace $0x90000049  }
0xb3: {  	s29 =	simm.s32 $0x9;
	_ =	strace $0x8000004B  }
0xb4: {  	_ =	swait.ge [sflag:s29], $0x1  }
0xb5: {  	[sflag:s29] =	ssyncadd.s32 $0xFFFFFFFF  }
0xb6: {  	_ =	strace $0x9000004B  }
0xb7: {  	_ =	sfence  }
0xb8: {  	s30 =	sld [smem:$0x0];
	_ =	sdelay $0x2  }
0xb9: {  	s31 =	sshll.u32 s1, $0xD;
	s1 =	sshrl.u32 s1, $0x2  }
0xba: {  	s3 =	sand.u32 $0x4000, s31;
	s1 =	sadd.s32 s1, s30  }
0xbb: {  	s0 =	sor.u32 s3, s0;
	s1 =	sshll.u32 s1, $0x11  }
0xbc: {  	s0 =	sor.u32 s1, s0  }
0xbd: {  	s0 =	sadd.s32 $0x8F2B, s0  }
0xbe: {  	[sflag:s0] =	ssyncadd.remote.s32 $0x1  }
0xbf: {  	_ =	sfence.sel $0xFFFF  }
0xc0: {  	[dreg:$0x0] =	wrdreg $0xFFFFFFFF;
	(pc) =	sbr.abs _section_cstart, $3  }
0xc1: {  	[dreg:$0x1] =	wrdreg $0xFFFFFFFF  }
0xc2: {  	_ =	task.clear_ibuf [dreg:s7], $0x2FFFF;
	_ =	strace $0x9FFFFFFF  }
0xc3: {  	(tm) =	ssettm $0x7FFFFFFF  }
tec
execute0_lowered:
.L_overlay_start_1:
0x0: {  	(tag) =	ssettag $0x1  }
0x1: {  	s1 =	rddreg [dreg:$0x0]  }
0x2: {  	s7 =	rddreg [dreg:$0x1]  }
0x3: {  	s0 =	srdreg.scid;
	s3 =	rddreg [dreg:$0x2];
	s4 =	simm.s32 $0x0  }
0x4: {  	s16 =	simm.s32 $0xA000;
	s17 =	simm.s32 $0x2;
	s18 =	simm.s32 $0x7800  }
0x5: {  	s19 =	simm.s32 $0x80;
	s6 =	sand.u32 $0x1, s0;
	s0 =	stileid.u32  }
0x6: {  	s20 =	simm.s32 $0x1;
	[smem:$0x7FF] =	sst s4;
	s8 =	smul.u32 $0xA000, s0  }
0x7: {  	s2 =	sshll.u32 s6, $0x4;
	s9 =	smul.u32 $0xA0000, s6;
	s6 =	ssub.s32 $0x2, s6  }
0x8: {  	s10 =	smul.u32 $0x28000, s0;
	s2 =	sor.u32 s0, s2;
	s11 =	sshrl.u32 s6, $0x1  }
0x9: {  	s5 =	smul.u32 $0x500, s2;
	s2 =	rddreg [dreg:$0x3];
	_ =	strace $0x8000004A  }
0xa: {  	s9 =	sadd.s32 s8, s9;
	s10 =	sshrl.u32 s10, $0x2;
	s15 =	ssub.s32 s6, s11  }
0xb: {  	s6 =	sadd.s32 s8, s3;
	s9 =	sshrl.u32 s9, $0x3;
	s10 =	sadd.s32 s10, s3  }
0xc: {  	s15 =	smax.u32 s15, $0x1;
	s13 =	sadd.s32 s5, s7;
	s5 =	sadd.s32 $0x16000, s7  }
0xd: {  	s14 =	sadd.s32 s9, s7;
	s7 =	sadd.s32 $0x2000, s10;
	s8 =	sadd.s32 $0x4000, s10  }
0xe: {  	s9 =	sadd.s32 $0x6000, s10;
	s10 =	sadd.s32 $0x8000, s10;
	s11 =	sadd.s32 $0x16600, s13  }
0xf: {  	v0 =	vimm.f32 $0.0e+00;
	s12 =	sadd.s32 $0x2000, s13;
	s13 =	sadd.s32 $0xC000, s13;
	s14 =	sadd.s32 $0x20600, s14  }
.LBB2_1:
0x10: {  	s22 =	simm.s32 $0x100;
	s21 =	simm.s32 $0x0  }
.LBB2_2:
0x11: {  	p0 =	sne.s32 s22, $0x7F00;
	[tilespmem:s21+$0xA030] =	vst v0;
	s23 =	smov.u32 s22;
	s22 =	sadd.s32 $0x100, s22  }
.Ltmp0:
0x12: {  	[tilespmem:s21+$0xA020] =	vst v0;
	(pc) =	sbr.rel @p0 .LBB2_2-.Ltmp0, $3  }
0x13: {  	[tilespmem:s21+$0xA000] =	vst v0  }
0x14: {  	[tilespmem:s21+$0xA010] =	vst v0;
	_ =	sdelay $0x1  }
0x15: {  	s21 =	sshra.s32 s23, $0x2  }
0x16: {  	[tilespmem:s21+$0xA030] =	vst v0  }
0x17: {  	[tilespmem:s21+$0xA020] =	vst v0  }
0x18: {  	[tilespmem:s21+$0xA000] =	vst v0  }
0x19: {  	[tilespmem:s21+$0xA010] =	vst v0  }
0x1a: {  	[spmem:s6] =	stream.linear.scatter [tilespmem:s16], [sflag:$0x2], $0x2000, $0x38;
	[tilespmem:$0x16000] =	vst v63  }
0x1b: {  	_ =	swait.ge [sflag:s17], $0x2000  }
0x1c: {  	[sflag:s17] =	ssyncset.done $0x0  }
0x1d: {  	[sflag:s17] =	ssyncadd.s32 $0xFFFFE000  }
0x1e: {  	[spmem:s7] =	stream.linear.scatter [tilespmem:s16], [sflag:$0x2], $0x2000, $0x38;
	[tilespmem:$0x16000] =	vst v63  }
0x1f: {  	_ =	swait.ge [sflag:s17], $0x2000  }
0x20: {  	[sflag:s17] =	ssyncset.done $0x0  }
0x21: {  	[sflag:s17] =	ssyncadd.s32 $0xFFFFE000  }
0x22: {  	[spmem:s8] =	stream.linear.scatter [tilespmem:s16], [sflag:$0x2], $0x2000, $0x38;
	[tilespmem:$0x16000] =	vst v63  }
0x23: {  	_ =	swait.ge [sflag:s17], $0x2000  }
0x24: {  	[sflag:s17] =	ssyncset.done $0x0  }
0x25: {  	[sflag:s17] =	ssyncadd.s32 $0xFFFFE000  }
0x26: {  	[spmem:s9] =	stream.linear.scatter [tilespmem:s16], [sflag:$0x2], $0x2000, $0x38;
	[tilespmem:$0x16000] =	vst v63  }
0x27: {  	_ =	swait.ge [sflag:s17], $0x2000  }
0x28: {  	[sflag:s17] =	ssyncset.done $0x0  }
0x29: {  	[sflag:s17] =	ssyncadd.s32 $0xFFFFE000  }
0x2a: {  	[spmem:s10] =	stream.linear.scatter [tilespmem:s16], [sflag:$0x2], $0x2000, $0x38;
	[tilespmem:$0x16000] =	vst v63  }
0x2b: {  	_ =	swait.ge [sflag:s17], $0x2000  }
0x2c: {  	[sflag:s17] =	ssyncset.done $0x0  }
0x2d: {  	[sflag:s17] =	ssyncadd.s32 $0xFFFFE000  }
0x2e: {  	s21 =	simm.s32 $0x0;
	[bflag:$0x0] =	sbarrier.arrive $0xFFFF  }
0x2f: {  	[tilespmem:s18], [sflag:$0x2] =	stream.linear.gather [hbm4b:s5+s21], $0x2800, $0x38;
	[tilespmem:$0x16000] =	vst v63  }
0x30: {  	_ =	swait.ge [sflag:s17], $0x2800  }
0x31: {  	[sflag:s17] =	ssyncset.done $0x0  }
0x32: {  	[sflag:s17] =	ssyncadd.s32 $0xFFFFD800  }
0x33: {  	[tilespmem:s21], [sflag:$0x2] =	stream.linear.gather [hbm4b:s11+s21], $0x2800, $0x38;
	[tilespmem:$0x16000] =	vst v63  }
0x34: {  	_ =	swait.ge [sflag:s17], $0x2800  }
0x35: {  	[sflag:s17] =	ssyncset.done $0x0  }
0x36: {  	s22 =	simm.s32 $0x2800;
	[sflag:s17] =	ssyncadd.s32 $0xFFFFD800  }
0x37: {  	[tilespmem:s22], [sflag:$0x2] =	stream.linear.gather [hbm4b:s12+s21], $0x2800, $0x38;
	[tilespmem:$0x16000] =	vst v63  }
0x38: {  	_ =	swait.ge [sflag:s17], $0x2800  }
0x39: {  	[sflag:s17] =	ssyncset.done $0x0  }
0x3a: {  	s23 =	simm.s32 $0x5000;
	[sflag:s17] =	ssyncadd.s32 $0xFFFFD800  }
0x3b: {  	[tilespmem:s23], [sflag:$0x2] =	stream.linear.gather [hbm4b:s13+s21], $0x2800, $0x38;
	[tilespmem:$0x16000] =	vst v63  }
0x3c: {  	_ =	swait.ge [sflag:s17], $0x2800  }
0x3d: {  	[sflag:s17] =	ssyncset.done $0x0  }
0x3e: {  	s24 =	simm.s32 $0x0;
	[sflag:s17] =	ssyncadd.s32 $0xFFFFD800  }
.LBB2_4:
0x3f: {  	s25 =	sshll.u32 s24, $0x7  }
0x40: {  	v1 =	vmov s21;
	[tilespmem:s16], [sflag:$0x1] =	stream.indirect.gather [hbm4b:s1+s19], $0x40, s25, s19, $0xb8;
	[tilespmem:$0x16000] =	vst v63  }
0x41: {  	_ =	swait.ge [sflag:s20], $0x2000  }
0x42: {  	v2 =	vmov s22;
	[sflag:s20] =	ssyncset.done $0x0  }
0x43: {  	s26 =	simm.s32 $0xA200;
	v3 =	vmov s23;
	s28 =	simm.s32 $0x0;
	[sflag:s20] =	ssyncadd.s32 $0xFFFFE000  }
.LBB2_5:
0x44: {  	s29 =	sshra.s32 s28, $0x2  }
0x45: {  	v4 =	vld.idx.msk [tilespmem:v1+s29+$0x0 ss:$0x1], $0xffff;
	_ =	sdelay $0x1  }
0x46: {  	v5 =	vld.idx.msk [tilespmem:v2+s29+$0x0 ss:$0x1], $0xffff;
	_ =	sdelay $0x4  }
0x47: {  	v6 =	vld.idx.msk [tilespmem:v3+s29+$0x0 ss:$0x1], $0xffff  }
0x48: {  	v4 =	vld.idx.msk [tilespmem:v4+s18+$0x0], $0xffff;
	_ =	sdelay $0x1  }
0x49: {  	v5 =	vld.idx.msk [tilespmem:v5+s18+$0x0], $0xffff;
	_ =	sdelay $0x2  }
0x4a: {  	v4 =	vmul.f32 v4, v6  }
0x4b: {  	v46 =	vld [tilespmem:s26+$0xFFFFFE00]  }
0x4c: {  	v4 =	vmul.f32 v5, v4  }
0x4d: {  	v47 =	vld [tilespmem:s26+$0xFFFFFE10]  }
0x4e: {  	v48 =	vld [tilespmem:s26+$0xFFFFFE20];
	v5 =	vbroadcast v4, $0x0  }
0x4f: {  	v49 =	vld [tilespmem:s26+$0xFFFFFE30]  }
0x50: {  	v6 =	vmul.f32 v5, v46;
	_ =	sdelay $0x1  }
0x51: {  	[tilespmem:s26+$0xFFFFFE00] =	vst v6;
	v6 =	vmul.f32 v47, v5;
	_ =	sdelay $0x1  }
0x52: {  	[tilespmem:s26+$0xFFFFFE10] =	vst v6;
	v6 =	vmul.f32 v48, v5;
	v5 =	vmul.f32 v49, v5;
	_ =	sdelay $0x1  }
0x53: {  	[tilespmem:s26+$0xFFFFFE30] =	vst v5;
	v5 =	vld [tilespmem:s26+$0xFFFFFE40];
	_ =	sdelay $0x2  }
0x54: {  	v50 =	vbroadcast v4, $0x1;
	_ =	sdelay $0x1  }
0x55: {  	v5 =	vmul.f32 v5, v50;
	_ =	sdelay $0x1  }
0x56: {  	[tilespmem:s26+$0xFFFFFE40] =	vst v5;
	v5 =	vld [tilespmem:s26+$0xFFFFFE50];
	_ =	sdelay $0x4  }
0x57: {  	v5 =	vmul.f32 v5, v50;
	_ =	sdelay $0x1  }
0x58: {  	[tilespmem:s26+$0xFFFFFE50] =	vst v5;
	v5 =	vld [tilespmem:s26+$0xFFFFFE60];
	_ =	sdelay $0x4  }
0x59: {  	v5 =	vmul.f32 v5, v50;
	_ =	sdelay $0x1  }
0x5a: {  	[tilespmem:s26+$0xFFFFFE60] =	vst v5;
	v5 =	vld [tilespmem:s26+$0xFFFFFE70];
	_ =	sdelay $0x4  }
0x5b: {  	v5 =	vmul.f32 v5, v50;
	_ =	sdelay $0x1  }
0x5c: {  	[tilespmem:s26+$0xFFFFFE70] =	vst v5;
	v5 =	vld [tilespmem:s26+$0xFFFFFE80];
	_ =	sdelay $0x2  }
0x5d: {  	v51 =	vbroadcast v4, $0x2;
	_ =	sdelay $0x1  }
0x5e: {  	v5 =	vmul.f32 v5, v51;
	_ =	sdelay $0x1  }
0x5f: {  	[tilespmem:s26+$0xFFFFFE80] =	vst v5;
	v5 =	vld [tilespmem:s26+$0xFFFFFE90];
	_ =	sdelay $0x4  }
0x60: {  	v5 =	vmul.f32 v5, v51;
	_ =	sdelay $0x1  }
0x61: {  	[tilespmem:s26+$0xFFFFFE90] =	vst v5;
	v5 =	vld [tilespmem:s26+$0xFFFFFEA0];
	_ =	sdelay $0x4  }
0x62: {  	v5 =	vmul.f32 v5, v51;
	_ =	sdelay $0x1  }
0x63: {  	[tilespmem:s26+$0xFFFFFEA0] =	vst v5;
	v5 =	vld [tilespmem:s26+$0xFFFFFEB0];
	_ =	sdelay $0x4  }
0x64: {  	v5 =	vmul.f32 v5, v51;
	_ =	sdelay $0x1  }
0x65: {  	[tilespmem:s26+$0xFFFFFEB0] =	vst v5;
	v5 =	vld [tilespmem:s26+$0xFFFFFEC0];
	_ =	sdelay $0x2  }
0x66: {  	v52 =	vbroadcast v4, $0x3;
	_ =	sdelay $0x1  }
0x67: {  	v5 =	vmul.f32 v5, v52;
	_ =	sdelay $0x1  }
0x68: {  	[tilespmem:s26+$0xFFFFFEC0] =	vst v5;
	v5 =	vld [tilespmem:s26+$0xFFFFFED0];
	_ =	sdelay $0x4  }
0x69: {  	v5 =	vmul.f32 v5, v52;
	_ =	sdelay $0x1  }
0x6a: {  	[tilespmem:s26+$0xFFFFFED0] =	vst v5;
	v5 =	vld [tilespmem:s26+$0xFFFFFEE0];
	_ =	sdelay $0x4  }
0x6b: {  	v5 =	vmul.f32 v5, v52;
	_ =	sdelay $0x1  }
0x6c: {  	[tilespmem:s26+$0xFFFFFEE0] =	vst v5;
	v5 =	vld [tilespmem:s26+$0xFFFFFEF0];
	_ =	sdelay $0x4  }
0x6d: {  	v5 =	vmul.f32 v5, v52;
	_ =	sdelay $0x1  }
0x6e: {  	[tilespmem:s26+$0xFFFFFEF0] =	vst v5;
	v5 =	vld [tilespmem:s26+$0xFFFFFF00];
	_ =	sdelay $0x2  }
0x6f: {  	v53 =	vbroadcast v4, $0x4;
	_ =	sdelay $0x1  }
0x70: {  	v5 =	vmul.f32 v5, v53;
	_ =	sdelay $0x1  }
0x71: {  	[tilespmem:s26+$0xFFFFFF00] =	vst v5;
	v5 =	vld [tilespmem:s26+$0xFFFFFF10];
	_ =	sdelay $0x4  }
0x72: {  	v5 =	vmul.f32 v5, v53;
	_ =	sdelay $0x1  }
0x73: {  	[tilespmem:s26+$0xFFFFFF10] =	vst v5;
	v5 =	vld [tilespmem:s26+$0xFFFFFF20];
	_ =	sdelay $0x4  }
0x74: {  	v5 =	vmul.f32 v5, v53;
	_ =	sdelay $0x1  }
0x75: {  	[tilespmem:s26+$0xFFFFFF20] =	vst v5;
	v5 =	vld [tilespmem:s26+$0xFFFFFF30];
	_ =	sdelay $0x4  }
0x76: {  	v5 =	vmul.f32 v5, v53;
	_ =	sdelay $0x1  }
0x77: {  	[tilespmem:s26+$0xFFFFFF30] =	vst v5;
	v5 =	vld [tilespmem:s26+$0xFFFFFF40];
	_ =	sdelay $0x2  }
0x78: {  	v54 =	vbroadcast v4, $0x5;
	_ =	sdelay $0x1  }
0x79: {  	v5 =	vmul.f32 v5, v54;
	_ =	sdelay $0x1  }
0x7a: {  	[tilespmem:s26+$0xFFFFFF40] =	vst v5;
	v5 =	vld [tilespmem:s26+$0xFFFFFF50];
	_ =	sdelay $0x4  }
0x7b: {  	v5 =	vmul.f32 v5, v54;
	_ =	sdelay $0x1  }
0x7c: {  	[tilespmem:s26+$0xFFFFFF50] =	vst v5;
	v5 =	vld [tilespmem:s26+$0xFFFFFF60];
	_ =	sdelay $0x4  }
0x7d: {  	v5 =	vmul.f32 v5, v54;
	_ =	sdelay $0x1  }
0x7e: {  	[tilespmem:s26+$0xFFFFFF60] =	vst v5;
	v5 =	vld [tilespmem:s26+$0xFFFFFF70];
	_ =	sdelay $0x4  }
0x7f: {  	v5 =	vmul.f32 v5, v54;
	_ =	sdelay $0x1  }
0x80: {  	[tilespmem:s26+$0xFFFFFF70] =	vst v5;
	v5 =	vld [tilespmem:s26+$0xFFFFFF80];
	_ =	sdelay $0x2  }
0x81: {  	v55 =	vbroadcast v4, $0x6;
	_ =	sdelay $0x1  }
0x82: {  	v5 =	vmul.f32 v5, v55;
	_ =	sdelay $0x1  }
0x83: {  	[tilespmem:s26+$0xFFFFFF80] =	vst v5;
	v5 =	vld [tilespmem:s26+$0xFFFFFF90];
	_ =	sdelay $0x4  }
0x84: {  	v5 =	vmul.f32 v5, v55;
	_ =	sdelay $0x1  }
0x85: {  	[tilespmem:s26+$0xFFFFFF90] =	vst v5;
	v5 =	vld [tilespmem:s26+$0xFFFFFFA0];
	_ =	sdelay $0x4  }
0x86: {  	v5 =	vmul.f32 v5, v55;
	_ =	sdelay $0x1  }
0x87: {  	[tilespmem:s26+$0xFFFFFFA0] =	vst v5;
	v5 =	vld [tilespmem:s26+$0xFFFFFFB0];
	_ =	sdelay $0x4  }
0x88: {  	v5 =	vmul.f32 v5, v55;
	_ =	sdelay $0x1  }
0x89: {  	[tilespmem:s26+$0xFFFFFFB0] =	vst v5;
	v5 =	vld [tilespmem:s26+$0xFFFFFFC0];
	_ =	sdelay $0x2  }
0x8a: {  	v56 =	vbroadcast v4, $0x7;
	_ =	sdelay $0x1  }
0x8b: {  	v5 =	vmul.f32 v5, v56;
	_ =	sdelay $0x1  }
0x8c: {  	[tilespmem:s26+$0xFFFFFFC0] =	vst v5;
	v5 =	vld [tilespmem:s26+$0xFFFFFFD0];
	_ =	sdelay $0x4  }
0x8d: {  	v5 =	vmul.f32 v5, v56;
	_ =	sdelay $0x1  }
0x8e: {  	[tilespmem:s26+$0xFFFFFFD0] =	vst v5;
	v5 =	vld [tilespmem:s26+$0xFFFFFFE0];
	_ =	sdelay $0x4  }
0x8f: {  	v5 =	vmul.f32 v5, v56;
	_ =	sdelay $0x1  }
0x90: {  	[tilespmem:s26+$0xFFFFFFE0] =	vst v5;
	v5 =	vld [tilespmem:s26+$0xFFFFFFF0];
	_ =	sdelay $0x4  }
0x91: {  	v5 =	vmul.f32 v5, v56;
	_ =	sdelay $0x1  }
0x92: {  	[tilespmem:s26+$0xFFFFFFF0] =	vst v5;
	v5 =	vld [tilespmem:s26+$0x0];
	_ =	sdelay $0x2  }
0x93: {  	v57 =	vbroadcast v4, $0x8;
	_ =	sdelay $0x1  }
0x94: {  	v5 =	vmul.f32 v5, v57;
	_ =	sdelay $0x1  }
0x95: {  	[tilespmem:s26+$0x0] =	vst v5;
	v5 =	vld [tilespmem:s26+$0x10];
	_ =	sdelay $0x4  }
0x96: {  	v5 =	vmul.f32 v5, v57;
	_ =	sdelay $0x1  }
0x97: {  	[tilespmem:s26+$0x10] =	vst v5;
	v5 =	vld [tilespmem:s26+$0x20];
	_ =	sdelay $0x4  }
0x98: {  	v5 =	vmul.f32 v5, v57;
	_ =	sdelay $0x1  }
0x99: {  	[tilespmem:s26+$0x20] =	vst v5;
	v5 =	vld [tilespmem:s26+$0x30];
	_ =	sdelay $0x4  }
0x9a: {  	v5 =	vmul.f32 v5, v57;
	_ =	sdelay $0x1  }
0x9b: {  	[tilespmem:s26+$0x30] =	vst v5;
	v5 =	vld [tilespmem:s26+$0x40];
	_ =	sdelay $0x2  }
0x9c: {  	v58 =	vbroadcast v4, $0x9;
	_ =	sdelay $0x1  }
0x9d: {  	v5 =	vmul.f32 v5, v58;
	_ =	sdelay $0x1  }
0x9e: {  	[tilespmem:s26+$0x40] =	vst v5;
	v5 =	vld [tilespmem:s26+$0x50];
	_ =	sdelay $0x4  }
0x9f: {  	v5 =	vmul.f32 v5, v58;
	_ =	sdelay $0x1  }
0xa0: {  	[tilespmem:s26+$0x50] =	vst v5;
	v5 =	vld [tilespmem:s26+$0x60];
	_ =	sdelay $0x4  }
0xa1: {  	v5 =	vmul.f32 v5, v58;
	_ =	sdelay $0x1  }
0xa2: {  	[tilespmem:s26+$0x60] =	vst v5;
	v5 =	vld [tilespmem:s26+$0x70];
	_ =	sdelay $0x4  }
0xa3: {  	v5 =	vmul.f32 v5, v58;
	_ =	sdelay $0x1  }
0xa4: {  	[tilespmem:s26+$0x70] =	vst v5;
	v5 =	vld [tilespmem:s26+$0x80];
	_ =	sdelay $0x2  }
0xa5: {  	v59 =	vbroadcast v4, $0xA;
	_ =	sdelay $0x1  }
0xa6: {  	v5 =	vmul.f32 v5, v59;
	_ =	sdelay $0x1  }
0xa7: {  	[tilespmem:s26+$0x80] =	vst v5;
	v5 =	vld [tilespmem:s26+$0x90];
	_ =	sdelay $0x4  }
0xa8: {  	v5 =	vmul.f32 v5, v59;
	_ =	sdelay $0x1  }
0xa9: {  	[tilespmem:s26+$0x90] =	vst v5;
	v5 =	vld [tilespmem:s26+$0xA0];
	_ =	sdelay $0x4  }
0xaa: {  	v5 =	vmul.f32 v5, v59;
	_ =	sdelay $0x1  }
0xab: {  	[tilespmem:s26+$0xA0] =	vst v5;
	v5 =	vld [tilespmem:s26+$0xB0];
	_ =	sdelay $0x4  }
0xac: {  	v5 =	vmul.f32 v5, v59;
	_ =	sdelay $0x1  }
0xad: {  	[tilespmem:s26+$0xB0] =	vst v5;
	v5 =	vld [tilespmem:s26+$0xC0];
	_ =	sdelay $0x2  }
0xae: {  	v60 =	vbroadcast v4, $0xB;
	_ =	sdelay $0x1  }
0xaf: {  	v5 =	vmul.f32 v5, v60;
	_ =	sdelay $0x1  }
0xb0: {  	[tilespmem:s26+$0xC0] =	vst v5;
	v5 =	vld [tilespmem:s26+$0xD0];
	_ =	sdelay $0x4  }
0xb1: {  	v5 =	vmul.f32 v5, v60;
	_ =	sdelay $0x1  }
0xb2: {  	[tilespmem:s26+$0xD0] =	vst v5;
	v5 =	vld [tilespmem:s26+$0xE0];
	_ =	sdelay $0x4  }
0xb3: {  	v5 =	vmul.f32 v5, v60;
	_ =	sdelay $0x1  }
0xb4: {  	[tilespmem:s26+$0xE0] =	vst v5;
	v5 =	vld [tilespmem:s26+$0xF0];
	_ =	sdelay $0x4  }
0xb5: {  	v5 =	vmul.f32 v5, v60;
	_ =	sdelay $0x1  }
0xb6: {  	[tilespmem:s26+$0xF0] =	vst v5;
	v5 =	vld [tilespmem:s26+$0x100];
	_ =	sdelay $0x2  }
0xb7: {  	v61 =	vbroadcast v4, $0xC;
	_ =	sdelay $0x1  }
0xb8: {  	v5 =	vmul.f32 v5, v61;
	_ =	sdelay $0x1  }
0xb9: {  	[tilespmem:s26+$0x100] =	vst v5;
	v5 =	vld [tilespmem:s26+$0x110];
	_ =	sdelay $0x4  }
0xba: {  	v5 =	vmul.f32 v5, v61;
	_ =	sdelay $0x1  }
0xbb: {  	[tilespmem:s26+$0x110] =	vst v5;
	v5 =	vld [tilespmem:s26+$0x120];
	_ =	sdelay $0x4  }
0xbc: {  	v5 =	vmul.f32 v5, v61;
	_ =	sdelay $0x1  }
0xbd: {  	[tilespmem:s26+$0x120] =	vst v5;
	v5 =	vld [tilespmem:s26+$0x130];
	_ =	sdelay $0x4  }
0xbe: {  	v5 =	vmul.f32 v5, v61;
	_ =	sdelay $0x1  }
0xbf: {  	[tilespmem:s26+$0x130] =	vst v5;
	v5 =	vld [tilespmem:s26+$0x140];
	_ =	sdelay $0x2  }
0xc0: {  	v62 =	vbroadcast v4, $0xD;
	_ =	sdelay $0x1  }
0xc1: {  	v5 =	vmul.f32 v5, v62;
	_ =	sdelay $0x1  }
0xc2: {  	[tilespmem:s26+$0x140] =	vst v5;
	v5 =	vld [tilespmem:s26+$0x150];
	_ =	sdelay $0x4  }
0xc3: {  	v5 =	vmul.f32 v5, v62;
	_ =	sdelay $0x1  }
0xc4: {  	[tilespmem:s26+$0x150] =	vst v5;
	v5 =	vld [tilespmem:s26+$0x160];
	_ =	sdelay $0x4  }
0xc5: {  	v5 =	vmul.f32 v5, v62;
	_ =	sdelay $0x1  }
0xc6: {  	[tilespmem:s26+$0x160] =	vst v5;
	v5 =	vld [tilespmem:s26+$0x170];
	_ =	sdelay $0x4  }
0xc7: {  	v5 =	vmul.f32 v5, v62;
	_ =	sdelay $0x1  }
0xc8: {  	[tilespmem:s26+$0x170] =	vst v5;
	v5 =	vld [tilespmem:s26+$0x180];
	_ =	sdelay $0x2  }
0xc9: {  	v63 =	vbroadcast v4, $0xE;
	_ =	sdelay $0x1  }
0xca: {  	v5 =	vmul.f32 v5, v63;
	_ =	sdelay $0x1  }
0xcb: {  	[tilespmem:s26+$0x180] =	vst v5;
	v5 =	vld [tilespmem:s26+$0x190];
	_ =	sdelay $0x4  }
0xcc: {  	v5 =	vmul.f32 v5, v63;
	_ =	sdelay $0x1  }
0xcd: {  	[tilespmem:s26+$0x190] =	vst v5;
	v5 =	vld [tilespmem:s26+$0x1A0];
	_ =	sdelay $0x4  }
0xce: {  	v5 =	vmul.f32 v5, v63;
	_ =	sdelay $0x1  }
0xcf: {  	[tilespmem:s26+$0x1A0] =	vst v5;
	v5 =	vld [tilespmem:s26+$0x1B0];
	_ =	sdelay $0x4  }
0xd0: {  	v5 =	vmul.f32 v5, v63;
	_ =	sdelay $0x1  }
0xd1: {  	[tilespmem:s26+$0x1B0] =	vst v5;
	v5 =	vld [tilespmem:s26+$0x1C0];
	_ =	sdelay $0x2  }
0xd2: {  	v4 =	vbroadcast v4, $0xF;
	_ =	sdelay $0x1  }
0xd3: {  	v5 =	vmul.f32 v5, v4;
	_ =	sdelay $0x1  }
0xd4: {  	[tilespmem:s26+$0x1C0] =	vst v5;
	v5 =	vld [tilespmem:s26+$0x1D0];
	_ =	sdelay $0x4  }
0xd5: {  	v5 =	vmul.f32 v5, v4;
	_ =	sdelay $0x1  }
0xd6: {  	[tilespmem:s26+$0x1D0] =	vst v5;
	v5 =	vld [tilespmem:s26+$0x1E0];
	_ =	sdelay $0x4  }
0xd7: {  	v5 =	vmul.f32 v5, v4;
	_ =	sdelay $0x1  }
0xd8: {  	[tilespmem:s26+$0x1E0] =	vst v5;
	v5 =	vld [tilespmem:s26+$0x1F0];
	_ =	sdelay $0x1  }
0xd9: {  	p0 =	sne.s32 s28, $0x1C0  }
.Ltmp1:
0xda: {  	_ = 	snop;
	(pc) =	sbr.rel @p0 .LBB2_5-.Ltmp1, $4  }
0xdb: {  	_ = 	snop  }
0xdc: {  	v4 =	vmul.f32 v5, v4  }
0xdd: {  	[tilespmem:s26+$0xFFFFFE20] =	vst v6  }
0xde: {  	s28 =	sadd.s32 $0x40, s28;
	[tilespmem:s26+$0x1F0] =	vst v4;
	s26 =	sadd.s32 $0x400, s26  }
0xdf: {  	s24 =	sadd.s32 $0x1, s24  }
0xe0: {  	p0 =	sne.s32 s24, $0x50  }
.Ltmp2:
0xe1: {  	s25 =	sadd.s32 $0x2800, s25;
	(pc) =	sbr.rel @p0 .LBB2_4-.Ltmp2, $4  }
0xe2: {  	[spmem:s3] =	stream.indirect.scatter.add.f32 [tilespmem:s16], [sflag:$0x2], $0x40, s25, s19, $0xb8;
	[tilespmem:$0x16000] =	vst v63  }
0xe3: {  	_ =	swait.ge [sflag:s17], $0x2000  }
0xe4: {  	s21 =	sadd.s32 $0x80, s21;
	[sflag:s17] =	ssyncset.done $0x0  }
0xe5: {  	s22 =	sadd.s32 $0x80, s22;
	s23 =	sadd.s32 $0x80, s23;
	[sflag:s17] =	ssyncadd.s32 $0xFFFFE000  }
0xe6: {  	s4 =	sadd.s32 $0x1, s4  }
0xe7: {  	s21 =	sshll.u32 s0, $0x6;
	[bflag:$0x0] =	sbarrier.arrive $0xFFFF;
	p0 =	sne.s32 s4, s15  }
.Ltmp3:
0xe8: {  	s22 =	sshrl.u32 s6, $0x3;
	s21 =	sor.u32 $0x1C02, s21;
	(pc) =	sbr.rel @p0 .LBB2_1-.Ltmp3, $4  }
0xe9: {  	[hbm:s14], [sflag:s21] =	dma.local [spmem:s22], $0x1400  }
0xea: {  	_ =	swait.ge [sflag:s17], $0x1400  }
0xeb: {  	[sflag:s17] =	ssyncset.done $0x0  }
0xec: {  	[sflag:s17] =	ssyncadd.s32 $0xFFFFEC00  }
0xed: {  	_ =	sfence.sel $0x180000  }
0xee: {  	[bflag:$0x0] =	sbarrier.arrive $0xFFFF  }
0xef: {  	p0 =	sne.s32 s0, $0x0;
	_ =	strace $0x9000004A  }
0xf0: {  	s0 =	sadd.s32 @!p0 $0x100000, s2;
	[bflag:$0x2] =	sbarrier.arrive $0xFFFF  }
0xf1: {  	[sflag:s0] =	ssyncadd.tile.s32 @!p0 $0x1;
	_ =	shalt  }
.Lfunc_end2:
_tile_overlayer_lowered:
.L_overlay_start_2:
0xf2: {  	(tag) =	ssettag $0x2  }
0xf3: {  	s0 =	rddreg [dreg:$0x0];
	s2 =	stileid.u32  }
0xf4: {  	s1 =	rddreg [dreg:$0x1];
	p0 =	sne.s32 s2, $0x0  }
0xf5: {  	s3 =	rddreg [dreg:$0x2];
	[bflag:$0x3] =	sbarrier.arrive $0xFFFF;
	s2 =	simm.s32 @!p0 $0x1C02  }
0xf6: {  	[timem:s3], [sflag:s2] =	dma.local @!p0 [hbm:s0], s1  }
0xf7: {  	s0 =	simm.s32 @!p0 $0x2  }
0xf8: {  	_ =	swait.ge @!p0 [sflag:s0], s1  }
0xf9: {  	s1 =	ssub.s32 @!p0 $0x0, s1;
	[sflag:s0] =	ssyncset.done @!p0 $0x0  }
0xfa: {  	[sflag:s0] =	ssyncadd.s32 @!p0 s1  }
0xfb: {  	[bflag:$0x3] =	sbarrier.arrive $0xFFFF  }
0xfc: {  	_ =	shalt  }

// kernel: kernel.15.cloned.1.call-start
scs
__scs_entry_jumppad:
0x0: {  	(pc) =	sbr.rel $0x88, $3  }
0x1: {  	(tag) =	ssettag $0x0;
	lr =	simm.s32 $0x1  }
0x2: {  	[smem:$0x3F9A] =	sst lr;
	_ =	strace $0xD0000000  }
0x3: {  	_ = 	snop  }
0x4: {  	_ = 	snop  }
0x5: {  	_ = 	snop  }
0x6: {  	_ = 	snop  }
0x7: {  	_ = 	snop  }
__scs_overlays_trampoline_lowered:
0x8: {  	[smem:$0x3FA9] =	sst s0  }
0x9: {  	[smem:$0x3FAA] =	sst s1  }
0xa: {  	[smem:$0x3FAB] =	sst s2  }
0xb: {  	[smem:$0x3FAC] =	sst s3  }
0xc: {  	[smem:$0x3FAD] =	sst s4  }
0xd: {  	[smem:$0x3FAE] =	sst s5  }
0xe: {  	[smem:$0x3FAF] =	sst s6  }
0xf: {  	[smem:$0x3FB0] =	sst s7  }
0x10: {  	[smem:$0x3FB1] =	sst s8  }
0x11: {  	[smem:$0x3FB2] =	sst s9;
	s0 =	simm.s32 @!p0 $0x0  }
0x12: {  	s1 =	sld [smem:$0x3F98];
	s0 =	simm.s32 @p0 $0x1  }
0x13: {  	[smem:$0x3FB3] =	sst s0;
	s0 =	simm.s32 @!p1 $0x0  }
0x14: {  	s2 =	sld [smem:$0x3F97];
	s0 =	simm.s32 @p1 $0x1  }
0x15: {  	[smem:$0x3FB4] =	sst s0;
	s0 =	simm.s32 @!p2 $0x0  }
0x16: {  	s3 =	sld [smem:$0x3FDB];
	s0 =	simm.s32 @p2 $0x1  }
0x17: {  	s4 =	simm.s32 $0x1BF5;
	[smem:$0x3FB6] =	sst s0  }
0x18: {  	s0 =	sld [smem:$0x3F99];
	_ =	swait.ge [sflag:s4], $0x0  }
0x19: {  	s7 =	sld [smem:$0x3F9A]  }
0x1a: {  	s8 =	sadd.s32 $0xFFFFE003, lr  }
0x1b: {  	s9 =	sadd.s32 $0xFFFFFEF7, lr;
	s5 =	simm.s32 $0xFFFFFFFF;
	p2 =	slt.u32 s8, $0xFFFFF086  }
0x1c: {  	p1 =	slt.u32 s9, $0xF7A;
	s5 =	simm.s32 @!p2 $0x0  }
0x1d: {  	s5 =	simm.s32 @p1 $0x1;
	p0 =	seq.s32 s7, s2  }
0x1e: {  	s7 =	smul.u32 @!p0 $0xF7A, s2;
	p2 =	seq.s32 @!p0 s5, $0x0  }
0x1f: {  	s9 =	smul.u32 $0xF7A, s1;
	s8 =	simm.s32 @!p0 $0x1BF5;
	p2 =	por !p2, p0  }
0x20: {  	[sflag:s8] =	ssyncset.s32 @!p0 $0xFFFFF086;
	s6 =	sadd.s32 @!p0 s3, s7;
	s7 =	simm.s32 @!p0 $0x108  }
0x21: {  	s3 =	sadd.s32 s3, s9;
	s6 =	sadd.s32 @!p0 $0x88, s6;
	s7 =	simm.s32 @p2 $0x1082  }
0x22: {  	[simem:s7], [sflag:s8] =	dma.local @!p0 [hbm:s6], $0xF7A  }
0x23: {  	s9 =	sor.u32 $0xD0000000, s2;
	s6 =	simm.s32 $0x108;
	_ =	swait.ge @!p0 [sflag:s8], $0x0  }
0x24: {  	s3 =	sadd.s32 $0x88, s3;
	s6 =	simm.s32 @!p1 $0x1082;
	[sflag:s4] =	ssyncset.s32 $0xFFFFF086  }
0x25: {  	[simem:s6], [sflag:s4] =	dma.local [hbm:s3], $0xF7A  }
0x26: {  	[smem:$0x3F9A] =	sst s1;
	(tag) =	ssettag s2;
	_ =	strace s9  }
0x27: {  	s1 =	sld [smem:$0x3FAA]  }
0x28: {  	s2 =	sld [smem:$0x3FAB]  }
0x29: {  	s4 =	sld [smem:$0x3FAD]  }
0x2a: {  	p0 =	seq.s32 s5, $0x0;
	s5 =	sld [smem:$0x3FAE]  }
0x2b: {  	s6 =	sld [smem:$0x3FAF]  }
0x2c: {  	s7 =	sld [smem:$0x3FB0]  }
0x2d: {  	s3 =	simm.s32 $0x108;
	s8 =	sld [smem:$0x3FB1]  }
0x2e: {  	s3 =	simm.s32 @!p0 $0x1082;
	s9 =	sld [smem:$0x3FB2]  }
0x2f: {  	lr =	sadd.s32 s0, s3;
	s0 =	sld [smem:$0x3FA9]  }
0x30: {  	s3 =	sld [smem:$0x3FAC]  }
0x31: {  	[smem:$0x3FB5] =	sst s10  }
0x32: {  	s10 =	sld [smem:$0x3FB3];
	_ =	sdelay $0x3  }
0x33: {  	p0 =	seq.s32 s10, $0x1;
	s10 =	sld [smem:$0x3FB5];
	_ =	sdelay $0x3  }
0x34: {  	[smem:$0x3FB5] =	sst s10  }
0x35: {  	s10 =	sld [smem:$0x3FB4];
	_ =	sdelay $0x3  }
0x36: {  	p1 =	seq.s32 s10, $0x1;
	s10 =	sld [smem:$0x3FB5];
	_ =	sdelay $0x3  }
0x37: {  	[smem:$0x3FB5] =	sst s10  }
0x38: {  	s10 =	sld [smem:$0x3FB6]  }
0x39: {  	_ = 	snop;
	(pc) =	sbr.ind lr, $3  }
0x3a: {  	_ = 	snop  }
0x3b: {  	_ = 	snop  }
0x3c: {  	p2 =	seq.s32 s10, $0x1;
	s10 =	sld [smem:$0x3FB5]  }
0x3d: {  	_ =	shalt  }
0x3e: {  	_ =	shalt  }
0x3f: {  	_ =	shalt  }
0x40: {  	_ =	shalt  }
0x41: {  	_ =	shalt  }
0x42: {  	_ =	shalt  }
0x43: {  	_ =	shalt  }
0x44: {  	_ =	shalt  }
0x45: {  	_ =	shalt  }
0x46: {  	_ =	shalt  }
0x47: {  	_ =	shalt  }
0x48: {  	_ =	shalt  }
0x49: {  	_ =	shalt  }
0x4a: {  	_ =	shalt  }
0x4b: {  	_ =	shalt  }
0x4c: {  	_ =	shalt  }
0x4d: {  	_ =	shalt  }
0x4e: {  	_ =	shalt  }
0x4f: {  	_ =	shalt  }
0x50: {  	_ =	shalt  }
0x51: {  	_ =	shalt  }
0x52: {  	_ =	shalt  }
0x53: {  	_ =	shalt  }
0x54: {  	_ =	shalt  }
0x55: {  	_ =	shalt  }
0x56: {  	_ =	shalt  }
0x57: {  	_ =	shalt  }
0x58: {  	_ =	shalt  }
0x59: {  	_ =	shalt  }
0x5a: {  	_ =	shalt  }
0x5b: {  	_ =	shalt  }
0x5c: {  	_ =	shalt  }
0x5d: {  	_ =	shalt  }
0x5e: {  	_ =	shalt  }
0x5f: {  	_ =	shalt  }
0x60: {  	_ =	shalt  }
0x61: {  	_ =	shalt  }
0x62: {  	_ =	shalt  }
0x63: {  	_ =	shalt  }
0x64: {  	_ =	shalt  }
0x65: {  	_ =	shalt  }
0x66: {  	_ =	shalt  }
0x67: {  	_ =	shalt  }
0x68: {  	_ =	shalt  }
0x69: {  	_ =	shalt  }
0x6a: {  	_ =	shalt  }
0x6b: {  	_ =	shalt  }
0x6c: {  	_ =	shalt  }
0x6d: {  	_ =	shalt  }
0x6e: {  	_ =	shalt  }
0x6f: {  	_ =	shalt  }
0x70: {  	_ =	shalt  }
0x71: {  	_ =	shalt  }
0x72: {  	_ =	shalt  }
0x73: {  	_ =	shalt  }
0x74: {  	_ =	shalt  }
0x75: {  	_ =	shalt  }
0x76: {  	_ =	shalt  }
0x77: {  	_ =	shalt  }
0x78: {  	_ =	shalt  }
0x79: {  	_ =	shalt  }
0x7a: {  	_ =	shalt  }
0x7b: {  	_ =	shalt  }
0x7c: {  	_ =	shalt  }
0x7d: {  	_ =	shalt  }
0x7e: {  	_ =	shalt  }
0x7f: {  	_ =	shalt  }
0x80: {  	_ =	shalt  }
0x81: {  	_ =	shalt  }
0x82: {  	_ =	shalt  }
0x83: {  	_ =	shalt  }
0x84: {  	_ =	shalt  }
0x85: {  	_ =	shalt  }
0x86: {  	_ =	shalt  }
0x87: {  	_ =	shalt  }
.Lfunc_end0:
.L_simem_size_0:
called_computation.2_lowered:
.L_overlay_start_0:
0x88: {  	s2 =	sld [smem:$0x3FD9]  }
0x89: {  	s3 =	sld [smem:$0x3FFE];
	_ =	sdelay $0x1  }
0x8a: {  	s1 =	srdreg.scid  }
0x8b: {  	s0 =	sand.u32 $0x1, s1  }
0x8c: {  	s17 =	sshll.u32 s0, $0xA;
	s2 =	sadd.s32 s3, s2  }
0x8d: {  	s2 =	sadd.s32 s2, s17  }
0x8e: {  	[smem:$0x3FC1] =	sst s2  }
0x8f: {  	_ = 	snop  }
0x90: {  	s2 =	sld [smem:$0x3FD0];
	(tm) =	ssettm $0x1  }
0x91: {  	s18 =	sld [smem:$0x3FFB];
	_ =	sdelay $0x3  }
0x92: {  	_ =	strace s18  }
0x93: {  	s3 =	sld [smem:$0x3FFC];
	_ =	sdelay $0x3  }
0x94: {  	_ =	strace s3  }
0x95: {  	s3 =	sld [smem:$0x3FFD];
	_ =	sdelay $0x3  }
0x96: {  	_ =	strace s3  }
0x97: {  	_ =	strace $0x8FFFFFFF  }
0x98: {  	s19 =	sld [smem:$0x3FDB];
	_ =	sdelay $0x1  }
0x99: {  	s4 =	simm.s32 $_scs_section_size  }
0x9a: {  	s5 =	simm.s32 $_size__tile_overlayer_lowered;
	s6 =	simm.s32 $_tile_overlayer_lowered  }
0x9b: {  	s22 =	simm.s32 $0x1BFF;
	s21 =	sshll.u32 s6, $0x1;
	s3 =	sadd.s32 s4, s19  }
0x9c: {  	s7 =	simm.s32 $0x0;
	s20 =	sshll.u32 s5, $0x1;
	s5 =	sadd.s32 s21, s3  }
0x9d: {  	[timem:s7], [sflag:s22] =	dma.local [hbm:s5], s20  }
0x9e: {  	_ =	swait.ge [sflag:s22], s20  }
0x9f: {  	s4 =	ssub.s32 $0x0, s20;
	[sflag:s22] =	ssyncset.done $0x0  }
0xa0: {  	[sflag:s22] =	ssyncadd.s32 s4;
	_ =	sdelay $0x1  }
0xa1: {  	s23 =	simm.s32 $0x1B8B  }
0xa2: {  	_ =	swait.ge [sflag:s23], $0x1  }
0xa3: {  	[sflag:s23] =	ssyncset.done $0x0  }
0xa4: {  	s25 =	simm.s32 $0x1B8E;
	s24 =	sld [smem:$0x3FFE];
	[sflag:s23] =	ssyncadd.s32 $0xFFFFFFFF  }
0xa5: {  	s26 =	simm.s32 $execute0_lowered;
	[smem:$0x3FD2] =	sst s25  }
0xa6: {  	s5 =	sshll.u32 s26, $0x1;
	_ =	strace $0x8000004C;
	[dreg:$0x1] =	wrdreg $0xFFFFFFFF  }
0xa7: {  	s28 =	simm.s32 $_size_execute0_lowered;
	s3 =	sadd.s32 s3, s5;
	[dreg:$0x0] =	wrdreg $0x0  }
0xa8: {  	s5 =	sshll.u32 s28, $0x1;
	[dreg:$0x2] =	wrdreg s3  }
0xa9: {  	[dreg:$0x3] =	wrdreg s5  }
0xaa: {  	[dreg:$0x4] =	wrdreg $0xC0  }
0xab: {  	_ =	task [dreg:s7], $0x5FFFF  }
0xac: {  	[dreg:$0x1] =	wrdreg $0xFFFFFFFF  }
0xad: {  	[dreg:$0x0] =	wrdreg $0x60  }
0xae: {  	[dreg:$0x2] =	wrdreg s2  }
0xaf: {  	[dreg:$0x3] =	wrdreg s24  }
0xb0: {  	[dreg:$0x4] =	wrdreg $0xC0000  }
0xb1: {  	[dreg:$0x5] =	wrdreg $0x9  }
0xb2: {  	_ =	task.clear_ibuf [dreg:s7], $0x6FFFF;
	_ =	strace $0x9000004C  }
0xb3: {  	s29 =	simm.s32 $0x9;
	_ =	strace $0x8000004E  }
0xb4: {  	_ =	swait.ge [sflag:s29], $0x1  }
0xb5: {  	[sflag:s29] =	ssyncadd.s32 $0xFFFFFFFF  }
0xb6: {  	_ =	strace $0x9000004E  }
0xb7: {  	_ =	sfence  }
0xb8: {  	s30 =	sld [smem:$0x0];
	_ =	sdelay $0x2  }
0xb9: {  	s31 =	sshll.u32 s1, $0xD;
	s1 =	sshrl.u32 s1, $0x2  }
0xba: {  	s3 =	sand.u32 $0x4000, s31;
	s1 =	sadd.s32 s1, s30  }
0xbb: {  	s0 =	sor.u32 s3, s0;
	s1 =	sshll.u32 s1, $0x11  }
0xbc: {  	s0 =	sor.u32 s1, s0  }
0xbd: {  	s0 =	sadd.s32 $0x8F2B, s0  }
0xbe: {  	[sflag:s0] =	ssyncadd.remote.s32 $0x1  }
0xbf: {  	_ =	sfence.sel $0xFFFF  }
0xc0: {  	[dreg:$0x0] =	wrdreg $0xFFFFFFFF;
	(pc) =	sbr.abs _section_cstart, $3  }
0xc1: {  	[dreg:$0x1] =	wrdreg $0xFFFFFFFF  }
0xc2: {  	_ =	task.clear_ibuf [dreg:s7], $0x2FFFF;
	_ =	strace $0x9FFFFFFF  }
0xc3: {  	(tm) =	ssettm $0x7FFFFFFF  }
tec
execute0_lowered:
.L_overlay_start_1:
0x0: {  	(tag) =	ssettag $0x1  }
0x1: {  	s1 =	rddreg [dreg:$0x0]  }
0x2: {  	s7 =	rddreg [dreg:$0x1]  }
0x3: {  	s0 =	srdreg.scid;
	s3 =	rddreg [dreg:$0x2];
	s4 =	simm.s32 $0x0  }
0x4: {  	s16 =	simm.s32 $0xA000;
	s17 =	simm.s32 $0x2;
	s18 =	simm.s32 $0x7800  }
0x5: {  	s19 =	simm.s32 $0x80;
	s6 =	sand.u32 $0x1, s0;
	s0 =	stileid.u32  }
0x6: {  	s20 =	simm.s32 $0x1;
	[smem:$0x7FF] =	sst s4;
	s8 =	smul.u32 $0xA000, s0  }
0x7: {  	s2 =	sshll.u32 s6, $0x4;
	s9 =	smul.u32 $0xA0000, s6;
	s6 =	ssub.s32 $0x2, s6  }
0x8: {  	s10 =	smul.u32 $0x28000, s0;
	s2 =	sor.u32 s0, s2;
	s11 =	sshrl.u32 s6, $0x1  }
0x9: {  	s5 =	smul.u32 $0x500, s2;
	s2 =	rddreg [dreg:$0x3];
	_ =	strace $0x8000004D  }
0xa: {  	s9 =	sadd.s32 s8, s9;
	s10 =	sshrl.u32 s10, $0x2;
	s15 =	ssub.s32 s6, s11  }
0xb: {  	s6 =	sadd.s32 s8, s3;
	s9 =	sshrl.u32 s9, $0x3;
	s10 =	sadd.s32 s10, s3  }
0xc: {  	s15 =	smax.u32 s15, $0x1;
	s13 =	sadd.s32 s5, s7;
	s5 =	sadd.s32 $0x16000, s7  }
0xd: {  	s14 =	sadd.s32 s9, s7;
	s7 =	sadd.s32 $0x2000, s10;
	s8 =	sadd.s32 $0x4000, s10  }
0xe: {  	s9 =	sadd.s32 $0x6000, s10;
	s10 =	sadd.s32 $0x8000, s10;
	s11 =	sadd.s32 $0x16600, s13  }
0xf: {  	v0 =	vimm.f32 $0.0e+00;
	s12 =	sadd.s32 $0x2000, s13;
	s13 =	sadd.s32 $0xC000, s13;
	s14 =	sadd.s32 $0x20600, s14  }
.LBB2_1:
0x10: {  	s22 =	simm.s32 $0x100;
	s21 =	simm.s32 $0x0  }
.LBB2_2:
0x11: {  	p0 =	sne.s32 s22, $0x7F00;
	[tilespmem:s21+$0xA030] =	vst v0;
	s23 =	smov.u32 s22;
	s22 =	sadd.s32 $0x100, s22  }
.Ltmp0:
0x12: {  	[tilespmem:s21+$0xA020] =	vst v0;
	(pc) =	sbr.rel @p0 .LBB2_2-.Ltmp0, $3  }
0x13: {  	[tilespmem:s21+$0xA000] =	vst v0  }
0x14: {  	[tilespmem:s21+$0xA010] =	vst v0;
	_ =	sdelay $0x1  }
0x15: {  	s21 =	sshra.s32 s23, $0x2  }
0x16: {  	[tilespmem:s21+$0xA030] =	vst v0  }
0x17: {  	[tilespmem:s21+$0xA020] =	vst v0  }
0x18: {  	[tilespmem:s21+$0xA000] =	vst v0  }
0x19: {  	[tilespmem:s21+$0xA010] =	vst v0  }
0x1a: {  	[spmem:s6] =	stream.linear.scatter [tilespmem:s16], [sflag:$0x2], $0x2000, $0x38;
	[tilespmem:$0x16000] =	vst v63  }
0x1b: {  	_ =	swait.ge [sflag:s17], $0x2000  }
0x1c: {  	[sflag:s17] =	ssyncset.done $0x0  }
0x1d: {  	[sflag:s17] =	ssyncadd.s32 $0xFFFFE000  }
0x1e: {  	[spmem:s7] =	stream.linear.scatter [tilespmem:s16], [sflag:$0x2], $0x2000, $0x38;
	[tilespmem:$0x16000] =	vst v63  }
0x1f: {  	_ =	swait.ge [sflag:s17], $0x2000  }
0x20: {  	[sflag:s17] =	ssyncset.done $0x0  }
0x21: {  	[sflag:s17] =	ssyncadd.s32 $0xFFFFE000  }
0x22: {  	[spmem:s8] =	stream.linear.scatter [tilespmem:s16], [sflag:$0x2], $0x2000, $0x38;
	[tilespmem:$0x16000] =	vst v63  }
0x23: {  	_ =	swait.ge [sflag:s17], $0x2000  }
0x24: {  	[sflag:s17] =	ssyncset.done $0x0  }
0x25: {  	[sflag:s17] =	ssyncadd.s32 $0xFFFFE000  }
0x26: {  	[spmem:s9] =	stream.linear.scatter [tilespmem:s16], [sflag:$0x2], $0x2000, $0x38;
	[tilespmem:$0x16000] =	vst v63  }
0x27: {  	_ =	swait.ge [sflag:s17], $0x2000  }
0x28: {  	[sflag:s17] =	ssyncset.done $0x0  }
0x29: {  	[sflag:s17] =	ssyncadd.s32 $0xFFFFE000  }
0x2a: {  	[spmem:s10] =	stream.linear.scatter [tilespmem:s16], [sflag:$0x2], $0x2000, $0x38;
	[tilespmem:$0x16000] =	vst v63  }
0x2b: {  	_ =	swait.ge [sflag:s17], $0x2000  }
0x2c: {  	[sflag:s17] =	ssyncset.done $0x0  }
0x2d: {  	[sflag:s17] =	ssyncadd.s32 $0xFFFFE000  }
0x2e: {  	s21 =	simm.s32 $0x0;
	[bflag:$0x0] =	sbarrier.arrive $0xFFFF  }
0x2f: {  	[tilespmem:s18], [sflag:$0x2] =	stream.linear.gather [hbm4b:s5+s21], $0x2800, $0x38;
	[tilespmem:$0x16000] =	vst v63  }
0x30: {  	_ =	swait.ge [sflag:s17], $0x2800  }
0x31: {  	[sflag:s17] =	ssyncset.done $0x0  }
0x32: {  	[sflag:s17] =	ssyncadd.s32 $0xFFFFD800  }
0x33: {  	[tilespmem:s21], [sflag:$0x2] =	stream.linear.gather [hbm4b:s11+s21], $0x2800, $0x38;
	[tilespmem:$0x16000] =	vst v63  }
0x34: {  	_ =	swait.ge [sflag:s17], $0x2800  }
0x35: {  	[sflag:s17] =	ssyncset.done $0x0  }
0x36: {  	s22 =	simm.s32 $0x2800;
	[sflag:s17] =	ssyncadd.s32 $0xFFFFD800  }
0x37: {  	[tilespmem:s22], [sflag:$0x2] =	stream.linear.gather [hbm4b:s12+s21], $0x2800, $0x38;
	[tilespmem:$0x16000] =	vst v63  }
0x38: {  	_ =	swait.ge [sflag:s17], $0x2800  }
0x39: {  	[sflag:s17] =	ssyncset.done $0x0  }
0x3a: {  	s23 =	simm.s32 $0x5000;
	[sflag:s17] =	ssyncadd.s32 $0xFFFFD800  }
0x3b: {  	[tilespmem:s23], [sflag:$0x2] =	stream.linear.gather [hbm4b:s13+s21], $0x2800, $0x38;
	[tilespmem:$0x16000] =	vst v63  }
0x3c: {  	_ =	swait.ge [sflag:s17], $0x2800  }
0x3d: {  	[sflag:s17] =	ssyncset.done $0x0  }
0x3e: {  	s24 =	simm.s32 $0x0;
	[sflag:s17] =	ssyncadd.s32 $0xFFFFD800  }
.LBB2_4:
0x3f: {  	s25 =	sshll.u32 s24, $0x7  }
0x40: {  	v1 =	vmov s21;
	[tilespmem:s16], [sflag:$0x1] =	stream.indirect.gather [hbm4b:s1+s19], $0x40, s25, s19, $0xb8;
	[tilespmem:$0x16000] =	vst v63  }
0x41: {  	_ =	swait.ge [sflag:s20], $0x2000  }
0x42: {  	v2 =	vmov s22;
	[sflag:s20] =	ssyncset.done $0x0  }
0x43: {  	s26 =	simm.s32 $0xA200;
	v3 =	vmov s23;
	s28 =	simm.s32 $0x0;
	[sflag:s20] =	ssyncadd.s32 $0xFFFFE000  }
.LBB2_5:
0x44: {  	s29 =	sshra.s32 s28, $0x2  }
0x45: {  	v4 =	vld.idx.msk [tilespmem:v1+s29+$0x0 ss:$0x1], $0xffff;
	_ =	sdelay $0x1  }
0x46: {  	v5 =	vld.idx.msk [tilespmem:v2+s29+$0x0 ss:$0x1], $0xffff;
	_ =	sdelay $0x4  }
0x47: {  	v6 =	vld.idx.msk [tilespmem:v3+s29+$0x0 ss:$0x1], $0xffff  }
0x48: {  	v4 =	vld.idx.msk [tilespmem:v4+s18+$0x0], $0xffff;
	_ =	sdelay $0x1  }
0x49: {  	v5 =	vld.idx.msk [tilespmem:v5+s18+$0x0], $0xffff;
	_ =	sdelay $0x2  }
0x4a: {  	v4 =	vmul.f32 v4, v6  }
0x4b: {  	v46 =	vld [tilespmem:s26+$0xFFFFFE00]  }
0x4c: {  	v4 =	vmul.f32 v5, v4  }
0x4d: {  	v47 =	vld [tilespmem:s26+$0xFFFFFE10]  }
0x4e: {  	v48 =	vld [tilespmem:s26+$0xFFFFFE20];
	v5 =	vbroadcast v4, $0x0  }
0x4f: {  	v49 =	vld [tilespmem:s26+$0xFFFFFE30]  }
0x50: {  	v6 =	vmul.f32 v5, v46;
	_ =	sdelay $0x1  }
0x51: {  	[tilespmem:s26+$0xFFFFFE00] =	vst v6;
	v6 =	vmul.f32 v47, v5;
	_ =	sdelay $0x1  }
0x52: {  	[tilespmem:s26+$0xFFFFFE10] =	vst v6;
	v6 =	vmul.f32 v48, v5;
	v5 =	vmul.f32 v49, v5;
	_ =	sdelay $0x1  }
0x53: {  	[tilespmem:s26+$0xFFFFFE30] =	vst v5;
	v5 =	vld [tilespmem:s26+$0xFFFFFE40];
	_ =	sdelay $0x2  }
0x54: {  	v50 =	vbroadcast v4, $0x1;
	_ =	sdelay $0x1  }
0x55: {  	v5 =	vmul.f32 v5, v50;
	_ =	sdelay $0x1  }
0x56: {  	[tilespmem:s26+$0xFFFFFE40] =	vst v5;
	v5 =	vld [tilespmem:s26+$0xFFFFFE50];
	_ =	sdelay $0x4  }
0x57: {  	v5 =	vmul.f32 v5, v50;
	_ =	sdelay $0x1  }
0x58: {  	[tilespmem:s26+$0xFFFFFE50] =	vst v5;
	v5 =	vld [tilespmem:s26+$0xFFFFFE60];
	_ =	sdelay $0x4  }
0x59: {  	v5 =	vmul.f32 v5, v50;
	_ =	sdelay $0x1  }
0x5a: {  	[tilespmem:s26+$0xFFFFFE60] =	vst v5;
	v5 =	vld [tilespmem:s26+$0xFFFFFE70];
	_ =	sdelay $0x4  }
0x5b: {  	v5 =	vmul.f32 v5, v50;
	_ =	sdelay $0x1  }
0x5c: {  	[tilespmem:s26+$0xFFFFFE70] =	vst v5;
	v5 =	vld [tilespmem:s26+$0xFFFFFE80];
	_ =	sdelay $0x2  }
0x5d: {  	v51 =	vbroadcast v4, $0x2;
	_ =	sdelay $0x1  }
0x5e: {  	v5 =	vmul.f32 v5, v51;
	_ =	sdelay $0x1  }
0x5f: {  	[tilespmem:s26+$0xFFFFFE80] =	vst v5;
	v5 =	vld [tilespmem:s26+$0xFFFFFE90];
	_ =	sdelay $0x4  }
0x60: {  	v5 =	vmul.f32 v5, v51;
	_ =	sdelay $0x1  }
0x61: {  	[tilespmem:s26+$0xFFFFFE90] =	vst v5;
	v5 =	vld [tilespmem:s26+$0xFFFFFEA0];
	_ =	sdelay $0x4  }
0x62: {  	v5 =	vmul.f32 v5, v51;
	_ =	sdelay $0x1  }
0x63: {  	[tilespmem:s26+$0xFFFFFEA0] =	vst v5;
	v5 =	vld [tilespmem:s26+$0xFFFFFEB0];
	_ =	sdelay $0x4  }
0x64: {  	v5 =	vmul.f32 v5, v51;
	_ =	sdelay $0x1  }
0x65: {  	[tilespmem:s26+$0xFFFFFEB0] =	vst v5;
	v5 =	vld [tilespmem:s26+$0xFFFFFEC0];
	_ =	sdelay $0x2  }
0x66: {  	v52 =	vbroadcast v4, $0x3;
	_ =	sdelay $0x1  }
0x67: {  	v5 =	vmul.f32 v5, v52;
	_ =	sdelay $0x1  }
0x68: {  	[tilespmem:s26+$0xFFFFFEC0] =	vst v5;
	v5 =	vld [tilespmem:s26+$0xFFFFFED0];
	_ =	sdelay $0x4  }
0x69: {  	v5 =	vmul.f32 v5, v52;
	_ =	sdelay $0x1  }
0x6a: {  	[tilespmem:s26+$0xFFFFFED0] =	vst v5;
	v5 =	vld [tilespmem:s26+$0xFFFFFEE0];
	_ =	sdelay $0x4  }
0x6b: {  	v5 =	vmul.f32 v5, v52;
	_ =	sdelay $0x1  }
0x6c: {  	[tilespmem:s26+$0xFFFFFEE0] =	vst v5;
	v5 =	vld [tilespmem:s26+$0xFFFFFEF0];
	_ =	sdelay $0x4  }
0x6d: {  	v5 =	vmul.f32 v5, v52;
	_ =	sdelay $0x1  }
0x6e: {  	[tilespmem:s26+$0xFFFFFEF0] =	vst v5;
	v5 =	vld [tilespmem:s26+$0xFFFFFF00];
	_ =	sdelay $0x2  }
0x6f: {  	v53 =	vbroadcast v4, $0x4;
	_ =	sdelay $0x1  }
0x70: {  	v5 =	vmul.f32 v5, v53;
	_ =	sdelay $0x1  }
0x71: {  	[tilespmem:s26+$0xFFFFFF00] =	vst v5;
	v5 =	vld [tilespmem:s26+$0xFFFFFF10];
	_ =	sdelay $0x4  }
0x72: {  	v5 =	vmul.f32 v5, v53;
	_ =	sdelay $0x1  }
0x73: {  	[tilespmem:s26+$0xFFFFFF10] =	vst v5;
	v5 =	vld [tilespmem:s26+$0xFFFFFF20];
	_ =	sdelay $0x4  }
0x74: {  	v5 =	vmul.f32 v5, v53;
	_ =	sdelay $0x1  }
0x75: {  	[tilespmem:s26+$0xFFFFFF20] =	vst v5;
	v5 =	vld [tilespmem:s26+$0xFFFFFF30];
	_ =	sdelay $0x4  }
0x76: {  	v5 =	vmul.f32 v5, v53;
	_ =	sdelay $0x1  }
0x77: {  	[tilespmem:s26+$0xFFFFFF30] =	vst v5;
	v5 =	vld [tilespmem:s26+$0xFFFFFF40];
	_ =	sdelay $0x2  }
0x78: {  	v54 =	vbroadcast v4, $0x5;
	_ =	sdelay $0x1  }
0x79: {  	v5 =	vmul.f32 v5, v54;
	_ =	sdelay $0x1  }
0x7a: {  	[tilespmem:s26+$0xFFFFFF40] =	vst v5;
	v5 =	vld [tilespmem:s26+$0xFFFFFF50];
	_ =	sdelay $0x4  }
0x7b: {  	v5 =	vmul.f32 v5, v54;
	_ =	sdelay $0x1  }
0x7c: {  	[tilespmem:s26+$0xFFFFFF50] =	vst v5;
	v5 =	vld [tilespmem:s26+$0xFFFFFF60];
	_ =	sdelay $0x4  }
0x7d: {  	v5 =	vmul.f32 v5, v54;
	_ =	sdelay $0x1  }
0x7e: {  	[tilespmem:s26+$0xFFFFFF60] =	vst v5;
	v5 =	vld [tilespmem:s26+$0xFFFFFF70];
	_ =	sdelay $0x4  }
0x7f: {  	v5 =	vmul.f32 v5, v54;
	_ =	sdelay $0x1  }
0x80: {  	[tilespmem:s26+$0xFFFFFF70] =	vst v5;
	v5 =	vld [tilespmem:s26+$0xFFFFFF80];
	_ =	sdelay $0x2  }
0x81: {  	v55 =	vbroadcast v4, $0x6;
	_ =	sdelay $0x1  }
0x82: {  	v5 =	vmul.f32 v5, v55;
	_ =	sdelay $0x1  }
0x83: {  	[tilespmem:s26+$0xFFFFFF80] =	vst v5;
	v5 =	vld [tilespmem:s26+$0xFFFFFF90];
	_ =	sdelay $0x4  }
0x84: {  	v5 =	vmul.f32 v5, v55;
	_ =	sdelay $0x1  }
0x85: {  	[tilespmem:s26+$0xFFFFFF90] =	vst v5;
	v5 =	vld [tilespmem:s26+$0xFFFFFFA0];
	_ =	sdelay $0x4  }
0x86: {  	v5 =	vmul.f32 v5, v55;
	_ =	sdelay $0x1  }
0x87: {  	[tilespmem:s26+$0xFFFFFFA0] =	vst v5;
	v5 =	vld [tilespmem:s26+$0xFFFFFFB0];
	_ =	sdelay $0x4  }
0x88: {  	v5 =	vmul.f32 v5, v55;
	_ =	sdelay $0x1  }
0x89: {  	[tilespmem:s26+$0xFFFFFFB0] =	vst v5;
	v5 =	vld [tilespmem:s26+$0xFFFFFFC0];
	_ =	sdelay $0x2  }
0x8a: {  	v56 =	vbroadcast v4, $0x7;
	_ =	sdelay $0x1  }
0x8b: {  	v5 =	vmul.f32 v5, v56;
	_ =	sdelay $0x1  }
0x8c: {  	[tilespmem:s26+$0xFFFFFFC0] =	vst v5;
	v5 =	vld [tilespmem:s26+$0xFFFFFFD0];
	_ =	sdelay $0x4  }
0x8d: {  	v5 =	vmul.f32 v5, v56;
	_ =	sdelay $0x1  }
0x8e: {  	[tilespmem:s26+$0xFFFFFFD0] =	vst v5;
	v5 =	vld [tilespmem:s26+$0xFFFFFFE0];
	_ =	sdelay $0x4  }
0x8f: {  	v5 =	vmul.f32 v5, v56;
	_ =	sdelay $0x1  }
0x90: {  	[tilespmem:s26+$0xFFFFFFE0] =	vst v5;
	v5 =	vld [tilespmem:s26+$0xFFFFFFF0];
	_ =	sdelay $0x4  }
0x91: {  	v5 =	vmul.f32 v5, v56;
	_ =	sdelay $0x1  }
0x92: {  	[tilespmem:s26+$0xFFFFFFF0] =	vst v5;
	v5 =	vld [tilespmem:s26+$0x0];
	_ =	sdelay $0x2  }
0x93: {  	v57 =	vbroadcast v4, $0x8;
	_ =	sdelay $0x1  }
0x94: {  	v5 =	vmul.f32 v5, v57;
	_ =	sdelay $0x1  }
0x95: {  	[tilespmem:s26+$0x0] =	vst v5;
	v5 =	vld [tilespmem:s26+$0x10];
	_ =	sdelay $0x4  }
0x96: {  	v5 =	vmul.f32 v5, v57;
	_ =	sdelay $0x1  }
0x97: {  	[tilespmem:s26+$0x10] =	vst v5;
	v5 =	vld [tilespmem:s26+$0x20];
	_ =	sdelay $0x4  }
0x98: {  	v5 =	vmul.f32 v5, v57;
	_ =	sdelay $0x1  }
0x99: {  	[tilespmem:s26+$0x20] =	vst v5;
	v5 =	vld [tilespmem:s26+$0x30];
	_ =	sdelay $0x4  }
0x9a: {  	v5 =	vmul.f32 v5, v57;
	_ =	sdelay $0x1  }
0x9b: {  	[tilespmem:s26+$0x30] =	vst v5;
	v5 =	vld [tilespmem:s26+$0x40];
	_ =	sdelay $0x2  }
0x9c: {  	v58 =	vbroadcast v4, $0x9;
	_ =	sdelay $0x1  }
0x9d: {  	v5 =	vmul.f32 v5, v58;
	_ =	sdelay $0x1  }
0x9e: {  	[tilespmem:s26+$0x40] =	vst v5;
	v5 =	vld [tilespmem:s26+$0x50];
	_ =	sdelay $0x4  }
0x9f: {  	v5 =	vmul.f32 v5, v58;
	_ =	sdelay $0x1  }
0xa0: {  	[tilespmem:s26+$0x50] =	vst v5;
	v5 =	vld [tilespmem:s26+$0x60];
	_ =	sdelay $0x4  }
0xa1: {  	v5 =	vmul.f32 v5, v58;
	_ =	sdelay $0x1  }
0xa2: {  	[tilespmem:s26+$0x60] =	vst v5;
	v5 =	vld [tilespmem:s26+$0x70];
	_ =	sdelay $0x4  }
0xa3: {  	v5 =	vmul.f32 v5, v58;
	_ =	sdelay $0x1  }
0xa4: {  	[tilespmem:s26+$0x70] =	vst v5;
	v5 =	vld [tilespmem:s26+$0x80];
	_ =	sdelay $0x2  }
0xa5: {  	v59 =	vbroadcast v4, $0xA;
	_ =	sdelay $0x1  }
0xa6: {  	v5 =	vmul.f32 v5, v59;
	_ =	sdelay $0x1  }
0xa7: {  	[tilespmem:s26+$0x80] =	vst v5;
	v5 =	vld [tilespmem:s26+$0x90];
	_ =	sdelay $0x4  }
0xa8: {  	v5 =	vmul.f32 v5, v59;
	_ =	sdelay $0x1  }
0xa9: {  	[tilespmem:s26+$0x90] =	vst v5;
	v5 =	vld [tilespmem:s26+$0xA0];
	_ =	sdelay $0x4  }
0xaa: {  	v5 =	vmul.f32 v5, v59;
	_ =	sdelay $0x1  }
0xab: {  	[tilespmem:s26+$0xA0] =	vst v5;
	v5 =	vld [tilespmem:s26+$0xB0];
	_ =	sdelay $0x4  }
0xac: {  	v5 =	vmul.f32 v5, v59;
	_ =	sdelay $0x1  }
0xad: {  	[tilespmem:s26+$0xB0] =	vst v5;
	v5 =	vld [tilespmem:s26+$0xC0];
	_ =	sdelay $0x2  }
0xae: {  	v60 =	vbroadcast v4, $0xB;
	_ =	sdelay $0x1  }
0xaf: {  	v5 =	vmul.f32 v5, v60;
	_ =	sdelay $0x1  }
0xb0: {  	[tilespmem:s26+$0xC0] =	vst v5;
	v5 =	vld [tilespmem:s26+$0xD0];
	_ =	sdelay $0x4  }
0xb1: {  	v5 =	vmul.f32 v5, v60;
	_ =	sdelay $0x1  }
0xb2: {  	[tilespmem:s26+$0xD0] =	vst v5;
	v5 =	vld [tilespmem:s26+$0xE0];
	_ =	sdelay $0x4  }
0xb3: {  	v5 =	vmul.f32 v5, v60;
	_ =	sdelay $0x1  }
0xb4: {  	[tilespmem:s26+$0xE0] =	vst v5;
	v5 =	vld [tilespmem:s26+$0xF0];
	_ =	sdelay $0x4  }
0xb5: {  	v5 =	vmul.f32 v5, v60;
	_ =	sdelay $0x1  }
0xb6: {  	[tilespmem:s26+$0xF0] =	vst v5;
	v5 =	vld [tilespmem:s26+$0x100];
	_ =	sdelay $0x2  }
0xb7: {  	v61 =	vbroadcast v4, $0xC;
	_ =	sdelay $0x1  }
0xb8: {  	v5 =	vmul.f32 v5, v61;
	_ =	sdelay $0x1  }
0xb9: {  	[tilespmem:s26+$0x100] =	vst v5;
	v5 =	vld [tilespmem:s26+$0x110];
	_ =	sdelay $0x4  }
0xba: {  	v5 =	vmul.f32 v5, v61;
	_ =	sdelay $0x1  }
0xbb: {  	[tilespmem:s26+$0x110] =	vst v5;
	v5 =	vld [tilespmem:s26+$0x120];
	_ =	sdelay $0x4  }
0xbc: {  	v5 =	vmul.f32 v5, v61;
	_ =	sdelay $0x1  }
0xbd: {  	[tilespmem:s26+$0x120] =	vst v5;
	v5 =	vld [tilespmem:s26+$0x130];
	_ =	sdelay $0x4  }
0xbe: {  	v5 =	vmul.f32 v5, v61;
	_ =	sdelay $0x1  }
0xbf: {  	[tilespmem:s26+$0x130] =	vst v5;
	v5 =	vld [tilespmem:s26+$0x140];
	_ =	sdelay $0x2  }
0xc0: {  	v62 =	vbroadcast v4, $0xD;
	_ =	sdelay $0x1  }
0xc1: {  	v5 =	vmul.f32 v5, v62;
	_ =	sdelay $0x1  }
0xc2: {  	[tilespmem:s26+$0x140] =	vst v5;
	v5 =	vld [tilespmem:s26+$0x150];
	_ =	sdelay $0x4  }
0xc3: {  	v5 =	vmul.f32 v5, v62;
	_ =	sdelay $0x1  }
0xc4: {  	[tilespmem:s26+$0x150] =	vst v5;
	v5 =	vld [tilespmem:s26+$0x160];
	_ =	sdelay $0x4  }
0xc5: {  	v5 =	vmul.f32 v5, v62;
	_ =	sdelay $0x1  }
0xc6: {  	[tilespmem:s26+$0x160] =	vst v5;
	v5 =	vld [tilespmem:s26+$0x170];
	_ =	sdelay $0x4  }
0xc7: {  	v5 =	vmul.f32 v5, v62;
	_ =	sdelay $0x1  }
0xc8: {  	[tilespmem:s26+$0x170] =	vst v5;
	v5 =	vld [tilespmem:s26+$0x180];
	_ =	sdelay $0x2  }
0xc9: {  	v63 =	vbroadcast v4, $0xE;
	_ =	sdelay $0x1  }
0xca: {  	v5 =	vmul.f32 v5, v63;
	_ =	sdelay $0x1  }
0xcb: {  	[tilespmem:s26+$0x180] =	vst v5;
	v5 =	vld [tilespmem:s26+$0x190];
	_ =	sdelay $0x4  }
0xcc: {  	v5 =	vmul.f32 v5, v63;
	_ =	sdelay $0x1  }
0xcd: {  	[tilespmem:s26+$0x190] =	vst v5;
	v5 =	vld [tilespmem:s26+$0x1A0];
	_ =	sdelay $0x4  }
0xce: {  	v5 =	vmul.f32 v5, v63;
	_ =	sdelay $0x1  }
0xcf: {  	[tilespmem:s26+$0x1A0] =	vst v5;
	v5 =	vld [tilespmem:s26+$0x1B0];
	_ =	sdelay $0x4  }
0xd0: {  	v5 =	vmul.f32 v5, v63;
	_ =	sdelay $0x1  }
0xd1: {  	[tilespmem:s26+$0x1B0] =	vst v5;
	v5 =	vld [tilespmem:s26+$0x1C0];
	_ =	sdelay $0x2  }
0xd2: {  	v4 =	vbroadcast v4, $0xF;
	_ =	sdelay $0x1  }
0xd3: {  	v5 =	vmul.f32 v5, v4;
	_ =	sdelay $0x1  }
0xd4: {  	[tilespmem:s26+$0x1C0] =	vst v5;
	v5 =	vld [tilespmem:s26+$0x1D0];
	_ =	sdelay $0x4  }
0xd5: {  	v5 =	vmul.f32 v5, v4;
	_ =	sdelay $0x1  }
0xd6: {  	[tilespmem:s26+$0x1D0] =	vst v5;
	v5 =	vld [tilespmem:s26+$0x1E0];
	_ =	sdelay $0x4  }
0xd7: {  	v5 =	vmul.f32 v5, v4;
	_ =	sdelay $0x1  }
0xd8: {  	[tilespmem:s26+$0x1E0] =	vst v5;
	v5 =	vld [tilespmem:s26+$0x1F0];
	_ =	sdelay $0x1  }
0xd9: {  	p0 =	sne.s32 s28, $0x1C0  }
.Ltmp1:
0xda: {  	_ = 	snop;
	(pc) =	sbr.rel @p0 .LBB2_5-.Ltmp1, $4  }
0xdb: {  	_ = 	snop  }
0xdc: {  	v4 =	vmul.f32 v5, v4  }
0xdd: {  	[tilespmem:s26+$0xFFFFFE20] =	vst v6  }
0xde: {  	s28 =	sadd.s32 $0x40, s28;
	[tilespmem:s26+$0x1F0] =	vst v4;
	s26 =	sadd.s32 $0x400, s26  }
0xdf: {  	s24 =	sadd.s32 $0x1, s24  }
0xe0: {  	p0 =	sne.s32 s24, $0x50  }
.Ltmp2:
0xe1: {  	s25 =	sadd.s32 $0x2800, s25;
	(pc) =	sbr.rel @p0 .LBB2_4-.Ltmp2, $4  }
0xe2: {  	[spmem:s3] =	stream.indirect.scatter.add.f32 [tilespmem:s16], [sflag:$0x2], $0x40, s25, s19, $0xb8;
	[tilespmem:$0x16000] =	vst v63  }
0xe3: {  	_ =	swait.ge [sflag:s17], $0x2000  }
0xe4: {  	s21 =	sadd.s32 $0x80, s21;
	[sflag:s17] =	ssyncset.done $0x0  }
0xe5: {  	s22 =	sadd.s32 $0x80, s22;
	s23 =	sadd.s32 $0x80, s23;
	[sflag:s17] =	ssyncadd.s32 $0xFFFFE000  }
0xe6: {  	s4 =	sadd.s32 $0x1, s4  }
0xe7: {  	s21 =	sshll.u32 s0, $0x6;
	[bflag:$0x0] =	sbarrier.arrive $0xFFFF;
	p0 =	sne.s32 s4, s15  }
.Ltmp3:
0xe8: {  	s22 =	sshrl.u32 s6, $0x3;
	s21 =	sor.u32 $0x1C02, s21;
	(pc) =	sbr.rel @p0 .LBB2_1-.Ltmp3, $4  }
0xe9: {  	[hbm:s14], [sflag:s21] =	dma.local [spmem:s22], $0x1400  }
0xea: {  	_ =	swait.ge [sflag:s17], $0x1400  }
0xeb: {  	[sflag:s17] =	ssyncset.done $0x0  }
0xec: {  	[sflag:s17] =	ssyncadd.s32 $0xFFFFEC00  }
0xed: {  	_ =	sfence.sel $0x180000  }
0xee: {  	[bflag:$0x0] =	sbarrier.arrive $0xFFFF  }
0xef: {  	p0 =	sne.s32 s0, $0x0;
	_ =	strace $0x9000004D  }
0xf0: {  	s0 =	sadd.s32 @!p0 $0x100000, s2;
	[bflag:$0x2] =	sbarrier.arrive $0xFFFF  }
0xf1: {  	[sflag:s0] =	ssyncadd.tile.s32 @!p0 $0x1;
	_ =	shalt  }
.Lfunc_end2:
_tile_overlayer_lowered:
.L_overlay_start_2:
0xf2: {  	(tag) =	ssettag $0x2  }
0xf3: {  	s0 =	rddreg [dreg:$0x0];
	s2 =	stileid.u32  }
0xf4: {  	s1 =	rddreg [dreg:$0x1];
	p0 =	sne.s32 s2, $0x0  }
0xf5: {  	s3 =	rddreg [dreg:$0x2];
	[bflag:$0x3] =	sbarrier.arrive $0xFFFF;
	s2 =	simm.s32 @!p0 $0x1C02  }
0xf6: {  	[timem:s3], [sflag:s2] =	dma.local @!p0 [hbm:s0], s1  }
0xf7: {  	s0 =	simm.s32 @!p0 $0x2  }
0xf8: {  	_ =	swait.ge @!p0 [sflag:s0], s1  }
0xf9: {  	s1 =	ssub.s32 @!p0 $0x0, s1;
	[sflag:s0] =	ssyncset.done @!p0 $0x0  }
0xfa: {  	[sflag:s0] =	ssyncadd.s32 @!p0 s1  }
0xfb: {  	[bflag:$0x3] =	sbarrier.arrive $0xFFFF  }
0xfc: {  	_ =	shalt  }

// kernel: kernel.9.cloned.1.call-start
scs
__scs_entry_jumppad:
0x0: {  	(pc) =	sbr.rel $0x88, $3  }
0x1: {  	(tag) =	ssettag $0x0;
	lr =	simm.s32 $0x1  }
0x2: {  	[smem:$0x3F9A] =	sst lr;
	_ =	strace $0xD0000000  }
0x3: {  	_ = 	snop  }
0x4: {  	_ = 	snop  }
0x5: {  	_ = 	snop  }
0x6: {  	_ = 	snop  }
0x7: {  	_ = 	snop  }
__scs_overlays_trampoline_lowered:
0x8: {  	[smem:$0x3FA9] =	sst s0  }
0x9: {  	[smem:$0x3FAA] =	sst s1  }
0xa: {  	[smem:$0x3FAB] =	sst s2  }
0xb: {  	[smem:$0x3FAC] =	sst s3  }
0xc: {  	[smem:$0x3FAD] =	sst s4  }
0xd: {  	[smem:$0x3FAE] =	sst s5  }
0xe: {  	[smem:$0x3FAF] =	sst s6  }
0xf: {  	[smem:$0x3FB0] =	sst s7  }
0x10: {  	[smem:$0x3FB1] =	sst s8  }
0x11: {  	[smem:$0x3FB2] =	sst s9;
	s0 =	simm.s32 @!p0 $0x0  }
0x12: {  	s1 =	sld [smem:$0x3F98];
	s0 =	simm.s32 @p0 $0x1  }
0x13: {  	[smem:$0x3FB3] =	sst s0;
	s0 =	simm.s32 @!p1 $0x0  }
0x14: {  	s2 =	sld [smem:$0x3F97];
	s0 =	simm.s32 @p1 $0x1  }
0x15: {  	[smem:$0x3FB4] =	sst s0;
	s0 =	simm.s32 @!p2 $0x0  }
0x16: {  	s3 =	sld [smem:$0x3FDB];
	s0 =	simm.s32 @p2 $0x1  }
0x17: {  	s4 =	simm.s32 $0x1BF5;
	[smem:$0x3FB6] =	sst s0  }
0x18: {  	s0 =	sld [smem:$0x3F99];
	_ =	swait.ge [sflag:s4], $0x0  }
0x19: {  	s7 =	sld [smem:$0x3F9A]  }
0x1a: {  	s8 =	sadd.s32 $0xFFFFE003, lr  }
0x1b: {  	s9 =	sadd.s32 $0xFFFFFEF7, lr;
	s5 =	simm.s32 $0xFFFFFFFF;
	p2 =	slt.u32 s8, $0xFFFFF086  }
0x1c: {  	p1 =	slt.u32 s9, $0xF7A;
	s5 =	simm.s32 @!p2 $0x0  }
0x1d: {  	s5 =	simm.s32 @p1 $0x1;
	p0 =	seq.s32 s7, s2  }
0x1e: {  	s7 =	smul.u32 @!p0 $0xF7A, s2;
	p2 =	seq.s32 @!p0 s5, $0x0  }
0x1f: {  	s9 =	smul.u32 $0xF7A, s1;
	s8 =	simm.s32 @!p0 $0x1BF5;
	p2 =	por !p2, p0  }
0x20: {  	[sflag:s8] =	ssyncset.s32 @!p0 $0xFFFFF086;
	s6 =	sadd.s32 @!p0 s3, s7;
	s7 =	simm.s32 @!p0 $0x108  }
0x21: {  	s3 =	sadd.s32 s3, s9;
	s6 =	sadd.s32 @!p0 $0x88, s6;
	s7 =	simm.s32 @p2 $0x1082  }
0x22: {  	[simem:s7], [sflag:s8] =	dma.local @!p0 [hbm:s6], $0xF7A  }
0x23: {  	s9 =	sor.u32 $0xD0000000, s2;
	s6 =	simm.s32 $0x108;
	_ =	swait.ge @!p0 [sflag:s8], $0x0  }
0x24: {  	s3 =	sadd.s32 $0x88, s3;
	s6 =	simm.s32 @!p1 $0x1082;
	[sflag:s4] =	ssyncset.s32 $0xFFFFF086  }
0x25: {  	[simem:s6], [sflag:s4] =	dma.local [hbm:s3], $0xF7A  }
0x26: {  	[smem:$0x3F9A] =	sst s1;
	(tag) =	ssettag s2;
	_ =	strace s9  }
0x27: {  	s1 =	sld [smem:$0x3FAA]  }
0x28: {  	s2 =	sld [smem:$0x3FAB]  }
0x29: {  	s4 =	sld [smem:$0x3FAD]  }
0x2a: {  	p0 =	seq.s32 s5, $0x0;
	s5 =	sld [smem:$0x3FAE]  }
0x2b: {  	s6 =	sld [smem:$0x3FAF]  }
0x2c: {  	s7 =	sld [smem:$0x3FB0]  }
0x2d: {  	s3 =	simm.s32 $0x108;
	s8 =	sld [smem:$0x3FB1]  }
0x2e: {  	s3 =	simm.s32 @!p0 $0x1082;
	s9 =	sld [smem:$0x3FB2]  }
0x2f: {  	lr =	sadd.s32 s0, s3;
	s0 =	sld [smem:$0x3FA9]  }
0x30: {  	s3 =	sld [smem:$0x3FAC]  }
0x31: {  	[smem:$0x3FB5] =	sst s10  }
0x32: {  	s10 =	sld [smem:$0x3FB3];
	_ =	sdelay $0x3  }
0x33: {  	p0 =	seq.s32 s10, $0x1;
	s10 =	sld [smem:$0x3FB5];
	_ =	sdelay $0x3  }
0x34: {  	[smem:$0x3FB5] =	sst s10  }
0x35: {  	s10 =	sld [smem:$0x3FB4];
	_ =	sdelay $0x3  }
0x36: {  	p1 =	seq.s32 s10, $0x1;
	s10 =	sld [smem:$0x3FB5];
	_ =	sdelay $0x3  }
0x37: {  	[smem:$0x3FB5] =	sst s10  }
0x38: {  	s10 =	sld [smem:$0x3FB6]  }
0x39: {  	_ = 	snop;
	(pc) =	sbr.ind lr, $3  }
0x3a: {  	_ = 	snop  }
0x3b: {  	_ = 	snop  }
0x3c: {  	p2 =	seq.s32 s10, $0x1;
	s10 =	sld [smem:$0x3FB5]  }
0x3d: {  	_ =	shalt  }
0x3e: {  	_ =	shalt  }
0x3f: {  	_ =	shalt  }
0x40: {  	_ =	shalt  }
0x41: {  	_ =	shalt  }
0x42: {  	_ =	shalt  }
0x43: {  	_ =	shalt  }
0x44: {  	_ =	shalt  }
0x45: {  	_ =	shalt  }
0x46: {  	_ =	shalt  }
0x47: {  	_ =	shalt  }
0x48: {  	_ =	shalt  }
0x49: {  	_ =	shalt  }
0x4a: {  	_ =	shalt  }
0x4b: {  	_ =	shalt  }
0x4c: {  	_ =	shalt  }
0x4d: {  	_ =	shalt  }
0x4e: {  	_ =	shalt  }
0x4f: {  	_ =	shalt  }
0x50: {  	_ =	shalt  }
0x51: {  	_ =	shalt  }
0x52: {  	_ =	shalt  }
0x53: {  	_ =	shalt  }
0x54: {  	_ =	shalt  }
0x55: {  	_ =	shalt  }
0x56: {  	_ =	shalt  }
0x57: {  	_ =	shalt  }
0x58: {  	_ =	shalt  }
0x59: {  	_ =	shalt  }
0x5a: {  	_ =	shalt  }
0x5b: {  	_ =	shalt  }
0x5c: {  	_ =	shalt  }
0x5d: {  	_ =	shalt  }
0x5e: {  	_ =	shalt  }
0x5f: {  	_ =	shalt  }
0x60: {  	_ =	shalt  }
0x61: {  	_ =	shalt  }
0x62: {  	_ =	shalt  }
0x63: {  	_ =	shalt  }
0x64: {  	_ =	shalt  }
0x65: {  	_ =	shalt  }
0x66: {  	_ =	shalt  }
0x67: {  	_ =	shalt  }
0x68: {  	_ =	shalt  }
0x69: {  	_ =	shalt  }
0x6a: {  	_ =	shalt  }
0x6b: {  	_ =	shalt  }
0x6c: {  	_ =	shalt  }
0x6d: {  	_ =	shalt  }
0x6e: {  	_ =	shalt  }
0x6f: {  	_ =	shalt  }
0x70: {  	_ =	shalt  }
0x71: {  	_ =	shalt  }
0x72: {  	_ =	shalt  }
0x73: {  	_ =	shalt  }
0x74: {  	_ =	shalt  }
0x75: {  	_ =	shalt  }
0x76: {  	_ =	shalt  }
0x77: {  	_ =	shalt  }
0x78: {  	_ =	shalt  }
0x79: {  	_ =	shalt  }
0x7a: {  	_ =	shalt  }
0x7b: {  	_ =	shalt  }
0x7c: {  	_ =	shalt  }
0x7d: {  	_ =	shalt  }
0x7e: {  	_ =	shalt  }
0x7f: {  	_ =	shalt  }
0x80: {  	_ =	shalt  }
0x81: {  	_ =	shalt  }
0x82: {  	_ =	shalt  }
0x83: {  	_ =	shalt  }
0x84: {  	_ =	shalt  }
0x85: {  	_ =	shalt  }
0x86: {  	_ =	shalt  }
0x87: {  	_ =	shalt  }
.Lfunc_end0:
.L_simem_size_0:
called_computation_lowered:
.L_overlay_start_0:
0x88: {  	s2 =	sld [smem:$0x3FD9]  }
0x89: {  	s3 =	sld [smem:$0x3FFE];
	_ =	sdelay $0x1  }
0x8a: {  	s1 =	srdreg.scid  }
0x8b: {  	s0 =	sand.u32 $0x1, s1  }
0x8c: {  	s16 =	sshll.u32 s0, $0xA;
	s2 =	sadd.s32 s3, s2  }
0x8d: {  	s2 =	sadd.s32 s2, s16  }
0x8e: {  	[smem:$0x3FC1] =	sst s2  }
0x8f: {  	_ = 	snop  }
0x90: {  	(tm) =	ssettm $0x1  }
0x91: {  	s17 =	sld [smem:$0x3FFB];
	_ =	sdelay $0x3  }
0x92: {  	_ =	strace s17  }
0x93: {  	s2 =	sld [smem:$0x3FFC];
	_ =	sdelay $0x3  }
0x94: {  	_ =	strace s2  }
0x95: {  	s2 =	sld [smem:$0x3FFD];
	_ =	sdelay $0x3  }
0x96: {  	_ =	strace s2  }
0x97: {  	_ =	strace $0x8FFFFFFF  }
0x98: {  	s18 =	sld [smem:$0x3FDB];
	_ =	sdelay $0x1  }
0x99: {  	s19 =	simm.s32 $_scs_section_size  }
0x9a: {  	s4 =	simm.s32 $_size__tile_overlayer_lowered;
	s5 =	simm.s32 $_tile_overlayer_lowered  }
0x9b: {  	s22 =	simm.s32 $0x1BFF;
	s21 =	sshll.u32 s5, $0x1;
	s2 =	sadd.s32 s19, s18  }
0x9c: {  	s6 =	simm.s32 $0x0;
	s20 =	sshll.u32 s4, $0x1;
	s4 =	sadd.s32 s21, s2  }
0x9d: {  	[timem:s6], [sflag:s22] =	dma.local [hbm:s4], s20  }
0x9e: {  	_ =	swait.ge [sflag:s22], s20  }
0x9f: {  	s3 =	ssub.s32 $0x0, s20;
	[sflag:s22] =	ssyncset.done $0x0  }
0xa0: {  	[sflag:s22] =	ssyncadd.s32 s3;
	_ =	sdelay $0x1  }
0xa1: {  	s23 =	simm.s32 $0x1B8B  }
0xa2: {  	_ =	swait.ge [sflag:s23], $0x1  }
0xa3: {  	[sflag:s23] =	ssyncset.done $0x0  }
0xa4: {  	s25 =	simm.s32 $0x1B8E;
	s24 =	sld [smem:$0x3FFE];
	[sflag:s23] =	ssyncadd.s32 $0xFFFFFFFF  }
0xa5: {  	s26 =	simm.s32 $execute0_lowered;
	[smem:$0x3FD2] =	sst s25  }
0xa6: {  	s4 =	sshll.u32 s26, $0x1;
	_ =	strace $0x80000046;
	[dreg:$0x1] =	wrdreg $0xFFFFFFFF  }
0xa7: {  	s28 =	simm.s32 $_size_execute0_lowered;
	s2 =	sadd.s32 s2, s4;
	[dreg:$0x0] =	wrdreg $0x0  }
0xa8: {  	s4 =	sshll.u32 s28, $0x1;
	[dreg:$0x2] =	wrdreg s2  }
0xa9: {  	[dreg:$0x3] =	wrdreg s4  }
0xaa: {  	[dreg:$0x4] =	wrdreg $0xC0  }
0xab: {  	_ =	task [dreg:s6], $0x5FFFF  }
0xac: {  	[dreg:$0x1] =	wrdreg $0xFFFFFFFF  }
0xad: {  	[dreg:$0x0] =	wrdreg $0x60  }
0xae: {  	[dreg:$0x2] =	wrdreg s24  }
0xaf: {  	[dreg:$0x3] =	wrdreg $0xA2800  }
0xb0: {  	[dreg:$0x4] =	wrdreg $0x9  }
0xb1: {  	_ =	task.clear_ibuf [dreg:s6], $0x5FFFF;
	_ =	strace $0x90000046  }
0xb2: {  	s29 =	simm.s32 $0x9;
	_ =	strace $0x80000048  }
0xb3: {  	_ =	swait.ge [sflag:s29], $0x1  }
0xb4: {  	[sflag:s29] =	ssyncadd.s32 $0xFFFFFFFF  }
0xb5: {  	_ =	strace $0x90000048  }
0xb6: {  	_ =	sfence  }
0xb7: {  	s30 =	sld [smem:$0x0];
	_ =	sdelay $0x2  }
0xb8: {  	s31 =	sshll.u32 s1, $0xD;
	s1 =	sshrl.u32 s1, $0x2  }
0xb9: {  	s3 =	sand.u32 $0x4000, s31;
	s1 =	sadd.s32 s1, s30  }
0xba: {  	s0 =	sor.u32 s3, s0;
	s1 =	sshll.u32 s1, $0x11  }
0xbb: {  	s0 =	sor.u32 s1, s0  }
0xbc: {  	s0 =	sadd.s32 $0x8F2B, s0  }
0xbd: {  	[sflag:s0] =	ssyncadd.remote.s32 $0x1  }
0xbe: {  	_ =	sfence.sel $0xFFFF  }
0xbf: {  	[dreg:$0x0] =	wrdreg $0xFFFFFFFF;
	(pc) =	sbr.abs _section_cstart, $3  }
0xc0: {  	[dreg:$0x1] =	wrdreg $0xFFFFFFFF  }
0xc1: {  	_ =	task.clear_ibuf [dreg:s6], $0x2FFFF;
	_ =	strace $0x9FFFFFFF  }
0xc2: {  	(tm) =	ssettm $0x7FFFFFFF  }
0xc3: {  	_ =	shalt  }
tec
execute0_lowered:
.L_overlay_start_1:
0x0: {  	(tag) =	ssettag $0x1  }
0x1: {  	s4 =	rddreg [dreg:$0x0]  }
0x2: {  	s2 =	rddreg [dreg:$0x1]  }
0x3: {  	s0 =	rddreg [dreg:$0x2];
	s1 =	stileid.u32  }
0x4: {  	s3 =	simm.s32 $0x0;
	s6 =	srdreg.scid;
	s10 =	simm.s32 $0x1  }
0x5: {  	s12 =	simm.s32 $0x80;
	s15 =	simm.s32 $0x0;
	s5 =	smul.u32 $0x280, s1  }
0x6: {  	[smem:$0x7FF] =	sst s3;
	s7 =	smul.u32 $0xA00, s1;
	s11 =	sand.u32 $0x1, s6  }
0x7: {  	_ =	strace $0x80000047;
	s8 =	ssub.s32 $0x2, s11;
	p0 =	sne.s32 s11, $0x0  }
0x8: {  	s11 =	simm.s32 $0x5000;
	s30 =	sshrl.u32 s5, $0x3;
	s7 =	sadd.s32 s7, s4  }
0x9: {  	s31 =	sshrl.u32 s8, $0x1;
	s13 =	sshll.u32 @!p0 s1, $0x6;
	s9 =	sadd.s32 s30, s4  }
0xa: {  	s8 =	ssub.s32 s8, s31;
	s4 =	sadd.s32 s5, s2;
	s5 =	sadd.s32 $0x2000, s7  }
0xb: {  	s6 =	sadd.s32 $0xC000, s7;
	s13 =	sor.u32 @!p0 $0x1C01, s13;
	s7 =	sadd.s32 $0x16000, s9  }
0xc: {  	v0 =	vimm.f32 $1.000000000e+00;
	s8 =	smax.u32 s8, $0x1;
	s9 =	simm.s32 $0xA000;
	s14 =	sshrl.u32 @!p0 s4, $0x3  }
.LBB2_1:
0xd: {  	[tilespmem:$0xA000] =	vst v0  }
0xe: {  	[tilespmem:$0xA010] =	vst v0  }
0xf: {  	[tilespmem:$0xA020] =	vst v0  }
0x10: {  	[tilespmem:$0xA030] =	vst v0  }
0x11: {  	[tilespmem:$0xA040] =	vst v0  }
0x12: {  	[tilespmem:$0xA050] =	vst v0  }
0x13: {  	[tilespmem:$0xA060] =	vst v0  }
0x14: {  	[tilespmem:$0xA070] =	vst v0  }
0x15: {  	[tilespmem:$0xA080] =	vst v0  }
0x16: {  	[tilespmem:$0xA090] =	vst v0  }
0x17: {  	[tilespmem:$0xA0A0] =	vst v0  }
0x18: {  	[tilespmem:$0xA0B0] =	vst v0  }
0x19: {  	[tilespmem:$0xA0C0] =	vst v0  }
0x1a: {  	[tilespmem:$0xA0D0] =	vst v0  }
0x1b: {  	[tilespmem:$0xA0E0] =	vst v0  }
0x1c: {  	[tilespmem:$0xA0F0] =	vst v0  }
0x1d: {  	[tilespmem:$0xA100] =	vst v0  }
0x1e: {  	[tilespmem:$0xA110] =	vst v0  }
0x1f: {  	[tilespmem:$0xA120] =	vst v0  }
0x20: {  	[tilespmem:$0xA130] =	vst v0  }
0x21: {  	[tilespmem:$0xA140] =	vst v0  }
0x22: {  	[tilespmem:$0xA150] =	vst v0  }
0x23: {  	[tilespmem:$0xA160] =	vst v0  }
0x24: {  	[tilespmem:$0xA170] =	vst v0  }
0x25: {  	[tilespmem:$0xA180] =	vst v0  }
0x26: {  	[tilespmem:$0xA190] =	vst v0  }
0x27: {  	[tilespmem:$0xA1A0] =	vst v0  }
0x28: {  	[tilespmem:$0xA1B0] =	vst v0  }
0x29: {  	[tilespmem:$0xA1C0] =	vst v0  }
0x2a: {  	[tilespmem:$0xA1D0] =	vst v0  }
0x2b: {  	[tilespmem:$0xA1E0] =	vst v0  }
0x2c: {  	[tilespmem:$0xA1F0] =	vst v0  }
0x2d: {  	[tilespmem:$0xA200] =	vst v0  }
0x2e: {  	[tilespmem:$0xA210] =	vst v0  }
0x2f: {  	[tilespmem:$0xA220] =	vst v0  }
0x30: {  	[tilespmem:$0xA230] =	vst v0  }
0x31: {  	[tilespmem:$0xA240] =	vst v0  }
0x32: {  	[tilespmem:$0xA250] =	vst v0  }
0x33: {  	[tilespmem:$0xA260] =	vst v0  }
0x34: {  	[tilespmem:$0xA270] =	vst v0  }
0x35: {  	[spmem:s4] =	stream.linear.scatter [tilespmem:s9], [sflag:$0x1], $0x280, $0x38;
	[tilespmem:$0xA500] =	vst v63  }
0x36: {  	_ =	swait.ge [sflag:s10], $0x280  }
0x37: {  	[sflag:s10] =	ssyncset.done $0x0  }
0x38: {  	[sflag:s10] =	ssyncadd.s32 $0xFFFFFD80  }
0x39: {  	[bflag:$0x0] =	sbarrier.arrive $0xFFFF  }
0x3a: {  	[tilespmem:s3], [sflag:$0x1] =	stream.linear.gather [hbm4b:s5+s3], $0x5000, $0x38;
	[tilespmem:$0xA500] =	vst v63  }
0x3b: {  	_ =	swait.ge [sflag:s10], $0x5000  }
0x3c: {  	[sflag:s10] =	ssyncset.done $0x0  }
0x3d: {  	[sflag:s10] =	ssyncadd.s32 $0xFFFFB000  }
0x3e: {  	[tilespmem:s11], [sflag:$0x1] =	stream.linear.gather [hbm4b:s6+s3], $0x5000, $0x38;
	[tilespmem:$0xA500] =	vst v63  }
0x3f: {  	_ =	swait.ge [sflag:s10], $0x5000  }
0x40: {  	[sflag:s10] =	ssyncset.done $0x0  }
0x41: {  	s16 =	simm.s32 $0x0;
	s17 =	simm.s32 $0x5000;
	[sflag:s10] =	ssyncadd.s32 $0xFFFFB000  }
0x42: {  	[spmem:s2] =	stream.indirect.scatter.add.f32 [tilespmem:s17], [sflag:$0x1], $0x1, s16, s12, $0xb8;
	[tilespmem:$0xA500] =	vst v63  }
0x43: {  	s16 =	simm.s32 $0x200;
	_ =	swait.ge [sflag:s10], $0x80  }
.LBB2_2:
0x44: {  	s17 =	sshra.s32 s16, $0x2;
	[sflag:s10] =	ssyncset.done $0x0;
	p1 =	sne.s32 s16, $0x13E00  }
.Ltmp0:
0x45: {  	s18 =	sadd.s32 $0x5000, s17;
	[sflag:s10] =	ssyncadd.s32 $0xFFFFFF80;
	(pc) =	sbr.rel @p1 .LBB2_2-.Ltmp0, $3  }
0x46: {  	[spmem:s2] =	stream.indirect.scatter.add.f32 [tilespmem:s18], [sflag:$0x1], $0x1, s17, s12, $0xb8;
	[tilespmem:$0xA500] =	vst v63  }
0x47: {  	s16 =	sadd.s32 $0x200, s16;
	_ =	sdelay $0x1  }
0x48: {  	_ =	swait.ge [sflag:s10], $0x80  }
0x49: {  	[sflag:s10] =	ssyncset.done $0x0;
	s15 =	sadd.s32 $0x1, s15  }
0x4a: {  	[sflag:s10] =	ssyncadd.s32 $0xFFFFFF80;
	p1 =	sne.s32 s15, s8  }
.Ltmp1:
0x4b: {  	s16 =	simm.s32 @!p0 $0x1;
	[bflag:$0x0] =	sbarrier.arrive $0xFFFF;
	(pc) =	sbr.rel @p1 .LBB2_1-.Ltmp1, $4  }
0x4c: {  	[hbm:s7], [sflag:s13] =	dma.local @!p0 [spmem:s14], $0x50  }
0x4d: {  	_ =	swait.ge @!p0 [sflag:s16], $0x50  }
0x4e: {  	[sflag:s16] =	ssyncset.done @!p0 $0x0  }
0x4f: {  	[sflag:s16] =	ssyncadd.s32 @!p0 $0xFFFFFFB0  }
0x50: {  	_ =	sfence.sel $0x180000  }
0x51: {  	[bflag:$0x0] =	sbarrier.arrive $0xFFFF  }
0x52: {  	p0 =	sne.s32 s1, $0x0;
	_ =	strace $0x90000047  }
0x53: {  	s0 =	sadd.s32 @!p0 $0x100000, s0;
	[bflag:$0x2] =	sbarrier.arrive $0xFFFF  }
0x54: {  	[sflag:s0] =	ssyncadd.tile.s32 @!p0 $0x1;
	_ =	shalt  }
.Lfunc_end2:
_tile_overlayer_lowered:
.L_overlay_start_2:
0x55: {  	(tag) =	ssettag $0x2  }
0x56: {  	s0 =	rddreg [dreg:$0x0];
	s2 =	stileid.u32  }
0x57: {  	s1 =	rddreg [dreg:$0x1];
	p0 =	sne.s32 s2, $0x0  }
0x58: {  	s3 =	rddreg [dreg:$0x2];
	[bflag:$0x3] =	sbarrier.arrive $0xFFFF;
	s2 =	simm.s32 @!p0 $0x1C01  }
0x59: {  	[timem:s3], [sflag:s2] =	dma.local @!p0 [hbm:s0], s1  }
0x5a: {  	s0 =	simm.s32 @!p0 $0x1  }
0x5b: {  	_ =	swait.ge @!p0 [sflag:s0], s1  }
0x5c: {  	s1 =	ssub.s32 @!p0 $0x0, s1;
	[sflag:s0] =	ssyncset.done @!p0 $0x0  }
0x5d: {  	[sflag:s0] =	ssyncadd.s32 @!p0 s1  }
0x5e: {  	[bflag:$0x3] =	sbarrier.arrive $0xFFFF  }
0x5f: {  	_ =	shalt  }

</sc_bundles>
